<compile_context>
chip_gen: v7x
topology: tpu7x:2x2x1
jax: 0.10.2.dev20260603
libtpu: 0.0.44.dev20260713+nightly
codegen_flags: <defaults>
</compile_context>

<pallas_src>
import functools

import jax
import jax.numpy as jnp
from jax import lax
from jax.experimental import pallas as pl
from jax.experimental.pallas import tpu as pltpu
from jax.experimental.pallas import tpu_sc as plsc

_N = 10000
_E = 320000
_D = 128
_H = 128
_TD = 768
_OUT = 64

_NPAD = 10240
_NDUMMY = _NPAD - 1
_NW = 32
_CHUNK = 128
_NCH = 80
_EPT = _NCH * _CHUNK
_EPAD = _EPT * _NW
_RPT = _NPAD // 16

_BLK = 512
_NBLK = _NPAD // _BLK


def _sc_mesh():
    return plsc.VectorSubcoreMesh(core_axis_name="c", subcore_axis_name="s")


@functools.partial(
    pl.kernel,
    out_type=jax.ShapeDtypeStruct((2, _NPAD), jnp.float32),
    mesh=_sc_mesh(),
    scratch_types=[
        pltpu.VMEM((_NCH, _CHUNK), jnp.int32),
        pltpu.VMEM((_CHUNK,), jnp.float32),
        pltpu.VMEM((_RPT,), jnp.float32),
        pltpu.VMEM((_NPAD,), jnp.float32),
        pltpu.VMEM_SHARED((_NPAD,), jnp.float32),
    ],
)
def _deg_kernel(dst_hbm, deg_out, dstbuf, ones, zbuf, degbuf, sc_deg):
    cid = lax.axis_index("c")
    sid = lax.axis_index("s")
    wid = cid * 16 + sid
    z16 = jnp.zeros((16,), jnp.float32)
    o16 = jnp.ones((16,), jnp.float32)

    @pl.loop(0, _RPT // 16)
    def _(i):
        zbuf[pl.ds(i * 16, 16)] = z16

    for i in range(_CHUNK // 16):
        ones[pl.ds(i * 16, 16)] = o16

    pltpu.sync_copy(zbuf, sc_deg.at[pl.ds(sid * _RPT, _RPT)])
    pltpu.sync_copy(dst_hbm.at[wid], dstbuf)
    plsc.subcore_barrier()

    @pl.loop(0, _NCH)
    def _(j):
        pltpu.sync_copy(ones, sc_deg.at[dstbuf.at[j]], add=True)

    plsc.subcore_barrier()

    @pl.when(sid == 0)
    def _():
        pltpu.sync_copy(sc_deg, degbuf)
        pltpu.sync_copy(degbuf, deg_out.at[cid])


_GRP = 16
_NGRP = _NCH // _GRP
_OB = 32
_NOB = _RPT // _OB


@functools.partial(
    pl.kernel,
    out_type=jax.ShapeDtypeStruct((2 * _NPAD, _D), jnp.float32),
    mesh=_sc_mesh(),
    scratch_types=[
        pltpu.VMEM((_GRP, _CHUNK), jnp.int32),
        pltpu.VMEM((_GRP, _CHUNK), jnp.int32),
        pltpu.VMEM((_CHUNK, _D), jnp.float32),
        pltpu.VMEM((_CHUNK, _D), jnp.float32),
        pltpu.VMEM((_OB, _D), jnp.float32),
        pltpu.VMEM((_OB, _D), jnp.float32),
        pltpu.SemaphoreType.DMA,
        pltpu.SemaphoreType.DMA,
        pltpu.SemaphoreType.DMA,
        pltpu.SemaphoreType.DMA,
        pltpu.VMEM_SHARED((_NPAD, _D), jnp.float32),
    ],
)
def _agg_kernel(y_hbm, src_hbm, dst_hbm, parts_out,
                sgrp, dgrp, rows0, rows1, obufa, obufb,
                sem0, sem1, zsem, wsem, acc):
    cid = lax.axis_index("c")
    sid = lax.axis_index("s")
    wid = cid * 16 + sid
    z16 = jnp.zeros((16,), jnp.float32)

    @pl.loop(0, _OB)
    def _(r):
        for c in range(_D // 16):
            obufa[r, pl.ds(c * 16, 16)] = z16

    @pl.loop(0, _NOB)
    def _(k):
        pltpu.async_copy(obufa, acc.at[pl.ds(sid * _RPT + k * _OB, _OB)],
                         zsem)

    pltpu.sync_copy(src_hbm.at[wid, pl.ds(0, _GRP)], sgrp)
    pltpu.sync_copy(dst_hbm.at[wid, pl.ds(0, _GRP)], dgrp)
    pltpu.async_copy(y_hbm.at[sgrp.at[0]], rows0, sem0)

    @pl.loop(0, _NOB)
    def _(k):
        pltpu.make_async_copy(
            obufa, acc.at[pl.ds(sid * _RPT + k * _OB, _OB)], zsem).wait()

    plsc.subcore_barrier()

    @pl.loop(0, _NGRP)
    def _(g):
        @pl.when(g > 0)
        def _():
            pltpu.sync_copy(src_hbm.at[wid, pl.ds(g * _GRP, _GRP)], sgrp)
            pltpu.sync_copy(dst_hbm.at[wid, pl.ds(g * _GRP, _GRP)], dgrp)
            pltpu.async_copy(y_hbm.at[sgrp.at[0]], rows0, sem0)

        @pl.loop(0, _GRP // 2)
        def _(t):
            j = t * 2
            pltpu.make_async_copy(y_hbm.at[sgrp.at[j]], rows0, sem0).wait()
            pltpu.async_copy(y_hbm.at[sgrp.at[j + 1]], rows1, sem1)
            pltpu.sync_copy(rows0, acc.at[dgrp.at[j]], add=True)
            pltpu.make_async_copy(y_hbm.at[sgrp.at[j + 1]], rows1, sem1).wait()
            jn = (j + 2) % _GRP
            pltpu.async_copy(y_hbm.at[sgrp.at[jn]], rows0, sem0)
            pltpu.sync_copy(rows1, acc.at[dgrp.at[j + 1]], add=True)

        pltpu.make_async_copy(y_hbm.at[sgrp.at[0]], rows0, sem0).wait()

    plsc.subcore_barrier()

    @pl.loop(0, _NOB // 2)
    def _(k):
        sa = sid * _RPT + 2 * k * _OB
        sb = sa + _OB
        pltpu.sync_copy(acc.at[pl.ds(sa, _OB)], obufa)
        pltpu.async_copy(obufa, parts_out.at[pl.ds(cid * _NPAD + sa, _OB)],
                         wsem)
        pltpu.sync_copy(acc.at[pl.ds(sb, _OB)], obufb)
        pltpu.async_copy(obufb, parts_out.at[pl.ds(cid * _NPAD + sb, _OB)],
                         wsem)
        pltpu.make_async_copy(
            obufa, parts_out.at[pl.ds(cid * _NPAD + sa, _OB)], wsem).wait()
        pltpu.make_async_copy(
            obufb, parts_out.at[pl.ds(cid * _NPAD + sb, _OB)], wsem).wait()


def _dinv(da_ref, db_ref):
    return lax.rsqrt(da_ref[...] + db_ref[...] + 1.0)


def _y1_body(x_ref, da_ref, db_ref, w_ref, out_ref):
    xw = jnp.dot(x_ref[...], w_ref[...],
                 preferred_element_type=jnp.float32,
                 precision=lax.Precision.HIGHEST)
    out_ref[...] = _dinv(da_ref, db_ref) * xw


_y1_call = pl.pallas_call(
    _y1_body,
    grid=(_NBLK,),
    in_specs=[
        pl.BlockSpec((_BLK, _D), lambda i: (i, 0)),
        pl.BlockSpec((_BLK, 1), lambda i: (i, 0)),
        pl.BlockSpec((_BLK, 1), lambda i: (i + _NBLK, 0)),
        pl.BlockSpec((_D, _H), lambda i: (0, 0)),
    ],
    out_specs=pl.BlockSpec((_BLK, _H), lambda i: (i, 0)),
    out_shape=jax.ShapeDtypeStruct((_NPAD, _H), jnp.float32),
)


def _layer_body(pa_ref, pb_ref, y_ref, da_ref, db_ref, b_ref, w_ref, out_ref):
    dinv = _dinv(da_ref, db_ref)
    h = dinv * (pa_ref[...] + pb_ref[...] + y_ref[...]) + b_ref[...]
    h = jnp.maximum(h, 0.0)
    out_ref[...] = dinv * jnp.dot(h, w_ref[...],
                                  preferred_element_type=jnp.float32,
                                  precision=lax.Precision.HIGHEST)


_layer_call = pl.pallas_call(
    _layer_body,
    grid=(_NBLK,),
    in_specs=[
        pl.BlockSpec((_BLK, _H), lambda i: (i, 0)),
        pl.BlockSpec((_BLK, _H), lambda i: (i + _NBLK, 0)),
        pl.BlockSpec((_BLK, _H), lambda i: (i, 0)),
        pl.BlockSpec((_BLK, 1), lambda i: (i, 0)),
        pl.BlockSpec((_BLK, 1), lambda i: (i + _NBLK, 0)),
        pl.BlockSpec((1, _H), lambda i: (0, 0)),
        pl.BlockSpec((_H, _H), lambda i: (0, 0)),
    ],
    out_specs=pl.BlockSpec((_BLK, _H), lambda i: (i, 0)),
    out_shape=jax.ShapeDtypeStruct((_NPAD, _H), jnp.float32),
)


def _final_body(pa_ref, pb_ref, y_ref, da_ref, db_ref, b_ref, wh_ref,
                txt_ref, wt_ref, bc_ref, out_ref):
    dinv = _dinv(da_ref, db_ref)
    h2 = dinv * (pa_ref[...] + pb_ref[...] + y_ref[...]) + b_ref[...]
    const = jnp.dot(txt_ref[...], wt_ref[...],
                    preferred_element_type=jnp.float32,
                    precision=lax.Precision.HIGHEST)
    out_ref[...] = (jnp.dot(h2, wh_ref[...],
                            preferred_element_type=jnp.float32,
                            precision=lax.Precision.HIGHEST)
                    + const + bc_ref[...])


_final_call = pl.pallas_call(
    _final_body,
    grid=(_NBLK,),
    in_specs=[
        pl.BlockSpec((_BLK, _H), lambda i: (i, 0)),
        pl.BlockSpec((_BLK, _H), lambda i: (i + _NBLK, 0)),
        pl.BlockSpec((_BLK, _H), lambda i: (i, 0)),
        pl.BlockSpec((_BLK, 1), lambda i: (i, 0)),
        pl.BlockSpec((_BLK, 1), lambda i: (i + _NBLK, 0)),
        pl.BlockSpec((1, _H), lambda i: (0, 0)),
        pl.BlockSpec((_H, _OUT), lambda i: (0, 0)),
        pl.BlockSpec((1, _TD), lambda i: (0, 0)),
        pl.BlockSpec((_TD, _OUT), lambda i: (0, 0)),
        pl.BlockSpec((1, _OUT), lambda i: (0, 0)),
    ],
    out_specs=pl.BlockSpec((_BLK, _OUT), lambda i: (i, 0)),
    out_shape=jax.ShapeDtypeStruct((_NPAD, _OUT), jnp.float32),
)


def kernel(x, edge_index, text_vec, W1, b1, W2, b2, Wc, bc):
    src = edge_index[0]
    dst = edge_index[1]
    pad = _EPAD - _E
    fill = _N + (jnp.arange(pad, dtype=jnp.int32) % (_NPAD - _N))
    src_p = jnp.concatenate([src, fill]).reshape(_NW, _NCH, _CHUNK)
    dst_p = jnp.concatenate([dst, fill]).reshape(_NW, _NCH, _CHUNK)

    deg_parts = _deg_kernel(dst_p)
    deg_col = deg_parts.reshape(2 * _NPAD, 1)

    x_p = jnp.pad(x, ((0, _NPAD - _N), (0, 0)))
    y1 = _y1_call(x_p, deg_col, deg_col, W1)
    p1 = _agg_kernel(y1, src_p, dst_p)
    y2 = _layer_call(p1, p1, y1, deg_col, deg_col, b1.reshape(1, _H), W2)
    p2 = _agg_kernel(y2, src_p, dst_p)
    logits = _final_call(p2, p2, y2, deg_col, deg_col, b2.reshape(1, _H),
                         Wc[:, :_H].T, text_vec.reshape(1, _TD),
                         Wc[:, _H:].T, bc.reshape(1, _OUT))
    return logits[:_N]

# --- scband reference (transcript-rebuilt; emitter-appended) ---
"""Pipeline reference for scband-gcnplugin-14534169330304 (READ-ONLY COPY).

The authoritative reference and input builder live on the scoring server;
editing this copy changes nothing except your own understanding.
"""

import jax, jax.numpy as jnp
import numpy as np

N = 10000
E = 320000
D = 128
H = 128
TD = 768
OUT = 64


def setup_inputs(seed: int = 0) -> dict:
    key = jax.random.key(seed)
    ks = jax.random.split(key, 10)
    x = jax.random.normal(ks[0], (N, D), dtype=jnp.float32)
    edge_index = jax.random.randint(ks[1], (2, E), 0, N, dtype=jnp.int32)
    text_vec = jax.random.normal(ks[2], (TD,), dtype=jnp.float32)
    # GCNConv layer 1 params (PyG: lin weight [in, out] applied as x @ W, bias [out])
    W1 = jax.random.normal(ks[3], (D, H), dtype=jnp.float32) * (1.0 / np.sqrt(D))
    b1 = jnp.zeros((H,), dtype=jnp.float32)
    W2 = jax.random.normal(ks[4], (H, H), dtype=jnp.float32) * (1.0 / np.sqrt(H))
    b2 = jnp.zeros((H,), dtype=jnp.float32)
    # classifier: nn.Linear(hidden + text_dim, out) -> weight [OUT, H+TD], bias [OUT]
    Wc = jax.random.normal(ks[5], (OUT, H + TD), dtype=jnp.float32) * (1.0 / np.sqrt(H + TD))
    bc = jnp.zeros((OUT,), dtype=jnp.float32)
    return {"x": x, "edge_index": edge_index, "text_vec": text_vec,
            "W1": W1, "b1": b1, "W2": W2, "b2": b2, "Wc": Wc, "bc": bc}


def _gcn_conv(x, src, dst, W, b, num_nodes):
    # PyG GCNConv with add_self_loops=True, normalize=True (symmetric norm)
    xw = x @ W
    loop = jnp.arange(num_nodes, dtype=src.dtype)
    s = jnp.concatenate([src, loop])
    d = jnp.concatenate([dst, loop])
    deg = jax.ops.segment_sum(jnp.ones(s.shape[0], dtype=xw.dtype), d, num_segments=num_nodes)
    deg_inv_sqrt = jnp.where(deg > 0, deg ** -0.5, 0.0)
    norm = deg_inv_sqrt[s] * deg_inv_sqrt[d]
    msgs = xw[s] * norm[:, None]
    out = jax.ops.segment_sum(msgs, d, num_segments=num_nodes)
    return out + b


def reference(x, edge_index, text_vec, W1, b1, W2, b2, Wc, bc):
    src = edge_index[0]
    dst = edge_index[1]
    h = _gcn_conv(x, src, dst, W1, b1, N)
    h = jax.nn.relu(h)
    h = _gcn_conv(h, src, dst, W2, b2, N)
    txt = jnp.broadcast_to(text_vec[None, :], (N, TD))
    fused = jnp.concatenate([h, txt], axis=1)
    logits = fused @ Wc.T + bc
    return logits

if __name__ == "__main__":
    import jax
    _d = setup_inputs()
    print(jax.jit(kernel)(*tuple(_d.values())))

</pallas_src>

<mosaic_0001>
#map = affine_map<(d0, d1) -> (0, 0)>
#map1 = affine_map<(d0, d1) -> (0, 0, 0)>
module attributes {stable_mosaic.version = 14 : i64} {
  func.func @_agg_kernel(%arg0: i32, %arg1: i32, %arg2: memref<10240x128xf32, #tpu.memory_space<hbm>>, %arg3: memref<32x80x128xi32, #tpu.memory_space<hbm>>, %arg4: memref<32x80x128xi32, #tpu.memory_space<hbm>>, %arg5: memref<20480x128xf32, #tpu.memory_space<hbm>>, %arg6: memref<16x128xi32, #tpu.memory_space<vmem>>, %arg7: memref<16x128xi32, #tpu.memory_space<vmem>>, %arg8: memref<128x128xf32, #tpu.memory_space<vmem>>, %arg9: memref<128x128xf32, #tpu.memory_space<vmem>>, %arg10: memref<32x128xf32, #tpu.memory_space<vmem>>, %arg11: memref<32x128xf32, #tpu.memory_space<vmem>>, %arg12: memref<!tpu.dma_semaphore, #tpu.memory_space<semaphore_mem>>, %arg13: memref<!tpu.dma_semaphore, #tpu.memory_space<semaphore_mem>>, %arg14: memref<!tpu.dma_semaphore, #tpu.memory_space<semaphore_mem>>, %arg15: memref<!tpu.dma_semaphore, #tpu.memory_space<semaphore_mem>>, %arg16: memref<10240x128xf32, #tpu.memory_space<vmem_shared>>) attributes {dimension_semantics = [#tpu.dimension_semantics<core_parallel>, #tpu.dimension_semantics<subcore_parallel>], iteration_bounds = array<i64: 2, 16>, scalar_prefetch = 0 : i64, scratch_operands = 11 : i64, tpu.core_type = #tpu.core_type<sc_vector_subcore>, window_params = [{transform_indices = #map}, {transform_indices = #map1}, {transform_indices = #map1}, {transform_indices = #map}]} {
    %mul3A = arith.constant 16 : i32
    %mul3A_0 = arith.muli %arg0, %mul3A : i32
    %add3A = arith.addi %mul3A_0, %arg1 : i32
    %broadcast_in_dim3A = arith.constant 0.000000e+00 : f32
    %broadcast_in_dim3A_1 = vector.broadcast %broadcast_in_dim3A : f32 to vector<16xf32>
    %scan3A = arith.constant 0 : i32
    %scan3A_2 = arith.constant 32 : i32
    %scan3A_3 = arith.addi %scan3A, %scan3A_2 : i32
    %scan3A_4 = arith.constant 1 : i32
    scf.for %scan3A_33 = %scan3A to %scan3A_3 step %scan3A_4  : i32 {
      %mul3A_34 = arith.constant 1 : i32
      %mul3A_35 = arith.muli %scan3A_33, %mul3A_34 : i32
      %add3A_36 = arith.constant 0 : i32
      %add3A_37 = arith.addi %add3A_36, %mul3A_35 : i32
      %swap3A = arith.index_cast %add3A_37 : i32 to index
      %swap3A_38 = arith.constant 0 : index
      %swap3A_39 = tpu.vector_load %arg10[%swap3A, %swap3A_38] {strides = array<i32>} : memref<32x128xf32, #tpu.memory_space<vmem>>, vector<1x16xf32>,
      %swap3A_40 = vector.shape_cast %swap3A_39 : vector<1x16xf32> to vector<16xf32>
      %swap3A_41 = vector.shape_cast %broadcast_in_dim3A_1 : vector<16xf32> to vector<1x16xf32>
      tpu.vector_store %arg10[%swap3A, %swap3A_38], %swap3A_41 {strides = array<i32>} : memref<32x128xf32, #tpu.memory_space<vmem>>, vector<1x16xf32>,
      %swap3A_42 = arith.index_cast %add3A_37 : i32 to index
      %swap3A_43 = arith.constant 16 : index
      %swap3A_44 = tpu.vector_load %arg10[%swap3A_42, %swap3A_43] {strides = array<i32>} : memref<32x128xf32, #tpu.memory_space<vmem>>, vector<1x16xf32>,
      %swap3A_45 = vector.shape_cast %swap3A_44 : vector<1x16xf32> to vector<16xf32>
      %swap3A_46 = vector.shape_cast %broadcast_in_dim3A_1 : vector<16xf32> to vector<1x16xf32>
      tpu.vector_store %arg10[%swap3A_42, %swap3A_43], %swap3A_46 {strides = array<i32>} : memref<32x128xf32, #tpu.memory_space<vmem>>, vector<1x16xf32>,
      %swap3A_47 = arith.index_cast %add3A_37 : i32 to index
      %swap3A_48 = arith.constant 32 : index
      %swap3A_49 = tpu.vector_load %arg10[%swap3A_47, %swap3A_48] {strides = array<i32>} : memref<32x128xf32, #tpu.memory_space<vmem>>, vector<1x16xf32>,
      %swap3A_50 = vector.shape_cast %swap3A_49 : vector<1x16xf32> to vector<16xf32>
      %swap3A_51 = vector.shape_cast %broadcast_in_dim3A_1 : vector<16xf32> to vector<1x16xf32>
      tpu.vector_store %arg10[%swap3A_47, %swap3A_48], %swap3A_51 {strides = array<i32>} : memref<32x128xf32, #tpu.memory_space<vmem>>, vector<1x16xf32>,
      %swap3A_52 = arith.index_cast %add3A_37 : i32 to index
      %swap3A_53 = arith.constant 48 : index
      %swap3A_54 = tpu.vector_load %arg10[%swap3A_52, %swap3A_53] {strides = array<i32>} : memref<32x128xf32, #tpu.memory_space<vmem>>, vector<1x16xf32>,
      %swap3A_55 = vector.shape_cast %swap3A_54 : vector<1x16xf32> to vector<16xf32>
      %swap3A_56 = vector.shape_cast %broadcast_in_dim3A_1 : vector<16xf32> to vector<1x16xf32>
      tpu.vector_store %arg10[%swap3A_52, %swap3A_53], %swap3A_56 {strides = array<i32>} : memref<32x128xf32, #tpu.memory_space<vmem>>, vector<1x16xf32>,
      %swap3A_57 = arith.index_cast %add3A_37 : i32 to index
      %swap3A_58 = arith.constant 64 : index
      %swap3A_59 = tpu.vector_load %arg10[%swap3A_57, %swap3A_58] {strides = array<i32>} : memref<32x128xf32, #tpu.memory_space<vmem>>, vector<1x16xf32>,
      %swap3A_60 = vector.shape_cast %swap3A_59 : vector<1x16xf32> to vector<16xf32>
      %swap3A_61 = vector.shape_cast %broadcast_in_dim3A_1 : vector<16xf32> to vector<1x16xf32>
      tpu.vector_store %arg10[%swap3A_57, %swap3A_58], %swap3A_61 {strides = array<i32>} : memref<32x128xf32, #tpu.memory_space<vmem>>, vector<1x16xf32>,
      %swap3A_62 = arith.index_cast %add3A_37 : i32 to index
      %swap3A_63 = arith.constant 80 : index
      %swap3A_64 = tpu.vector_load %arg10[%swap3A_62, %swap3A_63] {strides = array<i32>} : memref<32x128xf32, #tpu.memory_space<vmem>>, vector<1x16xf32>,
      %swap3A_65 = vector.shape_cast %swap3A_64 : vector<1x16xf32> to vector<16xf32>
      %swap3A_66 = vector.shape_cast %broadcast_in_dim3A_1 : vector<16xf32> to vector<1x16xf32>
      tpu.vector_store %arg10[%swap3A_62, %swap3A_63], %swap3A_66 {strides = array<i32>} : memref<32x128xf32, #tpu.memory_space<vmem>>, vector<1x16xf32>,
      %swap3A_67 = arith.index_cast %add3A_37 : i32 to index
      %swap3A_68 = arith.constant 96 : index
      %swap3A_69 = tpu.vector_load %arg10[%swap3A_67, %swap3A_68] {strides = array<i32>} : memref<32x128xf32, #tpu.memory_space<vmem>>, vector<1x16xf32>,
      %swap3A_70 = vector.shape_cast %swap3A_69 : vector<1x16xf32> to vector<16xf32>
      %swap3A_71 = vector.shape_cast %broadcast_in_dim3A_1 : vector<16xf32> to vector<1x16xf32>
      tpu.vector_store %arg10[%swap3A_67, %swap3A_68], %swap3A_71 {strides = array<i32>} : memref<32x128xf32, #tpu.memory_space<vmem>>, vector<1x16xf32>,
      %swap3A_72 = arith.index_cast %add3A_37 : i32 to index
      %swap3A_73 = arith.constant 112 : index
      %swap3A_74 = tpu.vector_load %arg10[%swap3A_72, %swap3A_73] {strides = array<i32>} : memref<32x128xf32, #tpu.memory_space<vmem>>, vector<1x16xf32>,
      %swap3A_75 = vector.shape_cast %swap3A_74 : vector<1x16xf32> to vector<16xf32>
      %swap3A_76 = vector.shape_cast %broadcast_in_dim3A_1 : vector<16xf32> to vector<1x16xf32>
      tpu.vector_store %arg10[%swap3A_72, %swap3A_73], %swap3A_76 {strides = array<i32>} : memref<32x128xf32, #tpu.memory_space<vmem>>, vector<1x16xf32>,
    }
    %scan3A_5 = arith.constant 32 : i32
    %scan3A_6 = arith.constant 0 : i32
    %scan3A_7 = arith.constant 20 : i32
    %scan3A_8 = arith.addi %scan3A_6, %scan3A_7 : i32
    %scan3A_9 = arith.constant 1 : i32
    scf.for %scan3A_33 = %scan3A_6 to %scan3A_8 step %scan3A_9  : i32 {
      %mul3A_34 = arith.constant 1 : i32
      %mul3A_35 = arith.muli %scan3A_33, %mul3A_34 : i32
      %add3A_36 = arith.constant 0 : i32
      %add3A_37 = arith.addi %add3A_36, %mul3A_35 : i32
      %mul3A_38 = arith.constant 640 : i32
      %mul3A_39 = arith.muli %arg1, %mul3A_38 : i32
      %mul3A_40 = arith.constant 32 : i32
      %mul3A_41 = arith.muli %add3A_37, %mul3A_40 : i32
      %add3A_42 = arith.addi %mul3A_39, %mul3A_41 : i32
      %dma_start3A_43 = arith.constant 0 : i32
      %dma_start3A_44 = tpu.memref_slice %arg16[%add3A_42, %dma_start3A_43] : memref<10240x128xf32, #tpu.memory_space<vmem_shared>> -> memref<32x128xf32, #tpu.memory_space<vmem_shared>>
      %dma_start3A_45 = arith.constant 0 : i32
      %dma_start3A_46 = tpu.memref_slice %arg16[%add3A_42, %dma_start3A_45] : memref<10240x128xf32, #tpu.memory_space<vmem_shared>> -> memref<32x128xf32, #tpu.memory_space<vmem_shared>>
      tpu.enqueue_dma source(%arg10 : memref<32x128xf32, #tpu.memory_space<vmem>>) target(%dma_start3A_46 : memref<32x128xf32, #tpu.memory_space<vmem_shared>>) target_semaphore(%arg14 : memref<!tpu.dma_semaphore, #tpu.memory_space<semaphore_mem>>)
    }
    %scan3A_10 = arith.constant 20 : i32
    "tpu.region"() ({
      %run_scoped3A = tpu.sem_alloc : memref<!tpu.dma_semaphore, #tpu.memory_space<semaphore_mem>>
      %dma_start3A_33 = arith.constant 0 : i32
      %dma_start3A_34 = arith.constant 0 : i32
      %dma_start3A_35 = tpu.memref_slice %arg3[%add3A, %dma_start3A_33, %dma_start3A_34] : memref<32x80x128xi32, #tpu.memory_space<hbm>> -> memref<1x16x128xi32, #tpu.memory_space<hbm>>
      %dma_start3A_36 = tpu.memref_squeeze %dma_start3A_35 : memref<1x16x128xi32, #tpu.memory_space<hbm>> -> memref<16x128xi32, #tpu.memory_space<hbm>>
      %dma_start3A_37 = arith.constant 0 : i32
      %dma_start3A_38 = arith.constant 0 : i32
      %dma_start3A_39 = tpu.memref_slice %arg3[%add3A, %dma_start3A_37, %dma_start3A_38] : memref<32x80x128xi32, #tpu.memory_space<hbm>> -> memref<1x16x128xi32, #tpu.memory_space<hbm>>
      %dma_start3A_40 = tpu.memref_squeeze %dma_start3A_39 : memref<1x16x128xi32, #tpu.memory_space<hbm>> -> memref<16x128xi32, #tpu.memory_space<hbm>>
      tpu.enqueue_dma source(%dma_start3A_40 : memref<16x128xi32, #tpu.memory_space<hbm>>) target(%arg6 : memref<16x128xi32, #tpu.memory_space<vmem>>) target_semaphore(%run_scoped3A : memref<!tpu.dma_semaphore, #tpu.memory_space<semaphore_mem>>)
      %dma_wait3A = arith.constant 0 : i32
      %dma_wait3A_41 = arith.constant 0 : i32
      %dma_wait3A_42 = tpu.memref_slice %arg3[%add3A, %dma_wait3A, %dma_wait3A_41] : memref<32x80x128xi32, #tpu.memory_space<hbm>> -> memref<1x16x128xi32, #tpu.memory_space<hbm>>
      %dma_wait3A_43 = tpu.memref_squeeze %dma_wait3A_42 : memref<1x16x128xi32, #tpu.memory_space<hbm>> -> memref<16x128xi32, #tpu.memory_space<hbm>>
      %dma_wait3A_44 = arith.constant 0 : i32
      %dma_wait3A_45 = arith.constant 0 : i32
      %dma_wait3A_46 = tpu.memref_slice %arg3[%add3A, %dma_wait3A_44, %dma_wait3A_45] : memref<32x80x128xi32, #tpu.memory_space<hbm>> -> memref<1x16x128xi32, #tpu.memory_space<hbm>>
      %dma_wait3A_47 = tpu.memref_squeeze %dma_wait3A_46 : memref<1x16x128xi32, #tpu.memory_space<hbm>> -> memref<16x128xi32, #tpu.memory_space<hbm>>
      tpu.wait_dma2 semaphore(%run_scoped3A : memref<!tpu.dma_semaphore, #tpu.memory_space<semaphore_mem>>) src(%dma_wait3A_47 : memref<16x128xi32, #tpu.memory_space<hbm>>) dst(%arg6 : memref<16x128xi32, #tpu.memory_space<vmem>>)
      tpu.yield
    }) : () -> ()
    "tpu.region"() ({
      %run_scoped3A = tpu.sem_alloc : memref<!tpu.dma_semaphore, #tpu.memory_space<semaphore_mem>>
      %dma_start3A_33 = arith.constant 0 : i32
      %dma_start3A_34 = arith.constant 0 : i32
      %dma_start3A_35 = tpu.memref_slice %arg4[%add3A, %dma_start3A_33, %dma_start3A_34] : memref<32x80x128xi32, #tpu.memory_space<hbm>> -> memref<1x16x128xi32, #tpu.memory_space<hbm>>
      %dma_start3A_36 = tpu.memref_squeeze %dma_start3A_35 : memref<1x16x128xi32, #tpu.memory_space<hbm>> -> memref<16x128xi32, #tpu.memory_space<hbm>>
      %dma_start3A_37 = arith.constant 0 : i32
      %dma_start3A_38 = arith.constant 0 : i32
      %dma_start3A_39 = tpu.memref_slice %arg4[%add3A, %dma_start3A_37, %dma_start3A_38] : memref<32x80x128xi32, #tpu.memory_space<hbm>> -> memref<1x16x128xi32, #tpu.memory_space<hbm>>
      %dma_start3A_40 = tpu.memref_squeeze %dma_start3A_39 : memref<1x16x128xi32, #tpu.memory_space<hbm>> -> memref<16x128xi32, #tpu.memory_space<hbm>>
      tpu.enqueue_dma source(%dma_start3A_40 : memref<16x128xi32, #tpu.memory_space<hbm>>) target(%arg7 : memref<16x128xi32, #tpu.memory_space<vmem>>) target_semaphore(%run_scoped3A : memref<!tpu.dma_semaphore, #tpu.memory_space<semaphore_mem>>)
      %dma_wait3A = arith.constant 0 : i32
      %dma_wait3A_41 = arith.constant 0 : i32
      %dma_wait3A_42 = tpu.memref_slice %arg4[%add3A, %dma_wait3A, %dma_wait3A_41] : memref<32x80x128xi32, #tpu.memory_space<hbm>> -> memref<1x16x128xi32, #tpu.memory_space<hbm>>
      %dma_wait3A_43 = tpu.memref_squeeze %dma_wait3A_42 : memref<1x16x128xi32, #tpu.memory_space<hbm>> -> memref<16x128xi32, #tpu.memory_space<hbm>>
      %dma_wait3A_44 = arith.constant 0 : i32
      %dma_wait3A_45 = arith.constant 0 : i32
      %dma_wait3A_46 = tpu.memref_slice %arg4[%add3A, %dma_wait3A_44, %dma_wait3A_45] : memref<32x80x128xi32, #tpu.memory_space<hbm>> -> memref<1x16x128xi32, #tpu.memory_space<hbm>>
      %dma_wait3A_47 = tpu.memref_squeeze %dma_wait3A_46 : memref<1x16x128xi32, #tpu.memory_space<hbm>> -> memref<16x128xi32, #tpu.memory_space<hbm>>
      tpu.wait_dma2 semaphore(%run_scoped3A : memref<!tpu.dma_semaphore, #tpu.memory_space<semaphore_mem>>) src(%dma_wait3A_47 : memref<16x128xi32, #tpu.memory_space<hbm>>) dst(%arg7 : memref<16x128xi32, #tpu.memory_space<vmem>>)
      tpu.yield
    }) : () -> ()
    %dma_start3A = arith.constant 0 : i32
    %dma_start3A_11 = arith.constant 0 : i32
    %dma_start3A_12 = tpu.memref_slice %arg6[%dma_start3A, %dma_start3A_11] : memref<16x128xi32, #tpu.memory_space<vmem>> -> memref<1x128xi32, #tpu.memory_space<vmem>>
    %dma_start3A_13 = tpu.memref_squeeze %dma_start3A_12 : memref<1x128xi32, #tpu.memory_space<vmem>> -> memref<128xi32, #tpu.memory_space<vmem>>
    %dma_start3A_14 = arith.constant 0 : i32
    %dma_start3A_15 = arith.constant 0 : i32
    %dma_start3A_16 = tpu.memref_slice %arg2[%dma_start3A_14, %dma_start3A_15] : memref<10240x128xf32, #tpu.memory_space<hbm>> -> memref<10240x128xf32, #tpu.memory_space<hbm>>
    tpu.enqueue_indirect_dma source(%dma_start3A_16 : memref<10240x128xf32, #tpu.memory_space<hbm>>) target(%arg8 : memref<128x128xf32, #tpu.memory_space<vmem>>) offsets(%dma_start3A_13 : memref<128xi32, #tpu.memory_space<vmem>>) semaphore(%arg12 : memref<!tpu.dma_semaphore, #tpu.memory_space<semaphore_mem>>)
    %scan3A_17 = arith.constant 0 : i32
    %scan3A_18 = arith.constant 20 : i32
    %scan3A_19 = arith.addi %scan3A_17, %scan3A_18 : i32
    %scan3A_20 = arith.constant 1 : i32
    scf.for %scan3A_33 = %scan3A_17 to %scan3A_19 step %scan3A_20  : i32 {
      %mul3A_34 = arith.constant 1 : i32
      %mul3A_35 = arith.muli %scan3A_33, %mul3A_34 : i32
      %add3A_36 = arith.constant 0 : i32
      %add3A_37 = arith.addi %add3A_36, %mul3A_35 : i32
      %mul3A_38 = arith.constant 640 : i32
      %mul3A_39 = arith.muli %arg1, %mul3A_38 : i32
      %mul3A_40 = arith.constant 32 : i32
      %mul3A_41 = arith.muli %add3A_37, %mul3A_40 : i32
      %add3A_42 = arith.addi %mul3A_39, %mul3A_41 : i32
      %dma_wait3A = arith.constant 0 : i32
      %dma_wait3A_43 = tpu.memref_slice %arg16[%add3A_42, %dma_wait3A] : memref<10240x128xf32, #tpu.memory_space<vmem_shared>> -> memref<32x128xf32, #tpu.memory_space<vmem_shared>>
      %dma_wait3A_44 = arith.constant 0 : i32
      %dma_wait3A_45 = tpu.memref_slice %arg16[%add3A_42, %dma_wait3A_44] : memref<10240x128xf32, #tpu.memory_space<vmem_shared>> -> memref<32x128xf32, #tpu.memory_space<vmem_shared>>
      tpu.wait_dma2 semaphore(%arg14 : memref<!tpu.dma_semaphore, #tpu.memory_space<semaphore_mem>>) src(%arg10 : memref<32x128xf32, #tpu.memory_space<vmem>>) dst(%dma_wait3A_45 : memref<32x128xf32, #tpu.memory_space<vmem_shared>>)
    }
    %scan3A_21 = arith.constant 20 : i32
    %barrier3A = arith.constant 0 : index
    tpu.barrier barrier_id(%barrier3A)
    %scan3A_22 = arith.constant 0 : i32
    %scan3A_23 = arith.constant 5 : i32
    %scan3A_24 = arith.addi %scan3A_22, %scan3A_23 : i32
    %scan3A_25 = arith.constant 1 : i32
    scf.for %scan3A_33 = %scan3A_22 to %scan3A_24 step %scan3A_25  : i32 {
      %mul3A_34 = arith.constant 1 : i32
      %mul3A_35 = arith.muli %scan3A_33, %mul3A_34 : i32
      %add3A_36 = arith.constant 0 : i32
      %add3A_37 = arith.addi %add3A_36, %mul3A_35 : i32
      %gt3A = arith.constant 0 : i32
      %gt3A_38 = arith.cmpi sgt, %add3A_37, %gt3A : i32
      %convert_element_type3A = arith.extui %gt3A_38 : i1 to i32
      %cond3A = arith.constant 0 : i32
      %cond3A_39 = arith.cmpi ne, %convert_element_type3A, %cond3A : i32
      scf.if %cond3A_39 {
        %mul3A_51 = arith.constant 16 : i32
        %mul3A_52 = arith.muli %add3A_37, %mul3A_51 : i32
        "tpu.region"() ({
          %run_scoped3A = tpu.sem_alloc : memref<!tpu.dma_semaphore, #tpu.memory_space<semaphore_mem>>
          %dma_start3A_62 = arith.constant 0 : i32
          %dma_start3A_63 = tpu.memref_slice %arg3[%add3A, %mul3A_52, %dma_start3A_62] : memref<32x80x128xi32, #tpu.memory_space<hbm>> -> memref<1x16x128xi32, #tpu.memory_space<hbm>>
          %dma_start3A_64 = tpu.memref_squeeze %dma_start3A_63 : memref<1x16x128xi32, #tpu.memory_space<hbm>> -> memref<16x128xi32, #tpu.memory_space<hbm>>
          %dma_start3A_65 = arith.constant 0 : i32
          %dma_start3A_66 = tpu.memref_slice %arg3[%add3A, %mul3A_52, %dma_start3A_65] : memref<32x80x128xi32, #tpu.memory_space<hbm>> -> memref<1x16x128xi32, #tpu.memory_space<hbm>>
          %dma_start3A_67 = tpu.memref_squeeze %dma_start3A_66 : memref<1x16x128xi32, #tpu.memory_space<hbm>> -> memref<16x128xi32, #tpu.memory_space<hbm>>
          tpu.enqueue_dma source(%dma_start3A_67 : memref<16x128xi32, #tpu.memory_space<hbm>>) target(%arg6 : memref<16x128xi32, #tpu.memory_space<vmem>>) target_semaphore(%run_scoped3A : memref<!tpu.dma_semaphore, #tpu.memory_space<semaphore_mem>>)
          %dma_wait3A_68 = arith.constant 0 : i32
          %dma_wait3A_69 = tpu.memref_slice %arg3[%add3A, %mul3A_52, %dma_wait3A_68] : memref<32x80x128xi32, #tpu.memory_space<hbm>> -> memref<1x16x128xi32, #tpu.memory_space<hbm>>
          %dma_wait3A_70 = tpu.memref_squeeze %dma_wait3A_69 : memref<1x16x128xi32, #tpu.memory_space<hbm>> -> memref<16x128xi32, #tpu.memory_space<hbm>>
          %dma_wait3A_71 = arith.constant 0 : i32
          %dma_wait3A_72 = tpu.memref_slice %arg3[%add3A, %mul3A_52, %dma_wait3A_71] : memref<32x80x128xi32, #tpu.memory_space<hbm>> -> memref<1x16x128xi32, #tpu.memory_space<hbm>>
          %dma_wait3A_73 = tpu.memref_squeeze %dma_wait3A_72 : memref<1x16x128xi32, #tpu.memory_space<hbm>> -> memref<16x128xi32, #tpu.memory_space<hbm>>
          tpu.wait_dma2 semaphore(%run_scoped3A : memref<!tpu.dma_semaphore, #tpu.memory_space<semaphore_mem>>) src(%dma_wait3A_73 : memref<16x128xi32, #tpu.memory_space<hbm>>) dst(%arg6 : memref<16x128xi32, #tpu.memory_space<vmem>>)
          tpu.yield
        }) : () -> ()
        %mul3A_53 = arith.constant 16 : i32
        %mul3A_54 = arith.muli %add3A_37, %mul3A_53 : i32
        "tpu.region"() ({
          %run_scoped3A = tpu.sem_alloc : memref<!tpu.dma_semaphore, #tpu.memory_space<semaphore_mem>>
          %dma_start3A_62 = arith.constant 0 : i32
          %dma_start3A_63 = tpu.memref_slice %arg4[%add3A, %mul3A_54, %dma_start3A_62] : memref<32x80x128xi32, #tpu.memory_space<hbm>> -> memref<1x16x128xi32, #tpu.memory_space<hbm>>
          %dma_start3A_64 = tpu.memref_squeeze %dma_start3A_63 : memref<1x16x128xi32, #tpu.memory_space<hbm>> -> memref<16x128xi32, #tpu.memory_space<hbm>>
          %dma_start3A_65 = arith.constant 0 : i32
          %dma_start3A_66 = tpu.memref_slice %arg4[%add3A, %mul3A_54, %dma_start3A_65] : memref<32x80x128xi32, #tpu.memory_space<hbm>> -> memref<1x16x128xi32, #tpu.memory_space<hbm>>
          %dma_start3A_67 = tpu.memref_squeeze %dma_start3A_66 : memref<1x16x128xi32, #tpu.memory_space<hbm>> -> memref<16x128xi32, #tpu.memory_space<hbm>>
          tpu.enqueue_dma source(%dma_start3A_67 : memref<16x128xi32, #tpu.memory_space<hbm>>) target(%arg7 : memref<16x128xi32, #tpu.memory_space<vmem>>) target_semaphore(%run_scoped3A : memref<!tpu.dma_semaphore, #tpu.memory_space<semaphore_mem>>)
          %dma_wait3A_68 = arith.constant 0 : i32
          %dma_wait3A_69 = tpu.memref_slice %arg4[%add3A, %mul3A_54, %dma_wait3A_68] : memref<32x80x128xi32, #tpu.memory_space<hbm>> -> memref<1x16x128xi32, #tpu.memory_space<hbm>>
          %dma_wait3A_70 = tpu.memref_squeeze %dma_wait3A_69 : memref<1x16x128xi32, #tpu.memory_space<hbm>> -> memref<16x128xi32, #tpu.memory_space<hbm>>
          %dma_wait3A_71 = arith.constant 0 : i32
          %dma_wait3A_72 = tpu.memref_slice %arg4[%add3A, %mul3A_54, %dma_wait3A_71] : memref<32x80x128xi32, #tpu.memory_space<hbm>> -> memref<1x16x128xi32, #tpu.memory_space<hbm>>
          %dma_wait3A_73 = tpu.memref_squeeze %dma_wait3A_72 : memref<1x16x128xi32, #tpu.memory_space<hbm>> -> memref<16x128xi32, #tpu.memory_space<hbm>>
          tpu.wait_dma2 semaphore(%run_scoped3A : memref<!tpu.dma_semaphore, #tpu.memory_space<semaphore_mem>>) src(%dma_wait3A_73 : memref<16x128xi32, #tpu.memory_space<hbm>>) dst(%arg7 : memref<16x128xi32, #tpu.memory_space<vmem>>)
          tpu.yield
        }) : () -> ()
        %dma_start3A_55 = arith.constant 0 : i32
        %dma_start3A_56 = arith.constant 0 : i32
        %dma_start3A_57 = tpu.memref_slice %arg6[%dma_start3A_55, %dma_start3A_56] : memref<16x128xi32, #tpu.memory_space<vmem>> -> memref<1x128xi32, #tpu.memory_space<vmem>>
        %dma_start3A_58 = tpu.memref_squeeze %dma_start3A_57 : memref<1x128xi32, #tpu.memory_space<vmem>> -> memref<128xi32, #tpu.memory_space<vmem>>
        %dma_start3A_59 = arith.constant 0 : i32
        %dma_start3A_60 = arith.constant 0 : i32
        %dma_start3A_61 = tpu.memref_slice %arg2[%dma_start3A_59, %dma_start3A_60] : memref<10240x128xf32, #tpu.memory_space<hbm>> -> memref<10240x128xf32, #tpu.memory_space<hbm>>
        tpu.enqueue_indirect_dma source(%dma_start3A_61 : memref<10240x128xf32, #tpu.memory_space<hbm>>) target(%arg8 : memref<128x128xf32, #tpu.memory_space<vmem>>) offsets(%dma_start3A_58 : memref<128xi32, #tpu.memory_space<vmem>>) semaphore(%arg12 : memref<!tpu.dma_semaphore, #tpu.memory_space<semaphore_mem>>)
      } else {
      }
      %scan3A_40 = arith.constant 0 : i32
      %scan3A_41 = arith.constant 8 : i32
      %scan3A_42 = arith.addi %scan3A_40, %scan3A_41 : i32
      %scan3A_43 = arith.constant 1 : i32
      scf.for %scan3A_51 = %scan3A_40 to %scan3A_42 step %scan3A_43  : i32 {
        %mul3A_52 = arith.constant 1 : i32
        %mul3A_53 = arith.muli %scan3A_51, %mul3A_52 : i32
        %add3A_54 = arith.constant 0 : i32
        %add3A_55 = arith.addi %add3A_54, %mul3A_53 : i32
        %mul3A_56 = arith.constant 2 : i32
        %mul3A_57 = arith.muli %add3A_55, %mul3A_56 : i32
        %dma_wait3A_58 = arith.constant 0 : i32
        %dma_wait3A_59 = tpu.memref_slice %arg6[%mul3A_57, %dma_wait3A_58] : memref<16x128xi32, #tpu.memory_space<vmem>> -> memref<1x128xi32, #tpu.memory_space<vmem>>
        %dma_wait3A_60 = tpu.memref_squeeze %dma_wait3A_59 : memref<1x128xi32, #tpu.memory_space<vmem>> -> memref<128xi32, #tpu.memory_space<vmem>>
        %dma_wait3A_61 = arith.constant 0 : i32
        %dma_wait3A_62 = arith.constant 0 : i32
        %dma_wait3A_63 = tpu.memref_slice %arg2[%dma_wait3A_61, %dma_wait3A_62] : memref<10240x128xf32, #tpu.memory_space<hbm>> -> memref<10240x128xf32, #tpu.memory_space<hbm>>
        tpu.wait_indirect_dma semaphore(%arg12 : memref<!tpu.dma_semaphore, #tpu.memory_space<semaphore_mem>>) src(%dma_wait3A_63 : memref<10240x128xf32, #tpu.memory_space<hbm>>) dst(%arg8 : memref<128x128xf32, #tpu.memory_space<vmem>>)
        %add3A_64 = arith.constant 1 : i32
        %add3A_65 = arith.addi %mul3A_57, %add3A_64 : i32
        %dma_start3A_66 = arith.constant 0 : i32
        %dma_start3A_67 = tpu.memref_slice %arg6[%add3A_65, %dma_start3A_66] : memref<16x128xi32, #tpu.memory_space<vmem>> -> memref<1x128xi32, #tpu.memory_space<vmem>>
        %dma_start3A_68 = tpu.memref_squeeze %dma_start3A_67 : memref<1x128xi32, #tpu.memory_space<vmem>> -> memref<128xi32, #tpu.memory_space<vmem>>
        %dma_start3A_69 = arith.constant 0 : i32
        %dma_start3A_70 = arith.constant 0 : i32
        %dma_start3A_71 = tpu.memref_slice %arg2[%dma_start3A_69, %dma_start3A_70] : memref<10240x128xf32, #tpu.memory_space<hbm>> -> memref<10240x128xf32, #tpu.memory_space<hbm>>
        tpu.enqueue_indirect_dma source(%dma_start3A_71 : memref<10240x128xf32, #tpu.memory_space<hbm>>) target(%arg9 : memref<128x128xf32, #tpu.memory_space<vmem>>) offsets(%dma_start3A_68 : memref<128xi32, #tpu.memory_space<vmem>>) semaphore(%arg13 : memref<!tpu.dma_semaphore, #tpu.memory_space<semaphore_mem>>)
        "tpu.region"() ({
          %run_scoped3A = tpu.sem_alloc : memref<!tpu.dma_semaphore, #tpu.memory_space<semaphore_mem>>
          %dma_start3A_99 = arith.constant 0 : i32
          %dma_start3A_100 = tpu.memref_slice %arg7[%mul3A_57, %dma_start3A_99] : memref<16x128xi32, #tpu.memory_space<vmem>> -> memref<1x128xi32, #tpu.memory_space<vmem>>
          %dma_start3A_101 = tpu.memref_squeeze %dma_start3A_100 : memref<1x128xi32, #tpu.memory_space<vmem>> -> memref<128xi32, #tpu.memory_space<vmem>>
          %dma_start3A_102 = arith.constant 0 : i32
          %dma_start3A_103 = arith.constant 0 : i32
          %dma_start3A_104 = tpu.memref_slice %arg16[%dma_start3A_102, %dma_start3A_103] : memref<10240x128xf32, #tpu.memory_space<vmem_shared>> -> memref<10240x128xf32, #tpu.memory_space<vmem_shared>>
          tpu.enqueue_indirect_dma source(%arg8 : memref<128x128xf32, #tpu.memory_space<vmem>>) target(%dma_start3A_104 : memref<10240x128xf32, #tpu.memory_space<vmem_shared>>) offsets(%dma_start3A_101 : memref<128xi32, #tpu.memory_space<vmem>>) semaphore(%run_scoped3A : memref<!tpu.dma_semaphore, #tpu.memory_space<semaphore_mem>>) {add = true}
          %dma_wait3A_105 = arith.constant 0 : i32
          %dma_wait3A_106 = tpu.memref_slice %arg7[%mul3A_57, %dma_wait3A_105] : memref<16x128xi32, #tpu.memory_space<vmem>> -> memref<1x128xi32, #tpu.memory_space<vmem>>
          %dma_wait3A_107 = tpu.memref_squeeze %dma_wait3A_106 : memref<1x128xi32, #tpu.memory_space<vmem>> -> memref<128xi32, #tpu.memory_space<vmem>>
          %dma_wait3A_108 = arith.constant 0 : i32
          %dma_wait3A_109 = arith.constant 0 : i32
          %dma_wait3A_110 = tpu.memref_slice %arg16[%dma_wait3A_108, %dma_wait3A_109] : memref<10240x128xf32, #tpu.memory_space<vmem_shared>> -> memref<10240x128xf32, #tpu.memory_space<vmem_shared>>
          tpu.wait_indirect_dma semaphore(%run_scoped3A : memref<!tpu.dma_semaphore, #tpu.memory_space<semaphore_mem>>) src(%arg8 : memref<128x128xf32, #tpu.memory_space<vmem>>) dst(%dma_wait3A_110 : memref<10240x128xf32, #tpu.memory_space<vmem_shared>>)
          tpu.yield
        }) : () -> ()
        %add3A_72 = arith.constant 1 : i32
        %add3A_73 = arith.addi %mul3A_57, %add3A_72 : i32
        %dma_wait3A_74 = arith.constant 0 : i32
        %dma_wait3A_75 = tpu.memref_slice %arg6[%add3A_73, %dma_wait3A_74] : memref<16x128xi32, #tpu.memory_space<vmem>> -> memref<1x128xi32, #tpu.memory_space<vmem>>
        %dma_wait3A_76 = tpu.memref_squeeze %dma_wait3A_75 : memref<1x128xi32, #tpu.memory_space<vmem>> -> memref<128xi32, #tpu.memory_space<vmem>>
        %dma_wait3A_77 = arith.constant 0 : i32
        %dma_wait3A_78 = arith.constant 0 : i32
        %dma_wait3A_79 = tpu.memref_slice %arg2[%dma_wait3A_77, %dma_wait3A_78] : memref<10240x128xf32, #tpu.memory_space<hbm>> -> memref<10240x128xf32, #tpu.memory_space<hbm>>
        tpu.wait_indirect_dma semaphore(%arg13 : memref<!tpu.dma_semaphore, #tpu.memory_space<semaphore_mem>>) src(%dma_wait3A_79 : memref<10240x128xf32, #tpu.memory_space<hbm>>) dst(%arg9 : memref<128x128xf32, #tpu.memory_space<vmem>>)
        %add3A_80 = arith.constant 2 : i32
        %add3A_81 = arith.addi %mul3A_57, %add3A_80 : i32
        %jit3A = arith.constant 16 : i32
        %eq3A = arith.constant 0 : i32
        %eq3A_82 = arith.cmpi eq, %jit3A, %eq3A : i32
        %jit3A_83 = arith.constant 1 : i32
        %select_n3A = arith.select %eq3A_82, %jit3A_83, %jit3A : i32
        %rem3A = arith.remsi %add3A_81, %select_n3A : i32
        %ne3A = arith.constant 0 : i32
        %ne3A_84 = arith.cmpi ne, %rem3A, %ne3A : i32
        %lt3A = arith.constant 0 : i32
        %lt3A_85 = arith.cmpi slt, %rem3A, %lt3A : i32
        %lt3A_86 = arith.constant 0 : i32
        %lt3A_87 = arith.cmpi slt, %select_n3A, %lt3A_86 : i32
        %ne3A_88 = arith.xori %lt3A_85, %lt3A_87 : i1
        %and3A = arith.andi %ne3A_88, %ne3A_84 : i1
        %add3A_89 = arith.addi %rem3A, %select_n3A : i32
        %select_n3A_90 = arith.select %and3A, %add3A_89, %rem3A : i32
        %dma_start3A_91 = arith.constant 0 : i32
        %dma_start3A_92 = tpu.memref_slice %arg6[%select_n3A_90, %dma_start3A_91] : memref<16x128xi32, #tpu.memory_space<vmem>> -> memref<1x128xi32, #tpu.memory_space<vmem>>
        %dma_start3A_93 = tpu.memref_squeeze %dma_start3A_92 : memref<1x128xi32, #tpu.memory_space<vmem>> -> memref<128xi32, #tpu.memory_space<vmem>>
        %dma_start3A_94 = arith.constant 0 : i32
        %dma_start3A_95 = arith.constant 0 : i32
        %dma_start3A_96 = tpu.memref_slice %arg2[%dma_start3A_94, %dma_start3A_95] : memref<10240x128xf32, #tpu.memory_space<hbm>> -> memref<10240x128xf32, #tpu.memory_space<hbm>>
        tpu.enqueue_indirect_dma source(%dma_start3A_96 : memref<10240x128xf32, #tpu.memory_space<hbm>>) target(%arg8 : memref<128x128xf32, #tpu.memory_space<vmem>>) offsets(%dma_start3A_93 : memref<128xi32, #tpu.memory_space<vmem>>) semaphore(%arg12 : memref<!tpu.dma_semaphore, #tpu.memory_space<semaphore_mem>>)
        %add3A_97 = arith.constant 1 : i32
        %add3A_98 = arith.addi %mul3A_57, %add3A_97 : i32
        "tpu.region"() ({
          %run_scoped3A = tpu.sem_alloc : memref<!tpu.dma_semaphore, #tpu.memory_space<semaphore_mem>>
          %dma_start3A_99 = arith.constant 0 : i32
          %dma_start3A_100 = tpu.memref_slice %arg7[%add3A_98, %dma_start3A_99] : memref<16x128xi32, #tpu.memory_space<vmem>> -> memref<1x128xi32, #tpu.memory_space<vmem>>
          %dma_start3A_101 = tpu.memref_squeeze %dma_start3A_100 : memref<1x128xi32, #tpu.memory_space<vmem>> -> memref<128xi32, #tpu.memory_space<vmem>>
          %dma_start3A_102 = arith.constant 0 : i32
          %dma_start3A_103 = arith.constant 0 : i32
          %dma_start3A_104 = tpu.memref_slice %arg16[%dma_start3A_102, %dma_start3A_103] : memref<10240x128xf32, #tpu.memory_space<vmem_shared>> -> memref<10240x128xf32, #tpu.memory_space<vmem_shared>>
          tpu.enqueue_indirect_dma source(%arg9 : memref<128x128xf32, #tpu.memory_space<vmem>>) target(%dma_start3A_104 : memref<10240x128xf32, #tpu.memory_space<vmem_shared>>) offsets(%dma_start3A_101 : memref<128xi32, #tpu.memory_space<vmem>>) semaphore(%run_scoped3A : memref<!tpu.dma_semaphore, #tpu.memory_space<semaphore_mem>>) {add = true}
          %dma_wait3A_105 = arith.constant 0 : i32
          %dma_wait3A_106 = tpu.memref_slice %arg7[%add3A_98, %dma_wait3A_105] : memref<16x128xi32, #tpu.memory_space<vmem>> -> memref<1x128xi32, #tpu.memory_space<vmem>>
          %dma_wait3A_107 = tpu.memref_squeeze %dma_wait3A_106 : memref<1x128xi32, #tpu.memory_space<vmem>> -> memref<128xi32, #tpu.memory_space<vmem>>
          %dma_wait3A_108 = arith.constant 0 : i32
          %dma_wait3A_109 = arith.constant 0 : i32
          %dma_wait3A_110 = tpu.memref_slice %arg16[%dma_wait3A_108, %dma_wait3A_109] : memref<10240x128xf32, #tpu.memory_space<vmem_shared>> -> memref<10240x128xf32, #tpu.memory_space<vmem_shared>>
          tpu.wait_indirect_dma semaphore(%run_scoped3A : memref<!tpu.dma_semaphore, #tpu.memory_space<semaphore_mem>>) src(%arg9 : memref<128x128xf32, #tpu.memory_space<vmem>>) dst(%dma_wait3A_110 : memref<10240x128xf32, #tpu.memory_space<vmem_shared>>)
          tpu.yield
        }) : () -> ()
      }
      %scan3A_44 = arith.constant 8 : i32
      %dma_wait3A = arith.constant 0 : i32
      %dma_wait3A_45 = arith.constant 0 : i32
      %dma_wait3A_46 = tpu.memref_slice %arg6[%dma_wait3A, %dma_wait3A_45] : memref<16x128xi32, #tpu.memory_space<vmem>> -> memref<1x128xi32, #tpu.memory_space<vmem>>
      %dma_wait3A_47 = tpu.memref_squeeze %dma_wait3A_46 : memref<1x128xi32, #tpu.memory_space<vmem>> -> memref<128xi32, #tpu.memory_space<vmem>>
      %dma_wait3A_48 = arith.constant 0 : i32
      %dma_wait3A_49 = arith.constant 0 : i32
      %dma_wait3A_50 = tpu.memref_slice %arg2[%dma_wait3A_48, %dma_wait3A_49] : memref<10240x128xf32, #tpu.memory_space<hbm>> -> memref<10240x128xf32, #tpu.memory_space<hbm>>
      tpu.wait_indirect_dma semaphore(%arg12 : memref<!tpu.dma_semaphore, #tpu.memory_space<semaphore_mem>>) src(%dma_wait3A_50 : memref<10240x128xf32, #tpu.memory_space<hbm>>) dst(%arg8 : memref<128x128xf32, #tpu.memory_space<vmem>>)
    }
    %scan3A_26 = arith.constant 5 : i32
    %barrier3A_27 = arith.constant 0 : index
    tpu.barrier barrier_id(%barrier3A_27)
    %scan3A_28 = arith.constant 0 : i32
    %scan3A_29 = arith.constant 10 : i32
    %scan3A_30 = arith.addi %scan3A_28, %scan3A_29 : i32
    %scan3A_31 = arith.constant 1 : i32
    scf.for %scan3A_33 = %scan3A_28 to %scan3A_30 step %scan3A_31  : i32 {
      %mul3A_34 = arith.constant 1 : i32
      %mul3A_35 = arith.muli %scan3A_33, %mul3A_34 : i32
      %add3A_36 = arith.constant 0 : i32
      %add3A_37 = arith.addi %add3A_36, %mul3A_35 : i32
      %mul3A_38 = arith.constant 640 : i32
      %mul3A_39 = arith.muli %arg1, %mul3A_38 : i32
      %mul3A_40 = arith.constant 2 : i32
      %mul3A_41 = arith.muli %mul3A_40, %add3A_37 : i32
      %mul3A_42 = arith.constant 32 : i32
      %mul3A_43 = arith.muli %mul3A_41, %mul3A_42 : i32
      %add3A_44 = arith.addi %mul3A_39, %mul3A_43 : i32
      %add3A_45 = arith.constant 32 : i32
      %add3A_46 = arith.addi %add3A_44, %add3A_45 : i32
      "tpu.region"() ({
        %run_scoped3A = tpu.sem_alloc : memref<!tpu.dma_semaphore, #tpu.memory_space<semaphore_mem>>
        %dma_start3A_74 = arith.constant 0 : i32
        %dma_start3A_75 = tpu.memref_slice %arg16[%add3A_44, %dma_start3A_74] : memref<10240x128xf32, #tpu.memory_space<vmem_shared>> -> memref<32x128xf32, #tpu.memory_space<vmem_shared>>
        %dma_start3A_76 = arith.constant 0 : i32
        %dma_start3A_77 = tpu.memref_slice %arg16[%add3A_44, %dma_start3A_76] : memref<10240x128xf32, #tpu.memory_space<vmem_shared>> -> memref<32x128xf32, #tpu.memory_space<vmem_shared>>
        tpu.enqueue_dma source(%dma_start3A_77 : memref<32x128xf32, #tpu.memory_space<vmem_shared>>) target(%arg10 : memref<32x128xf32, #tpu.memory_space<vmem>>) target_semaphore(%run_scoped3A : memref<!tpu.dma_semaphore, #tpu.memory_space<semaphore_mem>>)
        %dma_wait3A_78 = arith.constant 0 : i32
        %dma_wait3A_79 = tpu.memref_slice %arg16[%add3A_44, %dma_wait3A_78] : memref<10240x128xf32, #tpu.memory_space<vmem_shared>> -> memref<32x128xf32, #tpu.memory_space<vmem_shared>>
        %dma_wait3A_80 = arith.constant 0 : i32
        %dma_wait3A_81 = tpu.memref_slice %arg16[%add3A_44, %dma_wait3A_80] : memref<10240x128xf32, #tpu.memory_space<vmem_shared>> -> memref<32x128xf32, #tpu.memory_space<vmem_shared>>
        tpu.wait_dma2 semaphore(%run_scoped3A : memref<!tpu.dma_semaphore, #tpu.memory_space<semaphore_mem>>) src(%dma_wait3A_81 : memref<32x128xf32, #tpu.memory_space<vmem_shared>>) dst(%arg10 : memref<32x128xf32, #tpu.memory_space<vmem>>)
        tpu.yield
      }) : () -> ()
      %mul3A_47 = arith.constant 10240 : i32
      %mul3A_48 = arith.muli %arg0, %mul3A_47 : i32
      %add3A_49 = arith.addi %mul3A_48, %add3A_44 : i32
      %dma_start3A_50 = arith.constant 0 : i32
      %dma_start3A_51 = tpu.memref_slice %arg5[%add3A_49, %dma_start3A_50] : memref<20480x128xf32, #tpu.memory_space<hbm>> -> memref<32x128xf32, #tpu.memory_space<hbm>>
      %dma_start3A_52 = arith.constant 0 : i32
      %dma_start3A_53 = tpu.memref_slice %arg5[%add3A_49, %dma_start3A_52] : memref<20480x128xf32, #tpu.memory_space<hbm>> -> memref<32x128xf32, #tpu.memory_space<hbm>>
      tpu.enqueue_dma source(%arg10 : memref<32x128xf32, #tpu.memory_space<vmem>>) target(%dma_start3A_53 : memref<32x128xf32, #tpu.memory_space<hbm>>) target_semaphore(%arg15 : memref<!tpu.dma_semaphore, #tpu.memory_space<semaphore_mem>>)
      "tpu.region"() ({
        %run_scoped3A = tpu.sem_alloc : memref<!tpu.dma_semaphore, #tpu.memory_space<semaphore_mem>>
        %dma_start3A_74 = arith.constant 0 : i32
        %dma_start3A_75 = tpu.memref_slice %arg16[%add3A_46, %dma_start3A_74] : memref<10240x128xf32, #tpu.memory_space<vmem_shared>> -> memref<32x128xf32, #tpu.memory_space<vmem_shared>>
        %dma_start3A_76 = arith.constant 0 : i32
        %dma_start3A_77 = tpu.memref_slice %arg16[%add3A_46, %dma_start3A_76] : memref<10240x128xf32, #tpu.memory_space<vmem_shared>> -> memref<32x128xf32, #tpu.memory_space<vmem_shared>>
        tpu.enqueue_dma source(%dma_start3A_77 : memref<32x128xf32, #tpu.memory_space<vmem_shared>>) target(%arg11 : memref<32x128xf32, #tpu.memory_space<vmem>>) target_semaphore(%run_scoped3A : memref<!tpu.dma_semaphore, #tpu.memory_space<semaphore_mem>>)
        %dma_wait3A_78 = arith.constant 0 : i32
        %dma_wait3A_79 = tpu.memref_slice %arg16[%add3A_46, %dma_wait3A_78] : memref<10240x128xf32, #tpu.memory_space<vmem_shared>> -> memref<32x128xf32, #tpu.memory_space<vmem_shared>>
        %dma_wait3A_80 = arith.constant 0 : i32
        %dma_wait3A_81 = tpu.memref_slice %arg16[%add3A_46, %dma_wait3A_80] : memref<10240x128xf32, #tpu.memory_space<vmem_shared>> -> memref<32x128xf32, #tpu.memory_space<vmem_shared>>
        tpu.wait_dma2 semaphore(%run_scoped3A : memref<!tpu.dma_semaphore, #tpu.memory_space<semaphore_mem>>) src(%dma_wait3A_81 : memref<32x128xf32, #tpu.memory_space<vmem_shared>>) dst(%arg11 : memref<32x128xf32, #tpu.memory_space<vmem>>)
        tpu.yield
      }) : () -> ()
      %mul3A_54 = arith.constant 10240 : i32
      %mul3A_55 = arith.muli %arg0, %mul3A_54 : i32
      %add3A_56 = arith.addi %mul3A_55, %add3A_46 : i32
      %dma_start3A_57 = arith.constant 0 : i32
      %dma_start3A_58 = tpu.memref_slice %arg5[%add3A_56, %dma_start3A_57] : memref<20480x128xf32, #tpu.memory_space<hbm>> -> memref<32x128xf32, #tpu.memory_space<hbm>>
      %dma_start3A_59 = arith.constant 0 : i32
      %dma_start3A_60 = tpu.memref_slice %arg5[%add3A_56, %dma_start3A_59] : memref<20480x128xf32, #tpu.memory_space<hbm>> -> memref<32x128xf32, #tpu.memory_space<hbm>>
      tpu.enqueue_dma source(%arg11 : memref<32x128xf32, #tpu.memory_space<vmem>>) target(%dma_start3A_60 : memref<32x128xf32, #tpu.memory_space<hbm>>) target_semaphore(%arg15 : memref<!tpu.dma_semaphore, #tpu.memory_space<semaphore_mem>>)
      %mul3A_61 = arith.constant 10240 : i32
      %mul3A_62 = arith.muli %arg0, %mul3A_61 : i32
      %add3A_63 = arith.addi %mul3A_62, %add3A_44 : i32
      %dma_wait3A = arith.constant 0 : i32
      %dma_wait3A_64 = tpu.memref_slice %arg5[%add3A_63, %dma_wait3A] : memref<20480x128xf32, #tpu.memory_space<hbm>> -> memref<32x128xf32, #tpu.memory_space<hbm>>
      %dma_wait3A_65 = arith.constant 0 : i32
      %dma_wait3A_66 = tpu.memref_slice %arg5[%add3A_63, %dma_wait3A_65] : memref<20480x128xf32, #tpu.memory_space<hbm>> -> memref<32x128xf32, #tpu.memory_space<hbm>>
      tpu.wait_dma2 semaphore(%arg15 : memref<!tpu.dma_semaphore, #tpu.memory_space<semaphore_mem>>) src(%arg10 : memref<32x128xf32, #tpu.memory_space<vmem>>) dst(%dma_wait3A_66 : memref<32x128xf32, #tpu.memory_space<hbm>>)
      %mul3A_67 = arith.constant 10240 : i32
      %mul3A_68 = arith.muli %arg0, %mul3A_67 : i32
      %add3A_69 = arith.addi %mul3A_68, %add3A_46 : i32
      %dma_wait3A_70 = arith.constant 0 : i32
      %dma_wait3A_71 = tpu.memref_slice %arg5[%add3A_69, %dma_wait3A_70] : memref<20480x128xf32, #tpu.memory_space<hbm>> -> memref<32x128xf32, #tpu.memory_space<hbm>>
      %dma_wait3A_72 = arith.constant 0 : i32
      %dma_wait3A_73 = tpu.memref_slice %arg5[%add3A_69, %dma_wait3A_72] : memref<20480x128xf32, #tpu.memory_space<hbm>> -> memref<32x128xf32, #tpu.memory_space<hbm>>
      tpu.wait_dma2 semaphore(%arg15 : memref<!tpu.dma_semaphore, #tpu.memory_space<semaphore_mem>>) src(%arg11 : memref<32x128xf32, #tpu.memory_space<vmem>>) dst(%dma_wait3A_73 : memref<32x128xf32, #tpu.memory_space<hbm>>)
    }
    %scan3A_32 = arith.constant 10 : i32
    return
  }
}

#map = affine_map<(d0, d1) -> (0, 0, 0)>
#map1 = affine_map<(d0, d1) -> (0, 0)>
module attributes {stable_mosaic.version = 14 : i64} {
  func.func @_deg_kernel(%arg0: i32, %arg1: i32, %arg2: memref<32x80x128xi32, #tpu.memory_space<hbm>>, %arg3: memref<2x10240xf32, #tpu.memory_space<hbm>>, %arg4: memref<80x128xi32, #tpu.memory_space<vmem>>, %arg5: memref<128xf32, #tpu.memory_space<vmem>>, %arg6: memref<640xf32, #tpu.memory_space<vmem>>, %arg7: memref<10240xf32, #tpu.memory_space<vmem>>, %arg8: memref<10240xf32, #tpu.memory_space<vmem_shared>>) attributes {dimension_semantics = [#tpu.dimension_semantics<core_parallel>, #tpu.dimension_semantics<subcore_parallel>], iteration_bounds = array<i64: 2, 16>, scalar_prefetch = 0 : i64, scratch_operands = 5 : i64, tpu.core_type = #tpu.core_type<sc_vector_subcore>, window_params = [{transform_indices = #map}, {transform_indices = #map1}]} {
    %mul3A = arith.constant 16 : i32
    %mul3A_0 = arith.muli %arg0, %mul3A : i32
    %add3A = arith.addi %mul3A_0, %arg1 : i32
    %broadcast_in_dim3A = arith.constant 0.000000e+00 : f32
    %broadcast_in_dim3A_1 = vector.broadcast %broadcast_in_dim3A : f32 to vector<16xf32>
    %broadcast_in_dim3A_2 = arith.constant 1.000000e+00 : f32
    %broadcast_in_dim3A_3 = vector.broadcast %broadcast_in_dim3A_2 : f32 to vector<16xf32>
    %scan3A = arith.constant 0 : i32
    %scan3A_4 = arith.constant 40 : i32
    %scan3A_5 = arith.addi %scan3A, %scan3A_4 : i32
    %scan3A_6 = arith.constant 1 : i32
    scf.for %scan3A_49 = %scan3A to %scan3A_5 step %scan3A_6  : i32 {
      %mul3A_50 = arith.constant 1 : i32
      %mul3A_51 = arith.muli %scan3A_49, %mul3A_50 : i32
      %add3A_52 = arith.constant 0 : i32
      %add3A_53 = arith.addi %add3A_52, %mul3A_51 : i32
      %mul3A_54 = arith.constant 16 : i32
      %mul3A_55 = arith.muli %add3A_53, %mul3A_54 : i32
      %swap3A_56 = arith.index_cast %mul3A_55 : i32 to index
      %swap3A_57 = tpu.vector_load %arg6[%swap3A_56] {strides = array<i32>} : memref<640xf32, #tpu.memory_space<vmem>>, vector<16xf32>,
      %swap3A_58 = vector.shape_cast %swap3A_57 : vector<16xf32> to vector<16xf32>
      %swap3A_59 = vector.shape_cast %broadcast_in_dim3A_1 : vector<16xf32> to vector<16xf32>
      tpu.vector_store %arg6[%swap3A_56], %swap3A_59 {strides = array<i32>} : memref<640xf32, #tpu.memory_space<vmem>>, vector<16xf32>,
    }
    %scan3A_7 = arith.constant 40 : i32
    %swap3A = arith.constant 0 : index
    %swap3A_8 = tpu.vector_load %arg5[%swap3A] {strides = array<i32>} : memref<128xf32, #tpu.memory_space<vmem>>, vector<16xf32>,
    %swap3A_9 = vector.shape_cast %swap3A_8 : vector<16xf32> to vector<16xf32>
    %swap3A_10 = vector.shape_cast %broadcast_in_dim3A_3 : vector<16xf32> to vector<16xf32>
    tpu.vector_store %arg5[%swap3A], %swap3A_10 {strides = array<i32>} : memref<128xf32, #tpu.memory_space<vmem>>, vector<16xf32>,
    %swap3A_11 = arith.constant 16 : index
    %swap3A_12 = tpu.vector_load %arg5[%swap3A_11] {strides = array<i32>} : memref<128xf32, #tpu.memory_space<vmem>>, vector<16xf32>,
    %swap3A_13 = vector.shape_cast %swap3A_12 : vector<16xf32> to vector<16xf32>
    %swap3A_14 = vector.shape_cast %broadcast_in_dim3A_3 : vector<16xf32> to vector<16xf32>
    tpu.vector_store %arg5[%swap3A_11], %swap3A_14 {strides = array<i32>} : memref<128xf32, #tpu.memory_space<vmem>>, vector<16xf32>,
    %swap3A_15 = arith.constant 32 : index
    %swap3A_16 = tpu.vector_load %arg5[%swap3A_15] {strides = array<i32>} : memref<128xf32, #tpu.memory_space<vmem>>, vector<16xf32>,
    %swap3A_17 = vector.shape_cast %swap3A_16 : vector<16xf32> to vector<16xf32>
    %swap3A_18 = vector.shape_cast %broadcast_in_dim3A_3 : vector<16xf32> to vector<16xf32>
    tpu.vector_store %arg5[%swap3A_15], %swap3A_18 {strides = array<i32>} : memref<128xf32, #tpu.memory_space<vmem>>, vector<16xf32>,
    %swap3A_19 = arith.constant 48 : index
    %swap3A_20 = tpu.vector_load %arg5[%swap3A_19] {strides = array<i32>} : memref<128xf32, #tpu.memory_space<vmem>>, vector<16xf32>,
    %swap3A_21 = vector.shape_cast %swap3A_20 : vector<16xf32> to vector<16xf32>
    %swap3A_22 = vector.shape_cast %broadcast_in_dim3A_3 : vector<16xf32> to vector<16xf32>
    tpu.vector_store %arg5[%swap3A_19], %swap3A_22 {strides = array<i32>} : memref<128xf32, #tpu.memory_space<vmem>>, vector<16xf32>,
    %swap3A_23 = arith.constant 64 : index
    %swap3A_24 = tpu.vector_load %arg5[%swap3A_23] {strides = array<i32>} : memref<128xf32, #tpu.memory_space<vmem>>, vector<16xf32>,
    %swap3A_25 = vector.shape_cast %swap3A_24 : vector<16xf32> to vector<16xf32>
    %swap3A_26 = vector.shape_cast %broadcast_in_dim3A_3 : vector<16xf32> to vector<16xf32>
    tpu.vector_store %arg5[%swap3A_23], %swap3A_26 {strides = array<i32>} : memref<128xf32, #tpu.memory_space<vmem>>, vector<16xf32>,
    %swap3A_27 = arith.constant 80 : index
    %swap3A_28 = tpu.vector_load %arg5[%swap3A_27] {strides = array<i32>} : memref<128xf32, #tpu.memory_space<vmem>>, vector<16xf32>,
    %swap3A_29 = vector.shape_cast %swap3A_28 : vector<16xf32> to vector<16xf32>
    %swap3A_30 = vector.shape_cast %broadcast_in_dim3A_3 : vector<16xf32> to vector<16xf32>
    tpu.vector_store %arg5[%swap3A_27], %swap3A_30 {strides = array<i32>} : memref<128xf32, #tpu.memory_space<vmem>>, vector<16xf32>,
    %swap3A_31 = arith.constant 96 : index
    %swap3A_32 = tpu.vector_load %arg5[%swap3A_31] {strides = array<i32>} : memref<128xf32, #tpu.memory_space<vmem>>, vector<16xf32>,
    %swap3A_33 = vector.shape_cast %swap3A_32 : vector<16xf32> to vector<16xf32>
    %swap3A_34 = vector.shape_cast %broadcast_in_dim3A_3 : vector<16xf32> to vector<16xf32>
    tpu.vector_store %arg5[%swap3A_31], %swap3A_34 {strides = array<i32>} : memref<128xf32, #tpu.memory_space<vmem>>, vector<16xf32>,
    %swap3A_35 = arith.constant 112 : index
    %swap3A_36 = tpu.vector_load %arg5[%swap3A_35] {strides = array<i32>} : memref<128xf32, #tpu.memory_space<vmem>>, vector<16xf32>,
    %swap3A_37 = vector.shape_cast %swap3A_36 : vector<16xf32> to vector<16xf32>
    %swap3A_38 = vector.shape_cast %broadcast_in_dim3A_3 : vector<16xf32> to vector<16xf32>
    tpu.vector_store %arg5[%swap3A_35], %swap3A_38 {strides = array<i32>} : memref<128xf32, #tpu.memory_space<vmem>>, vector<16xf32>,
    %mul3A_39 = arith.constant 640 : i32
    %mul3A_40 = arith.muli %arg1, %mul3A_39 : i32
    "tpu.region"() ({
      %run_scoped3A = tpu.sem_alloc : memref<!tpu.dma_semaphore, #tpu.memory_space<semaphore_mem>>
      %dma_start3A = tpu.memref_slice %arg8[%mul3A_40] : memref<10240xf32, #tpu.memory_space<vmem_shared>> -> memref<640xf32, #tpu.memory_space<vmem_shared>>
      %dma_start3A_49 = tpu.memref_slice %arg8[%mul3A_40] : memref<10240xf32, #tpu.memory_space<vmem_shared>> -> memref<640xf32, #tpu.memory_space<vmem_shared>>
      tpu.enqueue_dma source(%arg6 : memref<640xf32, #tpu.memory_space<vmem>>) target(%dma_start3A_49 : memref<640xf32, #tpu.memory_space<vmem_shared>>) target_semaphore(%run_scoped3A : memref<!tpu.dma_semaphore, #tpu.memory_space<semaphore_mem>>)
      %dma_wait3A = tpu.memref_slice %arg8[%mul3A_40] : memref<10240xf32, #tpu.memory_space<vmem_shared>> -> memref<640xf32, #tpu.memory_space<vmem_shared>>
      %dma_wait3A_50 = tpu.memref_slice %arg8[%mul3A_40] : memref<10240xf32, #tpu.memory_space<vmem_shared>> -> memref<640xf32, #tpu.memory_space<vmem_shared>>
      tpu.wait_dma2 semaphore(%run_scoped3A : memref<!tpu.dma_semaphore, #tpu.memory_space<semaphore_mem>>) src(%arg6 : memref<640xf32, #tpu.memory_space<vmem>>) dst(%dma_wait3A_50 : memref<640xf32, #tpu.memory_space<vmem_shared>>)
      tpu.yield
    }) : () -> ()
    "tpu.region"() ({
      %run_scoped3A = tpu.sem_alloc : memref<!tpu.dma_semaphore, #tpu.memory_space<semaphore_mem>>
      %dma_start3A = arith.constant 0 : i32
      %dma_start3A_49 = arith.constant 0 : i32
      %dma_start3A_50 = tpu.memref_slice %arg2[%add3A, %dma_start3A, %dma_start3A_49] : memref<32x80x128xi32, #tpu.memory_space<hbm>> -> memref<1x80x128xi32, #tpu.memory_space<hbm>>
      %dma_start3A_51 = tpu.memref_squeeze %dma_start3A_50 : memref<1x80x128xi32, #tpu.memory_space<hbm>> -> memref<80x128xi32, #tpu.memory_space<hbm>>
      %dma_start3A_52 = arith.constant 0 : i32
      %dma_start3A_53 = arith.constant 0 : i32
      %dma_start3A_54 = tpu.memref_slice %arg2[%add3A, %dma_start3A_52, %dma_start3A_53] : memref<32x80x128xi32, #tpu.memory_space<hbm>> -> memref<1x80x128xi32, #tpu.memory_space<hbm>>
      %dma_start3A_55 = tpu.memref_squeeze %dma_start3A_54 : memref<1x80x128xi32, #tpu.memory_space<hbm>> -> memref<80x128xi32, #tpu.memory_space<hbm>>
      tpu.enqueue_dma source(%dma_start3A_55 : memref<80x128xi32, #tpu.memory_space<hbm>>) target(%arg4 : memref<80x128xi32, #tpu.memory_space<vmem>>) target_semaphore(%run_scoped3A : memref<!tpu.dma_semaphore, #tpu.memory_space<semaphore_mem>>)
      %dma_wait3A = arith.constant 0 : i32
      %dma_wait3A_56 = arith.constant 0 : i32
      %dma_wait3A_57 = tpu.memref_slice %arg2[%add3A, %dma_wait3A, %dma_wait3A_56] : memref<32x80x128xi32, #tpu.memory_space<hbm>> -> memref<1x80x128xi32, #tpu.memory_space<hbm>>
      %dma_wait3A_58 = tpu.memref_squeeze %dma_wait3A_57 : memref<1x80x128xi32, #tpu.memory_space<hbm>> -> memref<80x128xi32, #tpu.memory_space<hbm>>
      %dma_wait3A_59 = arith.constant 0 : i32
      %dma_wait3A_60 = arith.constant 0 : i32
      %dma_wait3A_61 = tpu.memref_slice %arg2[%add3A, %dma_wait3A_59, %dma_wait3A_60] : memref<32x80x128xi32, #tpu.memory_space<hbm>> -> memref<1x80x128xi32, #tpu.memory_space<hbm>>
      %dma_wait3A_62 = tpu.memref_squeeze %dma_wait3A_61 : memref<1x80x128xi32, #tpu.memory_space<hbm>> -> memref<80x128xi32, #tpu.memory_space<hbm>>
      tpu.wait_dma2 semaphore(%run_scoped3A : memref<!tpu.dma_semaphore, #tpu.memory_space<semaphore_mem>>) src(%dma_wait3A_62 : memref<80x128xi32, #tpu.memory_space<hbm>>) dst(%arg4 : memref<80x128xi32, #tpu.memory_space<vmem>>)
      tpu.yield
    }) : () -> ()
    %barrier3A = arith.constant 0 : index
    tpu.barrier barrier_id(%barrier3A)
    %scan3A_41 = arith.constant 0 : i32
    %scan3A_42 = arith.constant 80 : i32
    %scan3A_43 = arith.addi %scan3A_41, %scan3A_42 : i32
    %scan3A_44 = arith.constant 1 : i32
    scf.for %scan3A_49 = %scan3A_41 to %scan3A_43 step %scan3A_44  : i32 {
      %mul3A_50 = arith.constant 1 : i32
      %mul3A_51 = arith.muli %scan3A_49, %mul3A_50 : i32
      %add3A_52 = arith.constant 0 : i32
      %add3A_53 = arith.addi %add3A_52, %mul3A_51 : i32
      "tpu.region"() ({
        %run_scoped3A = tpu.sem_alloc : memref<!tpu.dma_semaphore, #tpu.memory_space<semaphore_mem>>
        %dma_start3A = arith.constant 0 : i32
        %dma_start3A_54 = tpu.memref_slice %arg4[%add3A_53, %dma_start3A] : memref<80x128xi32, #tpu.memory_space<vmem>> -> memref<1x128xi32, #tpu.memory_space<vmem>>
        %dma_start3A_55 = tpu.memref_squeeze %dma_start3A_54 : memref<1x128xi32, #tpu.memory_space<vmem>> -> memref<128xi32, #tpu.memory_space<vmem>>
        %dma_start3A_56 = arith.constant 0 : i32
        %dma_start3A_57 = tpu.memref_slice %arg8[%dma_start3A_56] : memref<10240xf32, #tpu.memory_space<vmem_shared>> -> memref<10240xf32, #tpu.memory_space<vmem_shared>>
        tpu.enqueue_indirect_dma source(%arg5 : memref<128xf32, #tpu.memory_space<vmem>>) target(%dma_start3A_57 : memref<10240xf32, #tpu.memory_space<vmem_shared>>) offsets(%dma_start3A_55 : memref<128xi32, #tpu.memory_space<vmem>>) semaphore(%run_scoped3A : memref<!tpu.dma_semaphore, #tpu.memory_space<semaphore_mem>>) {add = true}
        %dma_wait3A = arith.constant 0 : i32
        %dma_wait3A_58 = tpu.memref_slice %arg4[%add3A_53, %dma_wait3A] : memref<80x128xi32, #tpu.memory_space<vmem>> -> memref<1x128xi32, #tpu.memory_space<vmem>>
        %dma_wait3A_59 = tpu.memref_squeeze %dma_wait3A_58 : memref<1x128xi32, #tpu.memory_space<vmem>> -> memref<128xi32, #tpu.memory_space<vmem>>
        %dma_wait3A_60 = arith.constant 0 : i32
        %dma_wait3A_61 = tpu.memref_slice %arg8[%dma_wait3A_60] : memref<10240xf32, #tpu.memory_space<vmem_shared>> -> memref<10240xf32, #tpu.memory_space<vmem_shared>>
        tpu.wait_indirect_dma semaphore(%run_scoped3A : memref<!tpu.dma_semaphore, #tpu.memory_space<semaphore_mem>>) src(%arg5 : memref<128xf32, #tpu.memory_space<vmem>>) dst(%dma_wait3A_61 : memref<10240xf32, #tpu.memory_space<vmem_shared>>)
        tpu.yield
      }) : () -> ()
    }
    %scan3A_45 = arith.constant 80 : i32
    %barrier3A_46 = arith.constant 0 : index
    tpu.barrier barrier_id(%barrier3A_46)
    %eq3A = arith.constant 0 : i32
    %eq3A_47 = arith.cmpi eq, %arg1, %eq3A : i32
    %convert_element_type3A = arith.extui %eq3A_47 : i1 to i32
    %cond3A = arith.constant 0 : i32
    %cond3A_48 = arith.cmpi ne, %convert_element_type3A, %cond3A : i32
    scf.if %cond3A_48 {
      "tpu.region"() ({
        %run_scoped3A = tpu.sem_alloc : memref<!tpu.dma_semaphore, #tpu.memory_space<semaphore_mem>>
        tpu.enqueue_dma source(%arg8 : memref<10240xf32, #tpu.memory_space<vmem_shared>>) target(%arg7 : memref<10240xf32, #tpu.memory_space<vmem>>) target_semaphore(%run_scoped3A : memref<!tpu.dma_semaphore, #tpu.memory_space<semaphore_mem>>)
        tpu.wait_dma2 semaphore(%run_scoped3A : memref<!tpu.dma_semaphore, #tpu.memory_space<semaphore_mem>>) src(%arg8 : memref<10240xf32, #tpu.memory_space<vmem_shared>>) dst(%arg7 : memref<10240xf32, #tpu.memory_space<vmem>>)
        tpu.yield
      }) : () -> ()
      "tpu.region"() ({
        %run_scoped3A = tpu.sem_alloc : memref<!tpu.dma_semaphore, #tpu.memory_space<semaphore_mem>>
        %dma_start3A = arith.constant 0 : i32
        %dma_start3A_49 = tpu.memref_slice %arg3[%arg0, %dma_start3A] : memref<2x10240xf32, #tpu.memory_space<hbm>> -> memref<1x10240xf32, #tpu.memory_space<hbm>>
        %dma_start3A_50 = tpu.memref_squeeze %dma_start3A_49 : memref<1x10240xf32, #tpu.memory_space<hbm>> -> memref<10240xf32, #tpu.memory_space<hbm>>
        %dma_start3A_51 = arith.constant 0 : i32
        %dma_start3A_52 = tpu.memref_slice %arg3[%arg0, %dma_start3A_51] : memref<2x10240xf32, #tpu.memory_space<hbm>> -> memref<1x10240xf32, #tpu.memory_space<hbm>>
        %dma_start3A_53 = tpu.memref_squeeze %dma_start3A_52 : memref<1x10240xf32, #tpu.memory_space<hbm>> -> memref<10240xf32, #tpu.memory_space<hbm>>
        tpu.enqueue_dma source(%arg7 : memref<10240xf32, #tpu.memory_space<vmem>>) target(%dma_start3A_53 : memref<10240xf32, #tpu.memory_space<hbm>>) target_semaphore(%run_scoped3A : memref<!tpu.dma_semaphore, #tpu.memory_space<semaphore_mem>>)
        %dma_wait3A = arith.constant 0 : i32
        %dma_wait3A_54 = tpu.memref_slice %arg3[%arg0, %dma_wait3A] : memref<2x10240xf32, #tpu.memory_space<hbm>> -> memref<1x10240xf32, #tpu.memory_space<hbm>>
        %dma_wait3A_55 = tpu.memref_squeeze %dma_wait3A_54 : memref<1x10240xf32, #tpu.memory_space<hbm>> -> memref<10240xf32, #tpu.memory_space<hbm>>
        %dma_wait3A_56 = arith.constant 0 : i32
        %dma_wait3A_57 = tpu.memref_slice %arg3[%arg0, %dma_wait3A_56] : memref<2x10240xf32, #tpu.memory_space<hbm>> -> memref<1x10240xf32, #tpu.memory_space<hbm>>
        %dma_wait3A_58 = tpu.memref_squeeze %dma_wait3A_57 : memref<1x10240xf32, #tpu.memory_space<hbm>> -> memref<10240xf32, #tpu.memory_space<hbm>>
        tpu.wait_dma2 semaphore(%run_scoped3A : memref<!tpu.dma_semaphore, #tpu.memory_space<semaphore_mem>>) src(%arg7 : memref<10240xf32, #tpu.memory_space<vmem>>) dst(%dma_wait3A_58 : memref<10240xf32, #tpu.memory_space<hbm>>)
        tpu.yield
      }) : () -> ()
    } else {
    }
    return
  }
}

#map = affine_map<(d0, d1) -> (0, 0)>
#map1 = affine_map<(d0, d1) -> (0, 0, 0)>
module attributes {stable_mosaic.version = 14 : i64} {
  func.func @_agg_kernel(%arg0: i32, %arg1: i32, %arg2: memref<10240x128xf32, #tpu.memory_space<hbm>>, %arg3: memref<32x80x128xi32, #tpu.memory_space<hbm>>, %arg4: memref<32x80x128xi32, #tpu.memory_space<hbm>>, %arg5: memref<20480x128xf32, #tpu.memory_space<hbm>>, %arg6: memref<16x128xi32, #tpu.memory_space<vmem>>, %arg7: memref<16x128xi32, #tpu.memory_space<vmem>>, %arg8: memref<128x128xf32, #tpu.memory_space<vmem>>, %arg9: memref<128x128xf32, #tpu.memory_space<vmem>>, %arg10: memref<32x128xf32, #tpu.memory_space<vmem>>, %arg11: memref<32x128xf32, #tpu.memory_space<vmem>>, %arg12: memref<!tpu.dma_semaphore, #tpu.memory_space<semaphore_mem>>, %arg13: memref<!tpu.dma_semaphore, #tpu.memory_space<semaphore_mem>>, %arg14: memref<!tpu.dma_semaphore, #tpu.memory_space<semaphore_mem>>, %arg15: memref<!tpu.dma_semaphore, #tpu.memory_space<semaphore_mem>>, %arg16: memref<10240x128xf32, #tpu.memory_space<vmem_shared>>) attributes {dimension_semantics = [#tpu.dimension_semantics<core_parallel>, #tpu.dimension_semantics<subcore_parallel>], iteration_bounds = array<i64: 2, 16>, scalar_prefetch = 0 : i64, scratch_operands = 11 : i64, tpu.core_type = #tpu.core_type<sc_vector_subcore>, window_params = [{transform_indices = #map}, {transform_indices = #map1}, {transform_indices = #map1}, {transform_indices = #map}]} {
    %mul3A = arith.constant 16 : i32
    %mul3A_0 = arith.muli %arg0, %mul3A : i32
    %add3A = arith.addi %mul3A_0, %arg1 : i32
    %broadcast_in_dim3A = arith.constant 0.000000e+00 : f32
    %broadcast_in_dim3A_1 = vector.broadcast %broadcast_in_dim3A : f32 to vector<16xf32>
    %scan3A = arith.constant 0 : i32
    %scan3A_2 = arith.constant 32 : i32
    %scan3A_3 = arith.addi %scan3A, %scan3A_2 : i32
    %scan3A_4 = arith.constant 1 : i32
    scf.for %scan3A_33 = %scan3A to %scan3A_3 step %scan3A_4  : i32 {
      %mul3A_34 = arith.constant 1 : i32
      %mul3A_35 = arith.muli %scan3A_33, %mul3A_34 : i32
      %add3A_36 = arith.constant 0 : i32
      %add3A_37 = arith.addi %add3A_36, %mul3A_35 : i32
      %swap3A = arith.index_cast %add3A_37 : i32 to index
      %swap3A_38 = arith.constant 0 : index
      %swap3A_39 = tpu.vector_load %arg10[%swap3A, %swap3A_38] {strides = array<i32>} : memref<32x128xf32, #tpu.memory_space<vmem>>, vector<1x16xf32>,
      %swap3A_40 = vector.shape_cast %swap3A_39 : vector<1x16xf32> to vector<16xf32>
      %swap3A_41 = vector.shape_cast %broadcast_in_dim3A_1 : vector<16xf32> to vector<1x16xf32>
      tpu.vector_store %arg10[%swap3A, %swap3A_38], %swap3A_41 {strides = array<i32>} : memref<32x128xf32, #tpu.memory_space<vmem>>, vector<1x16xf32>,
      %swap3A_42 = arith.index_cast %add3A_37 : i32 to index
      %swap3A_43 = arith.constant 16 : index
      %swap3A_44 = tpu.vector_load %arg10[%swap3A_42, %swap3A_43] {strides = array<i32>} : memref<32x128xf32, #tpu.memory_space<vmem>>, vector<1x16xf32>,
      %swap3A_45 = vector.shape_cast %swap3A_44 : vector<1x16xf32> to vector<16xf32>
      %swap3A_46 = vector.shape_cast %broadcast_in_dim3A_1 : vector<16xf32> to vector<1x16xf32>
      tpu.vector_store %arg10[%swap3A_42, %swap3A_43], %swap3A_46 {strides = array<i32>} : memref<32x128xf32, #tpu.memory_space<vmem>>, vector<1x16xf32>,
      %swap3A_47 = arith.index_cast %add3A_37 : i32 to index
      %swap3A_48 = arith.constant 32 : index
      %swap3A_49 = tpu.vector_load %arg10[%swap3A_47, %swap3A_48] {strides = array<i32>} : memref<32x128xf32, #tpu.memory_space<vmem>>, vector<1x16xf32>,
      %swap3A_50 = vector.shape_cast %swap3A_49 : vector<1x16xf32> to vector<16xf32>
      %swap3A_51 = vector.shape_cast %broadcast_in_dim3A_1 : vector<16xf32> to vector<1x16xf32>
      tpu.vector_store %arg10[%swap3A_47, %swap3A_48], %swap3A_51 {strides = array<i32>} : memref<32x128xf32, #tpu.memory_space<vmem>>, vector<1x16xf32>,
      %swap3A_52 = arith.index_cast %add3A_37 : i32 to index
      %swap3A_53 = arith.constant 48 : index
      %swap3A_54 = tpu.vector_load %arg10[%swap3A_52, %swap3A_53] {strides = array<i32>} : memref<32x128xf32, #tpu.memory_space<vmem>>, vector<1x16xf32>,
      %swap3A_55 = vector.shape_cast %swap3A_54 : vector<1x16xf32> to vector<16xf32>
      %swap3A_56 = vector.shape_cast %broadcast_in_dim3A_1 : vector<16xf32> to vector<1x16xf32>
      tpu.vector_store %arg10[%swap3A_52, %swap3A_53], %swap3A_56 {strides = array<i32>} : memref<32x128xf32, #tpu.memory_space<vmem>>, vector<1x16xf32>,
      %swap3A_57 = arith.index_cast %add3A_37 : i32 to index
      %swap3A_58 = arith.constant 64 : index
      %swap3A_59 = tpu.vector_load %arg10[%swap3A_57, %swap3A_58] {strides = array<i32>} : memref<32x128xf32, #tpu.memory_space<vmem>>, vector<1x16xf32>,
      %swap3A_60 = vector.shape_cast %swap3A_59 : vector<1x16xf32> to vector<16xf32>
      %swap3A_61 = vector.shape_cast %broadcast_in_dim3A_1 : vector<16xf32> to vector<1x16xf32>
      tpu.vector_store %arg10[%swap3A_57, %swap3A_58], %swap3A_61 {strides = array<i32>} : memref<32x128xf32, #tpu.memory_space<vmem>>, vector<1x16xf32>,
      %swap3A_62 = arith.index_cast %add3A_37 : i32 to index
      %swap3A_63 = arith.constant 80 : index
      %swap3A_64 = tpu.vector_load %arg10[%swap3A_62, %swap3A_63] {strides = array<i32>} : memref<32x128xf32, #tpu.memory_space<vmem>>, vector<1x16xf32>,
      %swap3A_65 = vector.shape_cast %swap3A_64 : vector<1x16xf32> to vector<16xf32>
      %swap3A_66 = vector.shape_cast %broadcast_in_dim3A_1 : vector<16xf32> to vector<1x16xf32>
      tpu.vector_store %arg10[%swap3A_62, %swap3A_63], %swap3A_66 {strides = array<i32>} : memref<32x128xf32, #tpu.memory_space<vmem>>, vector<1x16xf32>,
      %swap3A_67 = arith.index_cast %add3A_37 : i32 to index
      %swap3A_68 = arith.constant 96 : index
      %swap3A_69 = tpu.vector_load %arg10[%swap3A_67, %swap3A_68] {strides = array<i32>} : memref<32x128xf32, #tpu.memory_space<vmem>>, vector<1x16xf32>,
      %swap3A_70 = vector.shape_cast %swap3A_69 : vector<1x16xf32> to vector<16xf32>
      %swap3A_71 = vector.shape_cast %broadcast_in_dim3A_1 : vector<16xf32> to vector<1x16xf32>
      tpu.vector_store %arg10[%swap3A_67, %swap3A_68], %swap3A_71 {strides = array<i32>} : memref<32x128xf32, #tpu.memory_space<vmem>>, vector<1x16xf32>,
      %swap3A_72 = arith.index_cast %add3A_37 : i32 to index
      %swap3A_73 = arith.constant 112 : index
      %swap3A_74 = tpu.vector_load %arg10[%swap3A_72, %swap3A_73] {strides = array<i32>} : memref<32x128xf32, #tpu.memory_space<vmem>>, vector<1x16xf32>,
      %swap3A_75 = vector.shape_cast %swap3A_74 : vector<1x16xf32> to vector<16xf32>
      %swap3A_76 = vector.shape_cast %broadcast_in_dim3A_1 : vector<16xf32> to vector<1x16xf32>
      tpu.vector_store %arg10[%swap3A_72, %swap3A_73], %swap3A_76 {strides = array<i32>} : memref<32x128xf32, #tpu.memory_space<vmem>>, vector<1x16xf32>,
    }
    %scan3A_5 = arith.constant 32 : i32
    %scan3A_6 = arith.constant 0 : i32
    %scan3A_7 = arith.constant 20 : i32
    %scan3A_8 = arith.addi %scan3A_6, %scan3A_7 : i32
    %scan3A_9 = arith.constant 1 : i32
    scf.for %scan3A_33 = %scan3A_6 to %scan3A_8 step %scan3A_9  : i32 {
      %mul3A_34 = arith.constant 1 : i32
      %mul3A_35 = arith.muli %scan3A_33, %mul3A_34 : i32
      %add3A_36 = arith.constant 0 : i32
      %add3A_37 = arith.addi %add3A_36, %mul3A_35 : i32
      %mul3A_38 = arith.constant 640 : i32
      %mul3A_39 = arith.muli %arg1, %mul3A_38 : i32
      %mul3A_40 = arith.constant 32 : i32
      %mul3A_41 = arith.muli %add3A_37, %mul3A_40 : i32
      %add3A_42 = arith.addi %mul3A_39, %mul3A_41 : i32
      %dma_start3A_43 = arith.constant 0 : i32
      %dma_start3A_44 = tpu.memref_slice %arg16[%add3A_42, %dma_start3A_43] : memref<10240x128xf32, #tpu.memory_space<vmem_shared>> -> memref<32x128xf32, #tpu.memory_space<vmem_shared>>
      %dma_start3A_45 = arith.constant 0 : i32
      %dma_start3A_46 = tpu.memref_slice %arg16[%add3A_42, %dma_start3A_45] : memref<10240x128xf32, #tpu.memory_space<vmem_shared>> -> memref<32x128xf32, #tpu.memory_space<vmem_shared>>
      tpu.enqueue_dma source(%arg10 : memref<32x128xf32, #tpu.memory_space<vmem>>) target(%dma_start3A_46 : memref<32x128xf32, #tpu.memory_space<vmem_shared>>) target_semaphore(%arg14 : memref<!tpu.dma_semaphore, #tpu.memory_space<semaphore_mem>>)
    }
    %scan3A_10 = arith.constant 20 : i32
    "tpu.region"() ({
      %run_scoped3A = tpu.sem_alloc : memref<!tpu.dma_semaphore, #tpu.memory_space<semaphore_mem>>
      %dma_start3A_33 = arith.constant 0 : i32
      %dma_start3A_34 = arith.constant 0 : i32
      %dma_start3A_35 = tpu.memref_slice %arg3[%add3A, %dma_start3A_33, %dma_start3A_34] : memref<32x80x128xi32, #tpu.memory_space<hbm>> -> memref<1x16x128xi32, #tpu.memory_space<hbm>>
      %dma_start3A_36 = tpu.memref_squeeze %dma_start3A_35 : memref<1x16x128xi32, #tpu.memory_space<hbm>> -> memref<16x128xi32, #tpu.memory_space<hbm>>
      %dma_start3A_37 = arith.constant 0 : i32
      %dma_start3A_38 = arith.constant 0 : i32
      %dma_start3A_39 = tpu.memref_slice %arg3[%add3A, %dma_start3A_37, %dma_start3A_38] : memref<32x80x128xi32, #tpu.memory_space<hbm>> -> memref<1x16x128xi32, #tpu.memory_space<hbm>>
      %dma_start3A_40 = tpu.memref_squeeze %dma_start3A_39 : memref<1x16x128xi32, #tpu.memory_space<hbm>> -> memref<16x128xi32, #tpu.memory_space<hbm>>
      tpu.enqueue_dma source(%dma_start3A_40 : memref<16x128xi32, #tpu.memory_space<hbm>>) target(%arg6 : memref<16x128xi32, #tpu.memory_space<vmem>>) target_semaphore(%run_scoped3A : memref<!tpu.dma_semaphore, #tpu.memory_space<semaphore_mem>>)
      %dma_wait3A = arith.constant 0 : i32
      %dma_wait3A_41 = arith.constant 0 : i32
      %dma_wait3A_42 = tpu.memref_slice %arg3[%add3A, %dma_wait3A, %dma_wait3A_41] : memref<32x80x128xi32, #tpu.memory_space<hbm>> -> memref<1x16x128xi32, #tpu.memory_space<hbm>>
      %dma_wait3A_43 = tpu.memref_squeeze %dma_wait3A_42 : memref<1x16x128xi32, #tpu.memory_space<hbm>> -> memref<16x128xi32, #tpu.memory_space<hbm>>
      %dma_wait3A_44 = arith.constant 0 : i32
      %dma_wait3A_45 = arith.constant 0 : i32
      %dma_wait3A_46 = tpu.memref_slice %arg3[%add3A, %dma_wait3A_44, %dma_wait3A_45] : memref<32x80x128xi32, #tpu.memory_space<hbm>> -> memref<1x16x128xi32, #tpu.memory_space<hbm>>
      %dma_wait3A_47 = tpu.memref_squeeze %dma_wait3A_46 : memref<1x16x128xi32, #tpu.memory_space<hbm>> -> memref<16x128xi32, #tpu.memory_space<hbm>>
      tpu.wait_dma2 semaphore(%run_scoped3A : memref<!tpu.dma_semaphore, #tpu.memory_space<semaphore_mem>>) src(%dma_wait3A_47 : memref<16x128xi32, #tpu.memory_space<hbm>>) dst(%arg6 : memref<16x128xi32, #tpu.memory_space<vmem>>)
      tpu.yield
    }) : () -> ()
    "tpu.region"() ({
      %run_scoped3A = tpu.sem_alloc : memref<!tpu.dma_semaphore, #tpu.memory_space<semaphore_mem>>
      %dma_start3A_33 = arith.constant 0 : i32
      %dma_start3A_34 = arith.constant 0 : i32
      %dma_start3A_35 = tpu.memref_slice %arg4[%add3A, %dma_start3A_33, %dma_start3A_34] : memref<32x80x128xi32, #tpu.memory_space<hbm>> -> memref<1x16x128xi32, #tpu.memory_space<hbm>>
      %dma_start3A_36 = tpu.memref_squeeze %dma_start3A_35 : memref<1x16x128xi32, #tpu.memory_space<hbm>> -> memref<16x128xi32, #tpu.memory_space<hbm>>
      %dma_start3A_37 = arith.constant 0 : i32
      %dma_start3A_38 = arith.constant 0 : i32
      %dma_start3A_39 = tpu.memref_slice %arg4[%add3A, %dma_start3A_37, %dma_start3A_38] : memref<32x80x128xi32, #tpu.memory_space<hbm>> -> memref<1x16x128xi32, #tpu.memory_space<hbm>>
      %dma_start3A_40 = tpu.memref_squeeze %dma_start3A_39 : memref<1x16x128xi32, #tpu.memory_space<hbm>> -> memref<16x128xi32, #tpu.memory_space<hbm>>
      tpu.enqueue_dma source(%dma_start3A_40 : memref<16x128xi32, #tpu.memory_space<hbm>>) target(%arg7 : memref<16x128xi32, #tpu.memory_space<vmem>>) target_semaphore(%run_scoped3A : memref<!tpu.dma_semaphore, #tpu.memory_space<semaphore_mem>>)
      %dma_wait3A = arith.constant 0 : i32
      %dma_wait3A_41 = arith.constant 0 : i32
      %dma_wait3A_42 = tpu.memref_slice %arg4[%add3A, %dma_wait3A, %dma_wait3A_41] : memref<32x80x128xi32, #tpu.memory_space<hbm>> -> memref<1x16x128xi32, #tpu.memory_space<hbm>>
      %dma_wait3A_43 = tpu.memref_squeeze %dma_wait3A_42 : memref<1x16x128xi32, #tpu.memory_space<hbm>> -> memref<16x128xi32, #tpu.memory_space<hbm>>
      %dma_wait3A_44 = arith.constant 0 : i32
      %dma_wait3A_45 = arith.constant 0 : i32
      %dma_wait3A_46 = tpu.memref_slice %arg4[%add3A, %dma_wait3A_44, %dma_wait3A_45] : memref<32x80x128xi32, #tpu.memory_space<hbm>> -> memref<1x16x128xi32, #tpu.memory_space<hbm>>
      %dma_wait3A_47 = tpu.memref_squeeze %dma_wait3A_46 : memref<1x16x128xi32, #tpu.memory_space<hbm>> -> memref<16x128xi32, #tpu.memory_space<hbm>>
      tpu.wait_dma2 semaphore(%run_scoped3A : memref<!tpu.dma_semaphore, #tpu.memory_space<semaphore_mem>>) src(%dma_wait3A_47 : memref<16x128xi32, #tpu.memory_space<hbm>>) dst(%arg7 : memref<16x128xi32, #tpu.memory_space<vmem>>)
      tpu.yield
    }) : () -> ()
    %dma_start3A = arith.constant 0 : i32
    %dma_start3A_11 = arith.constant 0 : i32
    %dma_start3A_12 = tpu.memref_slice %arg6[%dma_start3A, %dma_start3A_11] : memref<16x128xi32, #tpu.memory_space<vmem>> -> memref<1x128xi32, #tpu.memory_space<vmem>>
    %dma_start3A_13 = tpu.memref_squeeze %dma_start3A_12 : memref<1x128xi32, #tpu.memory_space<vmem>> -> memref<128xi32, #tpu.memory_space<vmem>>
    %dma_start3A_14 = arith.constant 0 : i32
    %dma_start3A_15 = arith.constant 0 : i32
    %dma_start3A_16 = tpu.memref_slice %arg2[%dma_start3A_14, %dma_start3A_15] : memref<10240x128xf32, #tpu.memory_space<hbm>> -> memref<10240x128xf32, #tpu.memory_space<hbm>>
    tpu.enqueue_indirect_dma source(%dma_start3A_16 : memref<10240x128xf32, #tpu.memory_space<hbm>>) target(%arg8 : memref<128x128xf32, #tpu.memory_space<vmem>>) offsets(%dma_start3A_13 : memref<128xi32, #tpu.memory_space<vmem>>) semaphore(%arg12 : memref<!tpu.dma_semaphore, #tpu.memory_space<semaphore_mem>>)
    %scan3A_17 = arith.constant 0 : i32
    %scan3A_18 = arith.constant 20 : i32
    %scan3A_19 = arith.addi %scan3A_17, %scan3A_18 : i32
    %scan3A_20 = arith.constant 1 : i32
    scf.for %scan3A_33 = %scan3A_17 to %scan3A_19 step %scan3A_20  : i32 {
      %mul3A_34 = arith.constant 1 : i32
      %mul3A_35 = arith.muli %scan3A_33, %mul3A_34 : i32
      %add3A_36 = arith.constant 0 : i32
      %add3A_37 = arith.addi %add3A_36, %mul3A_35 : i32
      %mul3A_38 = arith.constant 640 : i32
      %mul3A_39 = arith.muli %arg1, %mul3A_38 : i32
      %mul3A_40 = arith.constant 32 : i32
      %mul3A_41 = arith.muli %add3A_37, %mul3A_40 : i32
      %add3A_42 = arith.addi %mul3A_39, %mul3A_41 : i32
      %dma_wait3A = arith.constant 0 : i32
      %dma_wait3A_43 = tpu.memref_slice %arg16[%add3A_42, %dma_wait3A] : memref<10240x128xf32, #tpu.memory_space<vmem_shared>> -> memref<32x128xf32, #tpu.memory_space<vmem_shared>>
      %dma_wait3A_44 = arith.constant 0 : i32
      %dma_wait3A_45 = tpu.memref_slice %arg16[%add3A_42, %dma_wait3A_44] : memref<10240x128xf32, #tpu.memory_space<vmem_shared>> -> memref<32x128xf32, #tpu.memory_space<vmem_shared>>
      tpu.wait_dma2 semaphore(%arg14 : memref<!tpu.dma_semaphore, #tpu.memory_space<semaphore_mem>>) src(%arg10 : memref<32x128xf32, #tpu.memory_space<vmem>>) dst(%dma_wait3A_45 : memref<32x128xf32, #tpu.memory_space<vmem_shared>>)
    }
    %scan3A_21 = arith.constant 20 : i32
    %barrier3A = arith.constant 0 : index
    tpu.barrier barrier_id(%barrier3A)
    %scan3A_22 = arith.constant 0 : i32
    %scan3A_23 = arith.constant 5 : i32
    %scan3A_24 = arith.addi %scan3A_22, %scan3A_23 : i32
    %scan3A_25 = arith.constant 1 : i32
    scf.for %scan3A_33 = %scan3A_22 to %scan3A_24 step %scan3A_25  : i32 {
      %mul3A_34 = arith.constant 1 : i32
      %mul3A_35 = arith.muli %scan3A_33, %mul3A_34 : i32
      %add3A_36 = arith.constant 0 : i32
      %add3A_37 = arith.addi %add3A_36, %mul3A_35 : i32
      %gt3A = arith.constant 0 : i32
      %gt3A_38 = arith.cmpi sgt, %add3A_37, %gt3A : i32
      %convert_element_type3A = arith.extui %gt3A_38 : i1 to i32
      %cond3A = arith.constant 0 : i32
      %cond3A_39 = arith.cmpi ne, %convert_element_type3A, %cond3A : i32
      scf.if %cond3A_39 {
        %mul3A_51 = arith.constant 16 : i32
        %mul3A_52 = arith.muli %add3A_37, %mul3A_51 : i32
        "tpu.region"() ({
          %run_scoped3A = tpu.sem_alloc : memref<!tpu.dma_semaphore, #tpu.memory_space<semaphore_mem>>
          %dma_start3A_62 = arith.constant 0 : i32
          %dma_start3A_63 = tpu.memref_slice %arg3[%add3A, %mul3A_52, %dma_start3A_62] : memref<32x80x128xi32, #tpu.memory_space<hbm>> -> memref<1x16x128xi32, #tpu.memory_space<hbm>>
          %dma_start3A_64 = tpu.memref_squeeze %dma_start3A_63 : memref<1x16x128xi32, #tpu.memory_space<hbm>> -> memref<16x128xi32, #tpu.memory_space<hbm>>
          %dma_start3A_65 = arith.constant 0 : i32
          %dma_start3A_66 = tpu.memref_slice %arg3[%add3A, %mul3A_52, %dma_start3A_65] : memref<32x80x128xi32, #tpu.memory_space<hbm>> -> memref<1x16x128xi32, #tpu.memory_space<hbm>>
          %dma_start3A_67 = tpu.memref_squeeze %dma_start3A_66 : memref<1x16x128xi32, #tpu.memory_space<hbm>> -> memref<16x128xi32, #tpu.memory_space<hbm>>
          tpu.enqueue_dma source(%dma_start3A_67 : memref<16x128xi32, #tpu.memory_space<hbm>>) target(%arg6 : memref<16x128xi32, #tpu.memory_space<vmem>>) target_semaphore(%run_scoped3A : memref<!tpu.dma_semaphore, #tpu.memory_space<semaphore_mem>>)
          %dma_wait3A_68 = arith.constant 0 : i32
          %dma_wait3A_69 = tpu.memref_slice %arg3[%add3A, %mul3A_52, %dma_wait3A_68] : memref<32x80x128xi32, #tpu.memory_space<hbm>> -> memref<1x16x128xi32, #tpu.memory_space<hbm>>
          %dma_wait3A_70 = tpu.memref_squeeze %dma_wait3A_69 : memref<1x16x128xi32, #tpu.memory_space<hbm>> -> memref<16x128xi32, #tpu.memory_space<hbm>>
          %dma_wait3A_71 = arith.constant 0 : i32
          %dma_wait3A_72 = tpu.memref_slice %arg3[%add3A, %mul3A_52, %dma_wait3A_71] : memref<32x80x128xi32, #tpu.memory_space<hbm>> -> memref<1x16x128xi32, #tpu.memory_space<hbm>>
          %dma_wait3A_73 = tpu.memref_squeeze %dma_wait3A_72 : memref<1x16x128xi32, #tpu.memory_space<hbm>> -> memref<16x128xi32, #tpu.memory_space<hbm>>
          tpu.wait_dma2 semaphore(%run_scoped3A : memref<!tpu.dma_semaphore, #tpu.memory_space<semaphore_mem>>) src(%dma_wait3A_73 : memref<16x128xi32, #tpu.memory_space<hbm>>) dst(%arg6 : memref<16x128xi32, #tpu.memory_space<vmem>>)
          tpu.yield
        }) : () -> ()
        %mul3A_53 = arith.constant 16 : i32
        %mul3A_54 = arith.muli %add3A_37, %mul3A_53 : i32
        "tpu.region"() ({
          %run_scoped3A = tpu.sem_alloc : memref<!tpu.dma_semaphore, #tpu.memory_space<semaphore_mem>>
          %dma_start3A_62 = arith.constant 0 : i32
          %dma_start3A_63 = tpu.memref_slice %arg4[%add3A, %mul3A_54, %dma_start3A_62] : memref<32x80x128xi32, #tpu.memory_space<hbm>> -> memref<1x16x128xi32, #tpu.memory_space<hbm>>
          %dma_start3A_64 = tpu.memref_squeeze %dma_start3A_63 : memref<1x16x128xi32, #tpu.memory_space<hbm>> -> memref<16x128xi32, #tpu.memory_space<hbm>>
          %dma_start3A_65 = arith.constant 0 : i32
          %dma_start3A_66 = tpu.memref_slice %arg4[%add3A, %mul3A_54, %dma_start3A_65] : memref<32x80x128xi32, #tpu.memory_space<hbm>> -> memref<1x16x128xi32, #tpu.memory_space<hbm>>
          %dma_start3A_67 = tpu.memref_squeeze %dma_start3A_66 : memref<1x16x128xi32, #tpu.memory_space<hbm>> -> memref<16x128xi32, #tpu.memory_space<hbm>>
          tpu.enqueue_dma source(%dma_start3A_67 : memref<16x128xi32, #tpu.memory_space<hbm>>) target(%arg7 : memref<16x128xi32, #tpu.memory_space<vmem>>) target_semaphore(%run_scoped3A : memref<!tpu.dma_semaphore, #tpu.memory_space<semaphore_mem>>)
          %dma_wait3A_68 = arith.constant 0 : i32
          %dma_wait3A_69 = tpu.memref_slice %arg4[%add3A, %mul3A_54, %dma_wait3A_68] : memref<32x80x128xi32, #tpu.memory_space<hbm>> -> memref<1x16x128xi32, #tpu.memory_space<hbm>>
          %dma_wait3A_70 = tpu.memref_squeeze %dma_wait3A_69 : memref<1x16x128xi32, #tpu.memory_space<hbm>> -> memref<16x128xi32, #tpu.memory_space<hbm>>
          %dma_wait3A_71 = arith.constant 0 : i32
          %dma_wait3A_72 = tpu.memref_slice %arg4[%add3A, %mul3A_54, %dma_wait3A_71] : memref<32x80x128xi32, #tpu.memory_space<hbm>> -> memref<1x16x128xi32, #tpu.memory_space<hbm>>
          %dma_wait3A_73 = tpu.memref_squeeze %dma_wait3A_72 : memref<1x16x128xi32, #tpu.memory_space<hbm>> -> memref<16x128xi32, #tpu.memory_space<hbm>>
          tpu.wait_dma2 semaphore(%run_scoped3A : memref<!tpu.dma_semaphore, #tpu.memory_space<semaphore_mem>>) src(%dma_wait3A_73 : memref<16x128xi32, #tpu.memory_space<hbm>>) dst(%arg7 : memref<16x128xi32, #tpu.memory_space<vmem>>)
          tpu.yield
        }) : () -> ()
        %dma_start3A_55 = arith.constant 0 : i32
        %dma_start3A_56 = arith.constant 0 : i32
        %dma_start3A_57 = tpu.memref_slice %arg6[%dma_start3A_55, %dma_start3A_56] : memref<16x128xi32, #tpu.memory_space<vmem>> -> memref<1x128xi32, #tpu.memory_space<vmem>>
        %dma_start3A_58 = tpu.memref_squeeze %dma_start3A_57 : memref<1x128xi32, #tpu.memory_space<vmem>> -> memref<128xi32, #tpu.memory_space<vmem>>
        %dma_start3A_59 = arith.constant 0 : i32
        %dma_start3A_60 = arith.constant 0 : i32
        %dma_start3A_61 = tpu.memref_slice %arg2[%dma_start3A_59, %dma_start3A_60] : memref<10240x128xf32, #tpu.memory_space<hbm>> -> memref<10240x128xf32, #tpu.memory_space<hbm>>
        tpu.enqueue_indirect_dma source(%dma_start3A_61 : memref<10240x128xf32, #tpu.memory_space<hbm>>) target(%arg8 : memref<128x128xf32, #tpu.memory_space<vmem>>) offsets(%dma_start3A_58 : memref<128xi32, #tpu.memory_space<vmem>>) semaphore(%arg12 : memref<!tpu.dma_semaphore, #tpu.memory_space<semaphore_mem>>)
      } else {
      }
      %scan3A_40 = arith.constant 0 : i32
      %scan3A_41 = arith.constant 8 : i32
      %scan3A_42 = arith.addi %scan3A_40, %scan3A_41 : i32
      %scan3A_43 = arith.constant 1 : i32
      scf.for %scan3A_51 = %scan3A_40 to %scan3A_42 step %scan3A_43  : i32 {
        %mul3A_52 = arith.constant 1 : i32
        %mul3A_53 = arith.muli %scan3A_51, %mul3A_52 : i32
        %add3A_54 = arith.constant 0 : i32
        %add3A_55 = arith.addi %add3A_54, %mul3A_53 : i32
        %mul3A_56 = arith.constant 2 : i32
        %mul3A_57 = arith.muli %add3A_55, %mul3A_56 : i32
        %dma_wait3A_58 = arith.constant 0 : i32
        %dma_wait3A_59 = tpu.memref_slice %arg6[%mul3A_57, %dma_wait3A_58] : memref<16x128xi32, #tpu.memory_space<vmem>> -> memref<1x128xi32, #tpu.memory_space<vmem>>
        %dma_wait3A_60 = tpu.memref_squeeze %dma_wait3A_59 : memref<1x128xi32, #tpu.memory_space<vmem>> -> memref<128xi32, #tpu.memory_space<vmem>>
        %dma_wait3A_61 = arith.constant 0 : i32
        %dma_wait3A_62 = arith.constant 0 : i32
        %dma_wait3A_63 = tpu.memref_slice %arg2[%dma_wait3A_61, %dma_wait3A_62] : memref<10240x128xf32, #tpu.memory_space<hbm>> -> memref<10240x128xf32, #tpu.memory_space<hbm>>
        tpu.wait_indirect_dma semaphore(%arg12 : memref<!tpu.dma_semaphore, #tpu.memory_space<semaphore_mem>>) src(%dma_wait3A_63 : memref<10240x128xf32, #tpu.memory_space<hbm>>) dst(%arg8 : memref<128x128xf32, #tpu.memory_space<vmem>>)
        %add3A_64 = arith.constant 1 : i32
        %add3A_65 = arith.addi %mul3A_57, %add3A_64 : i32
        %dma_start3A_66 = arith.constant 0 : i32
        %dma_start3A_67 = tpu.memref_slice %arg6[%add3A_65, %dma_start3A_66] : memref<16x128xi32, #tpu.memory_space<vmem>> -> memref<1x128xi32, #tpu.memory_space<vmem>>
        %dma_start3A_68 = tpu.memref_squeeze %dma_start3A_67 : memref<1x128xi32, #tpu.memory_space<vmem>> -> memref<128xi32, #tpu.memory_space<vmem>>
        %dma_start3A_69 = arith.constant 0 : i32
        %dma_start3A_70 = arith.constant 0 : i32
        %dma_start3A_71 = tpu.memref_slice %arg2[%dma_start3A_69, %dma_start3A_70] : memref<10240x128xf32, #tpu.memory_space<hbm>> -> memref<10240x128xf32, #tpu.memory_space<hbm>>
        tpu.enqueue_indirect_dma source(%dma_start3A_71 : memref<10240x128xf32, #tpu.memory_space<hbm>>) target(%arg9 : memref<128x128xf32, #tpu.memory_space<vmem>>) offsets(%dma_start3A_68 : memref<128xi32, #tpu.memory_space<vmem>>) semaphore(%arg13 : memref<!tpu.dma_semaphore, #tpu.memory_space<semaphore_mem>>)
        "tpu.region"() ({
          %run_scoped3A = tpu.sem_alloc : memref<!tpu.dma_semaphore, #tpu.memory_space<semaphore_mem>>
          %dma_start3A_99 = arith.constant 0 : i32
          %dma_start3A_100 = tpu.memref_slice %arg7[%mul3A_57, %dma_start3A_99] : memref<16x128xi32, #tpu.memory_space<vmem>> -> memref<1x128xi32, #tpu.memory_space<vmem>>
          %dma_start3A_101 = tpu.memref_squeeze %dma_start3A_100 : memref<1x128xi32, #tpu.memory_space<vmem>> -> memref<128xi32, #tpu.memory_space<vmem>>
          %dma_start3A_102 = arith.constant 0 : i32
          %dma_start3A_103 = arith.constant 0 : i32
          %dma_start3A_104 = tpu.memref_slice %arg16[%dma_start3A_102, %dma_start3A_103] : memref<10240x128xf32, #tpu.memory_space<vmem_shared>> -> memref<10240x128xf32, #tpu.memory_space<vmem_shared>>
          tpu.enqueue_indirect_dma source(%arg8 : memref<128x128xf32, #tpu.memory_space<vmem>>) target(%dma_start3A_104 : memref<10240x128xf32, #tpu.memory_space<vmem_shared>>) offsets(%dma_start3A_101 : memref<128xi32, #tpu.memory_space<vmem>>) semaphore(%run_scoped3A : memref<!tpu.dma_semaphore, #tpu.memory_space<semaphore_mem>>) {add = true}
          %dma_wait3A_105 = arith.constant 0 : i32
          %dma_wait3A_106 = tpu.memref_slice %arg7[%mul3A_57, %dma_wait3A_105] : memref<16x128xi32, #tpu.memory_space<vmem>> -> memref<1x128xi32, #tpu.memory_space<vmem>>
          %dma_wait3A_107 = tpu.memref_squeeze %dma_wait3A_106 : memref<1x128xi32, #tpu.memory_space<vmem>> -> memref<128xi32, #tpu.memory_space<vmem>>
          %dma_wait3A_108 = arith.constant 0 : i32
          %dma_wait3A_109 = arith.constant 0 : i32
          %dma_wait3A_110 = tpu.memref_slice %arg16[%dma_wait3A_108, %dma_wait3A_109] : memref<10240x128xf32, #tpu.memory_space<vmem_shared>> -> memref<10240x128xf32, #tpu.memory_space<vmem_shared>>
          tpu.wait_indirect_dma semaphore(%run_scoped3A : memref<!tpu.dma_semaphore, #tpu.memory_space<semaphore_mem>>) src(%arg8 : memref<128x128xf32, #tpu.memory_space<vmem>>) dst(%dma_wait3A_110 : memref<10240x128xf32, #tpu.memory_space<vmem_shared>>)
          tpu.yield
        }) : () -> ()
        %add3A_72 = arith.constant 1 : i32
        %add3A_73 = arith.addi %mul3A_57, %add3A_72 : i32
        %dma_wait3A_74 = arith.constant 0 : i32
        %dma_wait3A_75 = tpu.memref_slice %arg6[%add3A_73, %dma_wait3A_74] : memref<16x128xi32, #tpu.memory_space<vmem>> -> memref<1x128xi32, #tpu.memory_space<vmem>>
        %dma_wait3A_76 = tpu.memref_squeeze %dma_wait3A_75 : memref<1x128xi32, #tpu.memory_space<vmem>> -> memref<128xi32, #tpu.memory_space<vmem>>
        %dma_wait3A_77 = arith.constant 0 : i32
        %dma_wait3A_78 = arith.constant 0 : i32
        %dma_wait3A_79 = tpu.memref_slice %arg2[%dma_wait3A_77, %dma_wait3A_78] : memref<10240x128xf32, #tpu.memory_space<hbm>> -> memref<10240x128xf32, #tpu.memory_space<hbm>>
        tpu.wait_indirect_dma semaphore(%arg13 : memref<!tpu.dma_semaphore, #tpu.memory_space<semaphore_mem>>) src(%dma_wait3A_79 : memref<10240x128xf32, #tpu.memory_space<hbm>>) dst(%arg9 : memref<128x128xf32, #tpu.memory_space<vmem>>)
        %add3A_80 = arith.constant 2 : i32
        %add3A_81 = arith.addi %mul3A_57, %add3A_80 : i32
        %jit3A = arith.constant 16 : i32
        %eq3A = arith.constant 0 : i32
        %eq3A_82 = arith.cmpi eq, %jit3A, %eq3A : i32
        %jit3A_83 = arith.constant 1 : i32
        %select_n3A = arith.select %eq3A_82, %jit3A_83, %jit3A : i32
        %rem3A = arith.remsi %add3A_81, %select_n3A : i32
        %ne3A = arith.constant 0 : i32
        %ne3A_84 = arith.cmpi ne, %rem3A, %ne3A : i32
        %lt3A = arith.constant 0 : i32
        %lt3A_85 = arith.cmpi slt, %rem3A, %lt3A : i32
        %lt3A_86 = arith.constant 0 : i32
        %lt3A_87 = arith.cmpi slt, %select_n3A, %lt3A_86 : i32
        %ne3A_88 = arith.xori %lt3A_85, %lt3A_87 : i1
        %and3A = arith.andi %ne3A_88, %ne3A_84 : i1
        %add3A_89 = arith.addi %rem3A, %select_n3A : i32
        %select_n3A_90 = arith.select %and3A, %add3A_89, %rem3A : i32
        %dma_start3A_91 = arith.constant 0 : i32
        %dma_start3A_92 = tpu.memref_slice %arg6[%select_n3A_90, %dma_start3A_91] : memref<16x128xi32, #tpu.memory_space<vmem>> -> memref<1x128xi32, #tpu.memory_space<vmem>>
        %dma_start3A_93 = tpu.memref_squeeze %dma_start3A_92 : memref<1x128xi32, #tpu.memory_space<vmem>> -> memref<128xi32, #tpu.memory_space<vmem>>
        %dma_start3A_94 = arith.constant 0 : i32
        %dma_start3A_95 = arith.constant 0 : i32
        %dma_start3A_96 = tpu.memref_slice %arg2[%dma_start3A_94, %dma_start3A_95] : memref<10240x128xf32, #tpu.memory_space<hbm>> -> memref<10240x128xf32, #tpu.memory_space<hbm>>
        tpu.enqueue_indirect_dma source(%dma_start3A_96 : memref<10240x128xf32, #tpu.memory_space<hbm>>) target(%arg8 : memref<128x128xf32, #tpu.memory_space<vmem>>) offsets(%dma_start3A_93 : memref<128xi32, #tpu.memory_space<vmem>>) semaphore(%arg12 : memref<!tpu.dma_semaphore, #tpu.memory_space<semaphore_mem>>)
        %add3A_97 = arith.constant 1 : i32
        %add3A_98 = arith.addi %mul3A_57, %add3A_97 : i32
        "tpu.region"() ({
          %run_scoped3A = tpu.sem_alloc : memref<!tpu.dma_semaphore, #tpu.memory_space<semaphore_mem>>
          %dma_start3A_99 = arith.constant 0 : i32
          %dma_start3A_100 = tpu.memref_slice %arg7[%add3A_98, %dma_start3A_99] : memref<16x128xi32, #tpu.memory_space<vmem>> -> memref<1x128xi32, #tpu.memory_space<vmem>>
          %dma_start3A_101 = tpu.memref_squeeze %dma_start3A_100 : memref<1x128xi32, #tpu.memory_space<vmem>> -> memref<128xi32, #tpu.memory_space<vmem>>
          %dma_start3A_102 = arith.constant 0 : i32
          %dma_start3A_103 = arith.constant 0 : i32
          %dma_start3A_104 = tpu.memref_slice %arg16[%dma_start3A_102, %dma_start3A_103] : memref<10240x128xf32, #tpu.memory_space<vmem_shared>> -> memref<10240x128xf32, #tpu.memory_space<vmem_shared>>
          tpu.enqueue_indirect_dma source(%arg9 : memref<128x128xf32, #tpu.memory_space<vmem>>) target(%dma_start3A_104 : memref<10240x128xf32, #tpu.memory_space<vmem_shared>>) offsets(%dma_start3A_101 : memref<128xi32, #tpu.memory_space<vmem>>) semaphore(%run_scoped3A : memref<!tpu.dma_semaphore, #tpu.memory_space<semaphore_mem>>) {add = true}
          %dma_wait3A_105 = arith.constant 0 : i32
          %dma_wait3A_106 = tpu.memref_slice %arg7[%add3A_98, %dma_wait3A_105] : memref<16x128xi32, #tpu.memory_space<vmem>> -> memref<1x128xi32, #tpu.memory_space<vmem>>
          %dma_wait3A_107 = tpu.memref_squeeze %dma_wait3A_106 : memref<1x128xi32, #tpu.memory_space<vmem>> -> memref<128xi32, #tpu.memory_space<vmem>>
          %dma_wait3A_108 = arith.constant 0 : i32
          %dma_wait3A_109 = arith.constant 0 : i32
          %dma_wait3A_110 = tpu.memref_slice %arg16[%dma_wait3A_108, %dma_wait3A_109] : memref<10240x128xf32, #tpu.memory_space<vmem_shared>> -> memref<10240x128xf32, #tpu.memory_space<vmem_shared>>
          tpu.wait_indirect_dma semaphore(%run_scoped3A : memref<!tpu.dma_semaphore, #tpu.memory_space<semaphore_mem>>) src(%arg9 : memref<128x128xf32, #tpu.memory_space<vmem>>) dst(%dma_wait3A_110 : memref<10240x128xf32, #tpu.memory_space<vmem_shared>>)
          tpu.yield
        }) : () -> ()
      }
      %scan3A_44 = arith.constant 8 : i32
      %dma_wait3A = arith.constant 0 : i32
      %dma_wait3A_45 = arith.constant 0 : i32
      %dma_wait3A_46 = tpu.memref_slice %arg6[%dma_wait3A, %dma_wait3A_45] : memref<16x128xi32, #tpu.memory_space<vmem>> -> memref<1x128xi32, #tpu.memory_space<vmem>>
      %dma_wait3A_47 = tpu.memref_squeeze %dma_wait3A_46 : memref<1x128xi32, #tpu.memory_space<vmem>> -> memref<128xi32, #tpu.memory_space<vmem>>
      %dma_wait3A_48 = arith.constant 0 : i32
      %dma_wait3A_49 = arith.constant 0 : i32
      %dma_wait3A_50 = tpu.memref_slice %arg2[%dma_wait3A_48, %dma_wait3A_49] : memref<10240x128xf32, #tpu.memory_space<hbm>> -> memref<10240x128xf32, #tpu.memory_space<hbm>>
      tpu.wait_indirect_dma semaphore(%arg12 : memref<!tpu.dma_semaphore, #tpu.memory_space<semaphore_mem>>) src(%dma_wait3A_50 : memref<10240x128xf32, #tpu.memory_space<hbm>>) dst(%arg8 : memref<128x128xf32, #tpu.memory_space<vmem>>)
    }
    %scan3A_26 = arith.constant 5 : i32
    %barrier3A_27 = arith.constant 0 : index
    tpu.barrier barrier_id(%barrier3A_27)
    %scan3A_28 = arith.constant 0 : i32
    %scan3A_29 = arith.constant 10 : i32
    %scan3A_30 = arith.addi %scan3A_28, %scan3A_29 : i32
    %scan3A_31 = arith.constant 1 : i32
    scf.for %scan3A_33 = %scan3A_28 to %scan3A_30 step %scan3A_31  : i32 {
      %mul3A_34 = arith.constant 1 : i32
      %mul3A_35 = arith.muli %scan3A_33, %mul3A_34 : i32
      %add3A_36 = arith.constant 0 : i32
      %add3A_37 = arith.addi %add3A_36, %mul3A_35 : i32
      %mul3A_38 = arith.constant 640 : i32
      %mul3A_39 = arith.muli %arg1, %mul3A_38 : i32
      %mul3A_40 = arith.constant 2 : i32
      %mul3A_41 = arith.muli %mul3A_40, %add3A_37 : i32
      %mul3A_42 = arith.constant 32 : i32
      %mul3A_43 = arith.muli %mul3A_41, %mul3A_42 : i32
      %add3A_44 = arith.addi %mul3A_39, %mul3A_43 : i32
      %add3A_45 = arith.constant 32 : i32
      %add3A_46 = arith.addi %add3A_44, %add3A_45 : i32
      "tpu.region"() ({
        %run_scoped3A = tpu.sem_alloc : memref<!tpu.dma_semaphore, #tpu.memory_space<semaphore_mem>>
        %dma_start3A_74 = arith.constant 0 : i32
        %dma_start3A_75 = tpu.memref_slice %arg16[%add3A_44, %dma_start3A_74] : memref<10240x128xf32, #tpu.memory_space<vmem_shared>> -> memref<32x128xf32, #tpu.memory_space<vmem_shared>>
        %dma_start3A_76 = arith.constant 0 : i32
        %dma_start3A_77 = tpu.memref_slice %arg16[%add3A_44, %dma_start3A_76] : memref<10240x128xf32, #tpu.memory_space<vmem_shared>> -> memref<32x128xf32, #tpu.memory_space<vmem_shared>>
        tpu.enqueue_dma source(%dma_start3A_77 : memref<32x128xf32, #tpu.memory_space<vmem_shared>>) target(%arg10 : memref<32x128xf32, #tpu.memory_space<vmem>>) target_semaphore(%run_scoped3A : memref<!tpu.dma_semaphore, #tpu.memory_space<semaphore_mem>>)
        %dma_wait3A_78 = arith.constant 0 : i32
        %dma_wait3A_79 = tpu.memref_slice %arg16[%add3A_44, %dma_wait3A_78] : memref<10240x128xf32, #tpu.memory_space<vmem_shared>> -> memref<32x128xf32, #tpu.memory_space<vmem_shared>>
        %dma_wait3A_80 = arith.constant 0 : i32
        %dma_wait3A_81 = tpu.memref_slice %arg16[%add3A_44, %dma_wait3A_80] : memref<10240x128xf32, #tpu.memory_space<vmem_shared>> -> memref<32x128xf32, #tpu.memory_space<vmem_shared>>
        tpu.wait_dma2 semaphore(%run_scoped3A : memref<!tpu.dma_semaphore, #tpu.memory_space<semaphore_mem>>) src(%dma_wait3A_81 : memref<32x128xf32, #tpu.memory_space<vmem_shared>>) dst(%arg10 : memref<32x128xf32, #tpu.memory_space<vmem>>)
        tpu.yield
      }) : () -> ()
      %mul3A_47 = arith.constant 10240 : i32
      %mul3A_48 = arith.muli %arg0, %mul3A_47 : i32
      %add3A_49 = arith.addi %mul3A_48, %add3A_44 : i32
      %dma_start3A_50 = arith.constant 0 : i32
      %dma_start3A_51 = tpu.memref_slice %arg5[%add3A_49, %dma_start3A_50] : memref<20480x128xf32, #tpu.memory_space<hbm>> -> memref<32x128xf32, #tpu.memory_space<hbm>>
      %dma_start3A_52 = arith.constant 0 : i32
      %dma_start3A_53 = tpu.memref_slice %arg5[%add3A_49, %dma_start3A_52] : memref<20480x128xf32, #tpu.memory_space<hbm>> -> memref<32x128xf32, #tpu.memory_space<hbm>>
      tpu.enqueue_dma source(%arg10 : memref<32x128xf32, #tpu.memory_space<vmem>>) target(%dma_start3A_53 : memref<32x128xf32, #tpu.memory_space<hbm>>) target_semaphore(%arg15 : memref<!tpu.dma_semaphore, #tpu.memory_space<semaphore_mem>>)
      "tpu.region"() ({
        %run_scoped3A = tpu.sem_alloc : memref<!tpu.dma_semaphore, #tpu.memory_space<semaphore_mem>>
        %dma_start3A_74 = arith.constant 0 : i32
        %dma_start3A_75 = tpu.memref_slice %arg16[%add3A_46, %dma_start3A_74] : memref<10240x128xf32, #tpu.memory_space<vmem_shared>> -> memref<32x128xf32, #tpu.memory_space<vmem_shared>>
        %dma_start3A_76 = arith.constant 0 : i32
        %dma_start3A_77 = tpu.memref_slice %arg16[%add3A_46, %dma_start3A_76] : memref<10240x128xf32, #tpu.memory_space<vmem_shared>> -> memref<32x128xf32, #tpu.memory_space<vmem_shared>>
        tpu.enqueue_dma source(%dma_start3A_77 : memref<32x128xf32, #tpu.memory_space<vmem_shared>>) target(%arg11 : memref<32x128xf32, #tpu.memory_space<vmem>>) target_semaphore(%run_scoped3A : memref<!tpu.dma_semaphore, #tpu.memory_space<semaphore_mem>>)
        %dma_wait3A_78 = arith.constant 0 : i32
        %dma_wait3A_79 = tpu.memref_slice %arg16[%add3A_46, %dma_wait3A_78] : memref<10240x128xf32, #tpu.memory_space<vmem_shared>> -> memref<32x128xf32, #tpu.memory_space<vmem_shared>>
        %dma_wait3A_80 = arith.constant 0 : i32
        %dma_wait3A_81 = tpu.memref_slice %arg16[%add3A_46, %dma_wait3A_80] : memref<10240x128xf32, #tpu.memory_space<vmem_shared>> -> memref<32x128xf32, #tpu.memory_space<vmem_shared>>
        tpu.wait_dma2 semaphore(%run_scoped3A : memref<!tpu.dma_semaphore, #tpu.memory_space<semaphore_mem>>) src(%dma_wait3A_81 : memref<32x128xf32, #tpu.memory_space<vmem_shared>>) dst(%arg11 : memref<32x128xf32, #tpu.memory_space<vmem>>)
        tpu.yield
      }) : () -> ()
      %mul3A_54 = arith.constant 10240 : i32
      %mul3A_55 = arith.muli %arg0, %mul3A_54 : i32
      %add3A_56 = arith.addi %mul3A_55, %add3A_46 : i32
      %dma_start3A_57 = arith.constant 0 : i32
      %dma_start3A_58 = tpu.memref_slice %arg5[%add3A_56, %dma_start3A_57] : memref<20480x128xf32, #tpu.memory_space<hbm>> -> memref<32x128xf32, #tpu.memory_space<hbm>>
      %dma_start3A_59 = arith.constant 0 : i32
      %dma_start3A_60 = tpu.memref_slice %arg5[%add3A_56, %dma_start3A_59] : memref<20480x128xf32, #tpu.memory_space<hbm>> -> memref<32x128xf32, #tpu.memory_space<hbm>>
      tpu.enqueue_dma source(%arg11 : memref<32x128xf32, #tpu.memory_space<vmem>>) target(%dma_start3A_60 : memref<32x128xf32, #tpu.memory_space<hbm>>) target_semaphore(%arg15 : memref<!tpu.dma_semaphore, #tpu.memory_space<semaphore_mem>>)
      %mul3A_61 = arith.constant 10240 : i32
      %mul3A_62 = arith.muli %arg0, %mul3A_61 : i32
      %add3A_63 = arith.addi %mul3A_62, %add3A_44 : i32
      %dma_wait3A = arith.constant 0 : i32
      %dma_wait3A_64 = tpu.memref_slice %arg5[%add3A_63, %dma_wait3A] : memref<20480x128xf32, #tpu.memory_space<hbm>> -> memref<32x128xf32, #tpu.memory_space<hbm>>
      %dma_wait3A_65 = arith.constant 0 : i32
      %dma_wait3A_66 = tpu.memref_slice %arg5[%add3A_63, %dma_wait3A_65] : memref<20480x128xf32, #tpu.memory_space<hbm>> -> memref<32x128xf32, #tpu.memory_space<hbm>>
      tpu.wait_dma2 semaphore(%arg15 : memref<!tpu.dma_semaphore, #tpu.memory_space<semaphore_mem>>) src(%arg10 : memref<32x128xf32, #tpu.memory_space<vmem>>) dst(%dma_wait3A_66 : memref<32x128xf32, #tpu.memory_space<hbm>>)
      %mul3A_67 = arith.constant 10240 : i32
      %mul3A_68 = arith.muli %arg0, %mul3A_67 : i32
      %add3A_69 = arith.addi %mul3A_68, %add3A_46 : i32
      %dma_wait3A_70 = arith.constant 0 : i32
      %dma_wait3A_71 = tpu.memref_slice %arg5[%add3A_69, %dma_wait3A_70] : memref<20480x128xf32, #tpu.memory_space<hbm>> -> memref<32x128xf32, #tpu.memory_space<hbm>>
      %dma_wait3A_72 = arith.constant 0 : i32
      %dma_wait3A_73 = tpu.memref_slice %arg5[%add3A_69, %dma_wait3A_72] : memref<20480x128xf32, #tpu.memory_space<hbm>> -> memref<32x128xf32, #tpu.memory_space<hbm>>
      tpu.wait_dma2 semaphore(%arg15 : memref<!tpu.dma_semaphore, #tpu.memory_space<semaphore_mem>>) src(%arg11 : memref<32x128xf32, #tpu.memory_space<vmem>>) dst(%dma_wait3A_73 : memref<32x128xf32, #tpu.memory_space<hbm>>)
    }
    %scan3A_32 = arith.constant 10 : i32
    return
  }
}

module attributes {stable_mosaic.version = 14 : i64} {
  func.func @_y1_body(%arg0: i32, %arg1: memref<512x128xf32, #tpu.memory_space<vmem>>, %arg2: memref<512x1xf32, #tpu.memory_space<vmem>>, %arg3: memref<512x1xf32, #tpu.memory_space<vmem>>, %arg4: memref<128x128xf32, #tpu.memory_space<vmem>>, %arg5: memref<512x128xf32, #tpu.memory_space<vmem>>) attributes {dimension_semantics = [#tpu.dimension_semantics<arbitrary>], iteration_bounds = array<i64: 20>, scalar_prefetch = 0 : i64, scratch_operands = 0 : i64, tpu.core_type = #tpu.core_type<tc>, window_params = [{transform_indices = @transform_0, window_bounds = array<i64: 512, 128>}, {transform_indices = @transform_1, window_bounds = array<i64: 512, 1>}, {transform_indices = @transform_2, window_bounds = array<i64: 512, 1>}, {pipeline_mode = #tpu.pipeline_mode<synchronous>, transform_indices = @transform_3, window_bounds = array<i64: 128, 128>}, {transform_indices = @transform_4, window_bounds = array<i64: 512, 128>}]} {
    %get3A = arith.constant 0 : index
    %get3A_0 = arith.constant 0 : index
    %get3A_1 = vector.load %arg1[%get3A, %get3A_0] : memref<512x128xf32, #tpu.memory_space<vmem>>, vector<512x128xf32>
    %get3A_2 = arith.constant 0 : index
    %get3A_3 = arith.constant 0 : index
    %get3A_4 = vector.load %arg4[%get3A_2, %get3A_3] : memref<128x128xf32, #tpu.memory_space<vmem>>, vector<128x128xf32>
    %dot_general3A = arith.constant dense<0.000000e+00> : vector<512x128xf32>
    %dot_general3A_5 = tpu.matmul %get3A_1, %get3A_4, %dot_general3A {dimension_numbers = #tpu.dot_dimension_numbers<[1], [0], [0], [1], [0, 0, 1, 1], [], []>, precision = #tpu.contract_precision<fp32>, transpose_lhs_hint = false} : vector<512x128xf32>, vector<128x128xf32>, vector<512x128xf32> -> vector<512x128xf32>
    %get3A_6 = arith.constant 0 : index
    %get3A_7 = arith.constant 0 : index
    %get3A_8 = vector.load %arg2[%get3A_6, %get3A_7] : memref<512x1xf32, #tpu.memory_space<vmem>>, vector<512x1xf32>
    %get3A_9 = arith.constant 0 : index
    %get3A_10 = arith.constant 0 : index
    %get3A_11 = vector.load %arg3[%get3A_9, %get3A_10] : memref<512x1xf32, #tpu.memory_space<vmem>>, vector<512x1xf32>
    %add3A = arith.addf %get3A_8, %get3A_11 : vector<512x1xf32>
    %add3A_12 = arith.constant 1.000000e+00 : f32
    %add3A_13 = vector.broadcast %add3A_12 : f32 to vector<512x1xf32>
    %add3A_14 = arith.addf %add3A, %add3A_13 : vector<512x1xf32>
    %rsqrt3A = math.rsqrt %add3A_14 : vector<512x1xf32>
    %mul3A = vector.broadcast %rsqrt3A : vector<512x1xf32> to vector<512x128xf32>
    %mul3A_15 = arith.mulf %mul3A, %dot_general3A_5 : vector<512x128xf32>
    %swap3A = arith.constant 0 : index
    %swap3A_16 = arith.constant 0 : index
    %swap3A_17 = vector.load %arg5[%swap3A, %swap3A_16] : memref<512x128xf32, #tpu.memory_space<vmem>>, vector<512x128xf32>
    tpu.vector_store %arg5[%swap3A, %swap3A_16], %mul3A_15 {strides = array<i32>} : memref<512x128xf32, #tpu.memory_space<vmem>>, vector<512x128xf32>,
    return
  }
  func.func @transform_0(%arg0: i32) -> (i32, i32) {
    %c0_i32 = arith.constant 0 : i32
    %c0_i32_0 = arith.constant 0 : i32
    return %arg0, %c0_i32 : i32, i32
  }
  func.func @transform_1(%arg0: i32) -> (i32, i32) {
    %c0_i32 = arith.constant 0 : i32
    %c0_i32_0 = arith.constant 0 : i32
    return %arg0, %c0_i32 : i32, i32
  }
  func.func @transform_2(%arg0: i32) -> (i32, i32) {
    %add3A = arith.constant 20 : i32
    %add3A_0 = arith.addi %arg0, %add3A : i32
    %c0_i32 = arith.constant 0 : i32
    %c0_i32_1 = arith.constant 0 : i32
    return %add3A_0, %c0_i32 : i32, i32
  }
  func.func @transform_3(%arg0: i32) -> (i32, i32) {
    %c0_i32 = arith.constant 0 : i32
    %c0_i32_0 = arith.constant 0 : i32
    %c0_i32_1 = arith.constant 0 : i32
    return %c0_i32, %c0_i32_0 : i32, i32
  }
  func.func @transform_4(%arg0: i32) -> (i32, i32) {
    %c0_i32 = arith.constant 0 : i32
    %c0_i32_0 = arith.constant 0 : i32
    return %arg0, %c0_i32 : i32, i32
  }
}

module attributes {stable_mosaic.version = 14 : i64} {
  func.func @_layer_body(%arg0: i32, %arg1: memref<512x128xf32, #tpu.memory_space<vmem>>, %arg2: memref<512x128xf32, #tpu.memory_space<vmem>>, %arg3: memref<512x128xf32, #tpu.memory_space<vmem>>, %arg4: memref<512x1xf32, #tpu.memory_space<vmem>>, %arg5: memref<512x1xf32, #tpu.memory_space<vmem>>, %arg6: memref<1x128xf32, #tpu.memory_space<vmem>>, %arg7: memref<128x128xf32, #tpu.memory_space<vmem>>, %arg8: memref<512x128xf32, #tpu.memory_space<vmem>>) attributes {dimension_semantics = [#tpu.dimension_semantics<arbitrary>], iteration_bounds = array<i64: 20>, scalar_prefetch = 0 : i64, scratch_operands = 0 : i64, tpu.core_type = #tpu.core_type<tc>, window_params = [{transform_indices = @transform_0, window_bounds = array<i64: 512, 128>}, {transform_indices = @transform_1, window_bounds = array<i64: 512, 128>}, {transform_indices = @transform_2, window_bounds = array<i64: 512, 128>}, {transform_indices = @transform_3, window_bounds = array<i64: 512, 1>}, {transform_indices = @transform_4, window_bounds = array<i64: 512, 1>}, {pipeline_mode = #tpu.pipeline_mode<synchronous>, transform_indices = @transform_5, window_bounds = array<i64: 1, 128>}, {pipeline_mode = #tpu.pipeline_mode<synchronous>, transform_indices = @transform_6, window_bounds = array<i64: 128, 128>}, {transform_indices = @transform_7, window_bounds = array<i64: 512, 128>}]} {
    %get3A = arith.constant 0 : index
    %get3A_0 = arith.constant 0 : index
    %get3A_1 = vector.load %arg4[%get3A, %get3A_0] : memref<512x1xf32, #tpu.memory_space<vmem>>, vector<512x1xf32>
    %get3A_2 = arith.constant 0 : index
    %get3A_3 = arith.constant 0 : index
    %get3A_4 = vector.load %arg5[%get3A_2, %get3A_3] : memref<512x1xf32, #tpu.memory_space<vmem>>, vector<512x1xf32>
    %add3A = arith.addf %get3A_1, %get3A_4 : vector<512x1xf32>
    %add3A_5 = arith.constant 1.000000e+00 : f32
    %add3A_6 = vector.broadcast %add3A_5 : f32 to vector<512x1xf32>
    %add3A_7 = arith.addf %add3A, %add3A_6 : vector<512x1xf32>
    %rsqrt3A = math.rsqrt %add3A_7 : vector<512x1xf32>
    %get3A_8 = arith.constant 0 : index
    %get3A_9 = arith.constant 0 : index
    %get3A_10 = vector.load %arg1[%get3A_8, %get3A_9] : memref<512x128xf32, #tpu.memory_space<vmem>>, vector<512x128xf32>
    %get3A_11 = arith.constant 0 : index
    %get3A_12 = arith.constant 0 : index
    %get3A_13 = vector.load %arg2[%get3A_11, %get3A_12] : memref<512x128xf32, #tpu.memory_space<vmem>>, vector<512x128xf32>
    %add3A_14 = arith.addf %get3A_10, %get3A_13 : vector<512x128xf32>
    %get3A_15 = arith.constant 0 : index
    %get3A_16 = arith.constant 0 : index
    %get3A_17 = vector.load %arg3[%get3A_15, %get3A_16] : memref<512x128xf32, #tpu.memory_space<vmem>>, vector<512x128xf32>
    %add3A_18 = arith.addf %add3A_14, %get3A_17 : vector<512x128xf32>
    %mul3A = vector.broadcast %rsqrt3A : vector<512x1xf32> to vector<512x128xf32>
    %mul3A_19 = arith.mulf %mul3A, %add3A_18 : vector<512x128xf32>
    %get3A_20 = arith.constant 0 : index
    %get3A_21 = arith.constant 0 : index
    %get3A_22 = vector.load %arg6[%get3A_20, %get3A_21] : memref<1x128xf32, #tpu.memory_space<vmem>>, vector<1x128xf32>
    %add3A_23 = vector.broadcast %get3A_22 : vector<1x128xf32> to vector<512x128xf32>
    %add3A_24 = arith.addf %mul3A_19, %add3A_23 : vector<512x128xf32>
    %max3A = arith.constant 0.000000e+00 : f32
    %max3A_25 = vector.broadcast %max3A : f32 to vector<512x128xf32>
    %max3A_26 = arith.maximumf %add3A_24, %max3A_25 : vector<512x128xf32>
    %get3A_27 = arith.constant 0 : index
    %get3A_28 = arith.constant 0 : index
    %get3A_29 = vector.load %arg7[%get3A_27, %get3A_28] : memref<128x128xf32, #tpu.memory_space<vmem>>, vector<128x128xf32>
    %dot_general3A = arith.constant dense<0.000000e+00> : vector<512x128xf32>
    %dot_general3A_30 = tpu.matmul %max3A_26, %get3A_29, %dot_general3A {dimension_numbers = #tpu.dot_dimension_numbers<[1], [0], [0], [1], [0, 0, 1, 1], [], []>, precision = #tpu.contract_precision<fp32>, transpose_lhs_hint = false} : vector<512x128xf32>, vector<128x128xf32>, vector<512x128xf32> -> vector<512x128xf32>
    %mul3A_31 = vector.broadcast %rsqrt3A : vector<512x1xf32> to vector<512x128xf32>
    %mul3A_32 = arith.mulf %mul3A_31, %dot_general3A_30 : vector<512x128xf32>
    %swap3A = arith.constant 0 : index
    %swap3A_33 = arith.constant 0 : index
    %swap3A_34 = vector.load %arg8[%swap3A, %swap3A_33] : memref<512x128xf32, #tpu.memory_space<vmem>>, vector<512x128xf32>
    tpu.vector_store %arg8[%swap3A, %swap3A_33], %mul3A_32 {strides = array<i32>} : memref<512x128xf32, #tpu.memory_space<vmem>>, vector<512x128xf32>,
    return
  }
  func.func @transform_0(%arg0: i32) -> (i32, i32) {
    %c0_i32 = arith.constant 0 : i32
    %c0_i32_0 = arith.constant 0 : i32
    return %arg0, %c0_i32 : i32, i32
  }
  func.func @transform_1(%arg0: i32) -> (i32, i32) {
    %add3A = arith.constant 20 : i32
    %add3A_0 = arith.addi %arg0, %add3A : i32
    %c0_i32 = arith.constant 0 : i32
    %c0_i32_1 = arith.constant 0 : i32
    return %add3A_0, %c0_i32 : i32, i32
  }
  func.func @transform_2(%arg0: i32) -> (i32, i32) {
    %c0_i32 = arith.constant 0 : i32
    %c0_i32_0 = arith.constant 0 : i32
    return %arg0, %c0_i32 : i32, i32
  }
  func.func @transform_3(%arg0: i32) -> (i32, i32) {
    %c0_i32 = arith.constant 0 : i32
    %c0_i32_0 = arith.constant 0 : i32
    return %arg0, %c0_i32 : i32, i32
  }
  func.func @transform_4(%arg0: i32) -> (i32, i32) {
    %add3A = arith.constant 20 : i32
    %add3A_0 = arith.addi %arg0, %add3A : i32
    %c0_i32 = arith.constant 0 : i32
    %c0_i32_1 = arith.constant 0 : i32
    return %add3A_0, %c0_i32 : i32, i32
  }
  func.func @transform_5(%arg0: i32) -> (i32, i32) {
    %c0_i32 = arith.constant 0 : i32
    %c0_i32_0 = arith.constant 0 : i32
    %c0_i32_1 = arith.constant 0 : i32
    return %c0_i32, %c0_i32_0 : i32, i32
  }
  func.func @transform_6(%arg0: i32) -> (i32, i32) {
    %c0_i32 = arith.constant 0 : i32
    %c0_i32_0 = arith.constant 0 : i32
    %c0_i32_1 = arith.constant 0 : i32
    return %c0_i32, %c0_i32_0 : i32, i32
  }
  func.func @transform_7(%arg0: i32) -> (i32, i32) {
    %c0_i32 = arith.constant 0 : i32
    %c0_i32_0 = arith.constant 0 : i32
    return %arg0, %c0_i32 : i32, i32
  }
}

module attributes {stable_mosaic.version = 14 : i64} {
  func.func @_final_body(%arg0: i32, %arg1: memref<512x128xf32, #tpu.memory_space<vmem>>, %arg2: memref<512x128xf32, #tpu.memory_space<vmem>>, %arg3: memref<512x128xf32, #tpu.memory_space<vmem>>, %arg4: memref<512x1xf32, #tpu.memory_space<vmem>>, %arg5: memref<512x1xf32, #tpu.memory_space<vmem>>, %arg6: memref<1x128xf32, #tpu.memory_space<vmem>>, %arg7: memref<128x64xf32, #tpu.memory_space<vmem>>, %arg8: memref<1x768xf32, #tpu.memory_space<vmem>>, %arg9: memref<768x64xf32, #tpu.memory_space<vmem>>, %arg10: memref<1x64xf32, #tpu.memory_space<vmem>>, %arg11: memref<512x64xf32, #tpu.memory_space<vmem>>) attributes {dimension_semantics = [#tpu.dimension_semantics<arbitrary>], iteration_bounds = array<i64: 20>, scalar_prefetch = 0 : i64, scratch_operands = 0 : i64, tpu.core_type = #tpu.core_type<tc>, window_params = [{transform_indices = @transform_0, window_bounds = array<i64: 512, 128>}, {transform_indices = @transform_1, window_bounds = array<i64: 512, 128>}, {transform_indices = @transform_2, window_bounds = array<i64: 512, 128>}, {transform_indices = @transform_3, window_bounds = array<i64: 512, 1>}, {transform_indices = @transform_4, window_bounds = array<i64: 512, 1>}, {pipeline_mode = #tpu.pipeline_mode<synchronous>, transform_indices = @transform_5, window_bounds = array<i64: 1, 128>}, {pipeline_mode = #tpu.pipeline_mode<synchronous>, transform_indices = @transform_6, window_bounds = array<i64: 128, 64>}, {pipeline_mode = #tpu.pipeline_mode<synchronous>, transform_indices = @transform_7, window_bounds = array<i64: 1, 768>}, {pipeline_mode = #tpu.pipeline_mode<synchronous>, transform_indices = @transform_8, window_bounds = array<i64: 768, 64>}, {pipeline_mode = #tpu.pipeline_mode<synchronous>, transform_indices = @transform_9, window_bounds = array<i64: 1, 64>}, {transform_indices = @transform_10, window_bounds = array<i64: 512, 64>}]} {
    %get3A = arith.constant 0 : index
    %get3A_0 = arith.constant 0 : index
    %get3A_1 = vector.load %arg4[%get3A, %get3A_0] : memref<512x1xf32, #tpu.memory_space<vmem>>, vector<512x1xf32>
    %get3A_2 = arith.constant 0 : index
    %get3A_3 = arith.constant 0 : index
    %get3A_4 = vector.load %arg5[%get3A_2, %get3A_3] : memref<512x1xf32, #tpu.memory_space<vmem>>, vector<512x1xf32>
    %add3A = arith.addf %get3A_1, %get3A_4 : vector<512x1xf32>
    %add3A_5 = arith.constant 1.000000e+00 : f32
    %add3A_6 = vector.broadcast %add3A_5 : f32 to vector<512x1xf32>
    %add3A_7 = arith.addf %add3A, %add3A_6 : vector<512x1xf32>
    %rsqrt3A = math.rsqrt %add3A_7 : vector<512x1xf32>
    %get3A_8 = arith.constant 0 : index
    %get3A_9 = arith.constant 0 : index
    %get3A_10 = vector.load %arg1[%get3A_8, %get3A_9] : memref<512x128xf32, #tpu.memory_space<vmem>>, vector<512x128xf32>
    %get3A_11 = arith.constant 0 : index
    %get3A_12 = arith.constant 0 : index
    %get3A_13 = vector.load %arg2[%get3A_11, %get3A_12] : memref<512x128xf32, #tpu.memory_space<vmem>>, vector<512x128xf32>
    %add3A_14 = arith.addf %get3A_10, %get3A_13 : vector<512x128xf32>
    %get3A_15 = arith.constant 0 : index
    %get3A_16 = arith.constant 0 : index
    %get3A_17 = vector.load %arg3[%get3A_15, %get3A_16] : memref<512x128xf32, #tpu.memory_space<vmem>>, vector<512x128xf32>
    %add3A_18 = arith.addf %add3A_14, %get3A_17 : vector<512x128xf32>
    %mul3A = vector.broadcast %rsqrt3A : vector<512x1xf32> to vector<512x128xf32>
    %mul3A_19 = arith.mulf %mul3A, %add3A_18 : vector<512x128xf32>
    %get3A_20 = arith.constant 0 : index
    %get3A_21 = arith.constant 0 : index
    %get3A_22 = vector.load %arg6[%get3A_20, %get3A_21] : memref<1x128xf32, #tpu.memory_space<vmem>>, vector<1x128xf32>
    %add3A_23 = vector.broadcast %get3A_22 : vector<1x128xf32> to vector<512x128xf32>
    %add3A_24 = arith.addf %mul3A_19, %add3A_23 : vector<512x128xf32>
    %get3A_25 = arith.constant 0 : index
    %get3A_26 = arith.constant 0 : index
    %get3A_27 = vector.load %arg8[%get3A_25, %get3A_26] : memref<1x768xf32, #tpu.memory_space<vmem>>, vector<1x768xf32>
    %get3A_28 = arith.constant 0 : index
    %get3A_29 = arith.constant 0 : index
    %get3A_30 = vector.load %arg9[%get3A_28, %get3A_29] : memref<768x64xf32, #tpu.memory_space<vmem>>, vector<768x64xf32>
    %dot_general3A = arith.constant dense<0.000000e+00> : vector<1x64xf32>
    %dot_general3A_31 = tpu.matmul %get3A_27, %get3A_30, %dot_general3A {dimension_numbers = #tpu.dot_dimension_numbers<[1], [0], [0], [1], [0, 0, 1, 1], [], []>, precision = #tpu.contract_precision<fp32>, transpose_lhs_hint = false} : vector<1x768xf32>, vector<768x64xf32>, vector<1x64xf32> -> vector<1x64xf32>
    %get3A_32 = arith.constant 0 : index
    %get3A_33 = arith.constant 0 : index
    %get3A_34 = vector.load %arg7[%get3A_32, %get3A_33] : memref<128x64xf32, #tpu.memory_space<vmem>>, vector<128x64xf32>
    %dot_general3A_35 = arith.constant dense<0.000000e+00> : vector<512x64xf32>
    %dot_general3A_36 = tpu.matmul %add3A_24, %get3A_34, %dot_general3A_35 {dimension_numbers = #tpu.dot_dimension_numbers<[1], [0], [0], [1], [0, 0, 1, 1], [], []>, precision = #tpu.contract_precision<fp32>, transpose_lhs_hint = false} : vector<512x128xf32>, vector<128x64xf32>, vector<512x64xf32> -> vector<512x64xf32>
    %add3A_37 = vector.broadcast %dot_general3A_31 : vector<1x64xf32> to vector<512x64xf32>
    %add3A_38 = arith.addf %dot_general3A_36, %add3A_37 : vector<512x64xf32>
    %get3A_39 = arith.constant 0 : index
    %get3A_40 = arith.constant 0 : index
    %get3A_41 = vector.load %arg10[%get3A_39, %get3A_40] : memref<1x64xf32, #tpu.memory_space<vmem>>, vector<1x64xf32>
    %add3A_42 = vector.broadcast %get3A_41 : vector<1x64xf32> to vector<512x64xf32>
    %add3A_43 = arith.addf %add3A_38, %add3A_42 : vector<512x64xf32>
    %swap3A = arith.constant 0 : index
    %swap3A_44 = arith.constant 0 : index
    %swap3A_45 = vector.load %arg11[%swap3A, %swap3A_44] : memref<512x64xf32, #tpu.memory_space<vmem>>, vector<512x64xf32>
    tpu.vector_store %arg11[%swap3A, %swap3A_44], %add3A_43 {strides = array<i32>} : memref<512x64xf32, #tpu.memory_space<vmem>>, vector<512x64xf32>,
    return
  }
  func.func @transform_0(%arg0: i32) -> (i32, i32) {
    %c0_i32 = arith.constant 0 : i32
    %c0_i32_0 = arith.constant 0 : i32
    return %arg0, %c0_i32 : i32, i32
  }
  func.func @transform_1(%arg0: i32) -> (i32, i32) {
    %add3A = arith.constant 20 : i32
    %add3A_0 = arith.addi %arg0, %add3A : i32
    %c0_i32 = arith.constant 0 : i32
    %c0_i32_1 = arith.constant 0 : i32
    return %add3A_0, %c0_i32 : i32, i32
  }
  func.func @transform_2(%arg0: i32) -> (i32, i32) {
    %c0_i32 = arith.constant 0 : i32
    %c0_i32_0 = arith.constant 0 : i32
    return %arg0, %c0_i32 : i32, i32
  }
  func.func @transform_3(%arg0: i32) -> (i32, i32) {
    %c0_i32 = arith.constant 0 : i32
    %c0_i32_0 = arith.constant 0 : i32
    return %arg0, %c0_i32 : i32, i32
  }
  func.func @transform_4(%arg0: i32) -> (i32, i32) {
    %add3A = arith.constant 20 : i32
    %add3A_0 = arith.addi %arg0, %add3A : i32
    %c0_i32 = arith.constant 0 : i32
    %c0_i32_1 = arith.constant 0 : i32
    return %add3A_0, %c0_i32 : i32, i32
  }
  func.func @transform_5(%arg0: i32) -> (i32, i32) {
    %c0_i32 = arith.constant 0 : i32
    %c0_i32_0 = arith.constant 0 : i32
    %c0_i32_1 = arith.constant 0 : i32
    return %c0_i32, %c0_i32_0 : i32, i32
  }
  func.func @transform_6(%arg0: i32) -> (i32, i32) {
    %c0_i32 = arith.constant 0 : i32
    %c0_i32_0 = arith.constant 0 : i32
    %c0_i32_1 = arith.constant 0 : i32
    return %c0_i32, %c0_i32_0 : i32, i32
  }
  func.func @transform_7(%arg0: i32) -> (i32, i32) {
    %c0_i32 = arith.constant 0 : i32
    %c0_i32_0 = arith.constant 0 : i32
    %c0_i32_1 = arith.constant 0 : i32
    return %c0_i32, %c0_i32_0 : i32, i32
  }
  func.func @transform_8(%arg0: i32) -> (i32, i32) {
    %c0_i32 = arith.constant 0 : i32
    %c0_i32_0 = arith.constant 0 : i32
    %c0_i32_1 = arith.constant 0 : i32
    return %c0_i32, %c0_i32_0 : i32, i32
  }
  func.func @transform_9(%arg0: i32) -> (i32, i32) {
    %c0_i32 = arith.constant 0 : i32
    %c0_i32_0 = arith.constant 0 : i32
    %c0_i32_1 = arith.constant 0 : i32
    return %c0_i32, %c0_i32_0 : i32, i32
  }
  func.func @transform_10(%arg0: i32) -> (i32, i32) {
    %c0_i32 = arith.constant 0 : i32
    %c0_i32_0 = arith.constant 0 : i32
    return %arg0, %c0_i32 : i32, i32
  }
}

</mosaic_0001>

<sc_bundles>
// kernel: kernel.11.cloned.1.call-start
scs
__scs_entry_jumppad:
0x0: {  	(pc) =	sbr.rel $0x88, $3  }
0x1: {  	(tag) =	ssettag $0x0;
	lr =	simm.s32 $0x1  }
0x2: {  	[smem:$0x3F98] =	sst lr;
	_ =	strace $0xD0000000  }
0x3: {  	_ = 	snop  }
0x4: {  	_ = 	snop  }
0x5: {  	_ = 	snop  }
0x6: {  	_ = 	snop  }
0x7: {  	_ = 	snop  }
__scs_overlays_trampoline_lowered:
0x8: {  	[smem:$0x3FA7] =	sst s0  }
0x9: {  	[smem:$0x3FA8] =	sst s1  }
0xa: {  	[smem:$0x3FA9] =	sst s2  }
0xb: {  	[smem:$0x3FAA] =	sst s3  }
0xc: {  	[smem:$0x3FAB] =	sst s4  }
0xd: {  	[smem:$0x3FAC] =	sst s5  }
0xe: {  	[smem:$0x3FAD] =	sst s6  }
0xf: {  	[smem:$0x3FAE] =	sst s7  }
0x10: {  	[smem:$0x3FAF] =	sst s8  }
0x11: {  	[smem:$0x3FB0] =	sst s9;
	s0 =	simm.s32 @!p0 $0x0  }
0x12: {  	s1 =	sld [smem:$0x3F96];
	s0 =	simm.s32 @p0 $0x1  }
0x13: {  	[smem:$0x3FB1] =	sst s0;
	s0 =	simm.s32 @!p1 $0x0  }
0x14: {  	s2 =	sld [smem:$0x3F95];
	s0 =	simm.s32 @p1 $0x1  }
0x15: {  	[smem:$0x3FB2] =	sst s0;
	s0 =	simm.s32 @!p2 $0x0  }
0x16: {  	s3 =	sld [smem:$0x3FDB];
	s0 =	simm.s32 @p2 $0x1  }
0x17: {  	s4 =	simm.s32 $0x1BF5;
	[smem:$0x3FB4] =	sst s0  }
0x18: {  	s0 =	sld [smem:$0x3F97];
	_ =	swait.ge [sflag:s4], $0x0  }
0x19: {  	s7 =	sld [smem:$0x3F98]  }
0x1a: {  	s8 =	sadd.s32 $0xFFFFE003, lr  }
0x1b: {  	s9 =	sadd.s32 $0xFFFFFEF7, lr;
	s5 =	simm.s32 $0xFFFFFFFF;
	p2 =	slt.u32 s8, $0xFFFFF086  }
0x1c: {  	p1 =	slt.u32 s9, $0xF7A;
	s5 =	simm.s32 @!p2 $0x0  }
0x1d: {  	s5 =	simm.s32 @p1 $0x1;
	p0 =	seq.s32 s7, s2  }
0x1e: {  	s7 =	smul.u32 @!p0 $0xF7A, s2;
	p2 =	seq.s32 @!p0 s5, $0x0  }
0x1f: {  	s9 =	smul.u32 $0xF7A, s1;
	s8 =	simm.s32 @!p0 $0x1BF5;
	p2 =	por !p2, p0  }
0x20: {  	[sflag:s8] =	ssyncset.s32 @!p0 $0xFFFFF086;
	s6 =	sadd.s32 @!p0 s3, s7;
	s7 =	simm.s32 @!p0 $0x108  }
0x21: {  	s3 =	sadd.s32 s3, s9;
	s6 =	sadd.s32 @!p0 $0x88, s6;
	s7 =	simm.s32 @p2 $0x1082  }
0x22: {  	[simem:s7], [sflag:s8] =	dma.local @!p0 [hbm:s6], $0xF7A  }
0x23: {  	s9 =	sor.u32 $0xD0000000, s2;
	s6 =	simm.s32 $0x108;
	_ =	swait.ge @!p0 [sflag:s8], $0x0  }
0x24: {  	s3 =	sadd.s32 $0x88, s3;
	s6 =	simm.s32 @!p1 $0x1082;
	[sflag:s4] =	ssyncset.s32 $0xFFFFF086  }
0x25: {  	[simem:s6], [sflag:s4] =	dma.local [hbm:s3], $0xF7A  }
0x26: {  	[smem:$0x3F98] =	sst s1;
	(tag) =	ssettag s2;
	_ =	strace s9  }
0x27: {  	s1 =	sld [smem:$0x3FA8]  }
0x28: {  	s2 =	sld [smem:$0x3FA9]  }
0x29: {  	s4 =	sld [smem:$0x3FAB]  }
0x2a: {  	p0 =	seq.s32 s5, $0x0;
	s5 =	sld [smem:$0x3FAC]  }
0x2b: {  	s6 =	sld [smem:$0x3FAD]  }
0x2c: {  	s7 =	sld [smem:$0x3FAE]  }
0x2d: {  	s3 =	simm.s32 $0x108;
	s8 =	sld [smem:$0x3FAF]  }
0x2e: {  	s3 =	simm.s32 @!p0 $0x1082;
	s9 =	sld [smem:$0x3FB0]  }
0x2f: {  	lr =	sadd.s32 s0, s3;
	s0 =	sld [smem:$0x3FA7]  }
0x30: {  	s3 =	sld [smem:$0x3FAA]  }
0x31: {  	[smem:$0x3FB3] =	sst s10  }
0x32: {  	s10 =	sld [smem:$0x3FB1];
	_ =	sdelay $0x3  }
0x33: {  	p0 =	seq.s32 s10, $0x1;
	s10 =	sld [smem:$0x3FB3];
	_ =	sdelay $0x3  }
0x34: {  	[smem:$0x3FB3] =	sst s10  }
0x35: {  	s10 =	sld [smem:$0x3FB2];
	_ =	sdelay $0x3  }
0x36: {  	p1 =	seq.s32 s10, $0x1;
	s10 =	sld [smem:$0x3FB3];
	_ =	sdelay $0x3  }
0x37: {  	[smem:$0x3FB3] =	sst s10  }
0x38: {  	s10 =	sld [smem:$0x3FB4]  }
0x39: {  	_ = 	snop;
	(pc) =	sbr.ind lr, $3  }
0x3a: {  	_ = 	snop  }
0x3b: {  	_ = 	snop  }
0x3c: {  	p2 =	seq.s32 s10, $0x1;
	s10 =	sld [smem:$0x3FB3]  }
0x3d: {  	_ =	shalt  }
0x3e: {  	_ =	shalt  }
0x3f: {  	_ =	shalt  }
0x40: {  	_ =	shalt  }
0x41: {  	_ =	shalt  }
0x42: {  	_ =	shalt  }
0x43: {  	_ =	shalt  }
0x44: {  	_ =	shalt  }
0x45: {  	_ =	shalt  }
0x46: {  	_ =	shalt  }
0x47: {  	_ =	shalt  }
0x48: {  	_ =	shalt  }
0x49: {  	_ =	shalt  }
0x4a: {  	_ =	shalt  }
0x4b: {  	_ =	shalt  }
0x4c: {  	_ =	shalt  }
0x4d: {  	_ =	shalt  }
0x4e: {  	_ =	shalt  }
0x4f: {  	_ =	shalt  }
0x50: {  	_ =	shalt  }
0x51: {  	_ =	shalt  }
0x52: {  	_ =	shalt  }
0x53: {  	_ =	shalt  }
0x54: {  	_ =	shalt  }
0x55: {  	_ =	shalt  }
0x56: {  	_ =	shalt  }
0x57: {  	_ =	shalt  }
0x58: {  	_ =	shalt  }
0x59: {  	_ =	shalt  }
0x5a: {  	_ =	shalt  }
0x5b: {  	_ =	shalt  }
0x5c: {  	_ =	shalt  }
0x5d: {  	_ =	shalt  }
0x5e: {  	_ =	shalt  }
0x5f: {  	_ =	shalt  }
0x60: {  	_ =	shalt  }
0x61: {  	_ =	shalt  }
0x62: {  	_ =	shalt  }
0x63: {  	_ =	shalt  }
0x64: {  	_ =	shalt  }
0x65: {  	_ =	shalt  }
0x66: {  	_ =	shalt  }
0x67: {  	_ =	shalt  }
0x68: {  	_ =	shalt  }
0x69: {  	_ =	shalt  }
0x6a: {  	_ =	shalt  }
0x6b: {  	_ =	shalt  }
0x6c: {  	_ =	shalt  }
0x6d: {  	_ =	shalt  }
0x6e: {  	_ =	shalt  }
0x6f: {  	_ =	shalt  }
0x70: {  	_ =	shalt  }
0x71: {  	_ =	shalt  }
0x72: {  	_ =	shalt  }
0x73: {  	_ =	shalt  }
0x74: {  	_ =	shalt  }
0x75: {  	_ =	shalt  }
0x76: {  	_ =	shalt  }
0x77: {  	_ =	shalt  }
0x78: {  	_ =	shalt  }
0x79: {  	_ =	shalt  }
0x7a: {  	_ =	shalt  }
0x7b: {  	_ =	shalt  }
0x7c: {  	_ =	shalt  }
0x7d: {  	_ =	shalt  }
0x7e: {  	_ =	shalt  }
0x7f: {  	_ =	shalt  }
0x80: {  	_ =	shalt  }
0x81: {  	_ =	shalt  }
0x82: {  	_ =	shalt  }
0x83: {  	_ =	shalt  }
0x84: {  	_ =	shalt  }
0x85: {  	_ =	shalt  }
0x86: {  	_ =	shalt  }
0x87: {  	_ =	shalt  }
.Lfunc_end0:
.L_simem_size_0:
called_computation.1_lowered:
.L_overlay_start_0:
0x88: {  	s2 =	sld [smem:$0x3FD9]  }
0x89: {  	s3 =	sld [smem:$0x3FFE];
	_ =	sdelay $0x1  }
0x8a: {  	s1 =	srdreg.scid  }
0x8b: {  	s0 =	sand.u32 $0x1, s1  }
0x8c: {  	s17 =	sshll.u32 s0, $0xA;
	s2 =	sadd.s32 s3, s2  }
0x8d: {  	s2 =	sadd.s32 s2, s17  }
0x8e: {  	[smem:$0x3FBF] =	sst s2  }
0x8f: {  	_ = 	snop  }
0x90: {  	s2 =	sld [smem:$0x3FD0];
	(tm) =	ssettm $0x1  }
0x91: {  	s18 =	sld [smem:$0x3FFB];
	_ =	sdelay $0x3  }
0x92: {  	_ =	strace s18  }
0x93: {  	s3 =	sld [smem:$0x3FFC];
	_ =	sdelay $0x3  }
0x94: {  	_ =	strace s3  }
0x95: {  	s3 =	sld [smem:$0x3FFD];
	_ =	sdelay $0x3  }
0x96: {  	_ =	strace s3  }
0x97: {  	_ =	strace $0x8FFFFFFF  }
0x98: {  	s19 =	sld [smem:$0x3FDB];
	_ =	sdelay $0x1  }
0x99: {  	s4 =	simm.s32 $_scs_section_size  }
0x9a: {  	s5 =	simm.s32 $_size__tile_overlayer_lowered;
	s6 =	simm.s32 $_tile_overlayer_lowered  }
0x9b: {  	s22 =	simm.s32 $0x1BFF;
	s21 =	sshll.u32 s6, $0x1;
	s3 =	sadd.s32 s4, s19  }
0x9c: {  	s7 =	simm.s32 $0x0;
	s20 =	sshll.u32 s5, $0x1;
	s5 =	sadd.s32 s21, s3  }
0x9d: {  	[timem:s7], [sflag:s22] =	dma.local [hbm:s5], s20  }
0x9e: {  	_ =	swait.ge [sflag:s22], s20  }
0x9f: {  	s4 =	ssub.s32 $0x0, s20;
	[sflag:s22] =	ssyncset.done $0x0  }
0xa0: {  	[sflag:s22] =	ssyncadd.s32 s4;
	_ =	sdelay $0x1  }
0xa1: {  	s23 =	simm.s32 $0x1B8B  }
0xa2: {  	_ =	swait.ge [sflag:s23], $0x1  }
0xa3: {  	[sflag:s23] =	ssyncset.done $0x0  }
0xa4: {  	s25 =	simm.s32 $0x1B8E;
	s24 =	sld [smem:$0x3FFE];
	[sflag:s23] =	ssyncadd.s32 $0xFFFFFFFF  }
0xa5: {  	s26 =	simm.s32 $execute0_lowered;
	[smem:$0x3FD2] =	sst s25  }
0xa6: {  	s5 =	sshll.u32 s26, $0x1;
	_ =	strace $0x80000049;
	[dreg:$0x1] =	wrdreg $0xFFFFFFFF  }
0xa7: {  	s28 =	simm.s32 $_size_execute0_lowered;
	s3 =	sadd.s32 s3, s5;
	[dreg:$0x0] =	wrdreg $0x0  }
0xa8: {  	s5 =	sshll.u32 s28, $0x1;
	[dreg:$0x2] =	wrdreg s3  }
0xa9: {  	[dreg:$0x3] =	wrdreg s5  }
0xaa: {  	[dreg:$0x4] =	wrdreg $0xC0  }
0xab: {  	_ =	task [dreg:s7], $0x5FFFF  }
0xac: {  	[dreg:$0x1] =	wrdreg $0xFFFFFFFF  }
0xad: {  	[dreg:$0x0] =	wrdreg $0x60  }
0xae: {  	[dreg:$0x2] =	wrdreg s24  }
0xaf: {  	[dreg:$0x3] =	wrdreg s2  }
0xb0: {  	[dreg:$0x4] =	wrdreg $0xB0000  }
0xb1: {  	[dreg:$0x5] =	wrdreg $0x9  }
0xb2: {  	_ =	task.clear_ibuf [dreg:s7], $0x6FFFF;
	_ =	strace $0x90000049  }
0xb3: {  	s29 =	simm.s32 $0x9;
	_ =	strace $0x8000004B  }
0xb4: {  	_ =	swait.ge [sflag:s29], $0x1  }
0xb5: {  	[sflag:s29] =	ssyncadd.s32 $0xFFFFFFFF  }
0xb6: {  	_ =	strace $0x9000004B  }
0xb7: {  	_ =	sfence  }
0xb8: {  	s30 =	sld [smem:$0x0];
	_ =	sdelay $0x2  }
0xb9: {  	s31 =	sshll.u32 s1, $0xD;
	s1 =	sshrl.u32 s1, $0x2  }
0xba: {  	s3 =	sand.u32 $0x4000, s31;
	s1 =	sadd.s32 s1, s30  }
0xbb: {  	s0 =	sor.u32 s3, s0;
	s1 =	sshll.u32 s1, $0x11  }
0xbc: {  	s0 =	sor.u32 s1, s0  }
0xbd: {  	s0 =	sadd.s32 $0x8F2B, s0  }
0xbe: {  	[sflag:s0] =	ssyncadd.remote.s32 $0x1  }
0xbf: {  	_ =	sfence.sel $0xFFFF  }
0xc0: {  	[dreg:$0x0] =	wrdreg $0xFFFFFFFF;
	(pc) =	sbr.abs _section_cstart, $3  }
0xc1: {  	[dreg:$0x1] =	wrdreg $0xFFFFFFFF  }
0xc2: {  	_ =	task.clear_ibuf [dreg:s7], $0x2FFFF;
	_ =	strace $0x9FFFFFFF  }
0xc3: {  	(tm) =	ssettm $0x7FFFFFFF  }
tec
execute0_lowered:
.L_overlay_start_1:
0x0: {  	(tag) =	ssettag $0x1  }
0x1: {  	s0 =	rddreg [dreg:$0x0]  }
0x2: {  	s2 =	rddreg [dreg:$0x1]  }
0x3: {  	s1 =	rddreg [dreg:$0x2];
	s3 =	srdreg.scid  }
0x4: {  	s11 =	stileid.u32;
	s5 =	sand.u32 $0x1, s3;
	s3 =	simm.s32 $0x0  }
0x5: {  	s14 =	simm.s32 $0x180;
	s15 =	simm.s32 $0x900;
	[smem:$0x7FF] =	sst s3  }
0x6: {  	s17 =	simm.s32 $0x200;
	_ =	strace $0x8000004A;
	[dreg:$0x8] =	wrdreg s14  }
0x7: {  	s19 =	simm.s32 $0x980;
	s7 =	smul.u32 $0x2800, s11;
	[dreg:$0x9] =	wrdreg s15  }
0x8: {  	s21 =	simm.s32 $0x280;
	s9 =	smul.u32 $0x50000, s11;
	[dreg:$0xa] =	wrdreg s17  }
0x9: {  	s23 =	simm.s32 $0xA00;
	s6 =	smul.u32 $0x28000, s5;
	[dreg:$0xb] =	wrdreg s19  }
0xa: {  	s25 =	ssub.s32 $0x2, s5;
	s5 =	sshll.u32 s5, $0x4;
	[dreg:$0xc] =	wrdreg s21  }
0xb: {  	s5 =	sor.u32 s11, s5;
	s11 =	simm.s32 $0x880;
	[dreg:$0xd] =	wrdreg s23  }
0xc: {  	s15 =	simm.s32 $0xB80;
	[dreg:$0x7] =	wrdreg s11  }
0xd: {  	s10 =	sshrl.u32 s25, $0x1;
	s17 =	simm.s32 $0x480;
	[dreg:$0x13] =	wrdreg s15  }
0xe: {  	s19 =	simm.s32 $0xC00;
	s6 =	sadd.s32 s7, s6;
	[dreg:$0x14] =	wrdreg s17  }
0xf: {  	s7 =	ssub.s32 s25, s10;
	s10 =	simm.s32 $0x100;
	[dreg:$0x15] =	wrdreg s19  }
0x10: {  	s9 =	sshrl.u32 s9, $0x2;
	s25 =	simm.s32 $0x300;
	[dreg:$0x6] =	wrdreg s10  }
0x11: {  	s12 =	sadd.s32 s9, s1;
	[dreg:$0xe] =	wrdreg s25  }
0x12: {  	s13 =	smax.u32 s7, $0x1;
	[dreg:$0x16] =	wrdreg s12  }
0x13: {  	s16 =	sadd.s32 $0x2000, s12;
	[dreg:$0x19] =	wrdreg s13  }
0x14: {  	s18 =	sadd.s32 $0x3000, s12;
	[dreg:$0x1b] =	wrdreg s16  }
0x15: {  	s20 =	sadd.s32 $0x4000, s12;
	[dreg:$0x1c] =	wrdreg s18  }
0x16: {  	s30 =	simm.s32 $0x9000;
	s22 =	sadd.s32 $0x5000, s12;
	[dreg:$0x1d] =	wrdreg s20  }
0x17: {  	s31 =	simm.s32 $0x5;
	s24 =	sadd.s32 $0x6000, s12;
	[dreg:$0x1e] =	wrdreg s22  }
0x18: {  	s28 =	simm.s32 $0x4;
	s7 =	sadd.s32 $0x8000, s12;
	[dreg:$0x1f] =	wrdreg s24  }
0x19: {  	s4 =	sadd.s32 $0x5D600, s0;
	s9 =	sadd.s32 $0x9000, s12;
	[smem:$0x7F2] =	sst s7  }
0x1a: {  	s8 =	sadd.s32 $0x3600, s0;
	s11 =	sadd.s32 $0xA000, s12;
	[smem:$0x7F3] =	sst s9  }
0x1b: {  	s5 =	smul.u32 $0x2800, s5;
	s10 =	simm.s32 $0xB00;
	[smem:$0x7F4] =	sst s11  }
0x1c: {  	s15 =	simm.s32 $0x580;
	s14 =	sadd.s32 $0xB000, s12;
	[dreg:$0x11] =	wrdreg s10  }
0x1d: {  	s17 =	simm.s32 $0x600;
	s21 =	sadd.s32 $0xF000, s12;
	[smem:$0x7F5] =	sst s14  }
0x1e: {  	s0 =	sadd.s32 s6, s0;
	s23 =	sadd.s32 $0x11000, s12;
	[smem:$0x7F9] =	sst s21  }
0x1f: {  	s6 =	sshrl.u32 s6, $0x3;
	s29 =	sadd.s32 $0x1000, s12;
	[smem:$0x7FB] =	sst s23  }
0x20: {  	s19 =	simm.s32 $0x680;
	s26 =	sadd.s32 s6, s8;
	[dreg:$0x1a] =	wrdreg s29  }
0x21: {  	s5 =	sshrl.u32 s5, $0x3;
	s6 =	sadd.s32 s6, s2;
	[dreg:$0x4] =	wrdreg s26  }
0x22: {  	s13 =	simm.s32 $0x400;
	s16 =	sadd.s32 $0xC000, s12;
	[dreg:$0x5] =	wrdreg s6  }
0x23: {  	s18 =	sadd.s32 $0xD000, s12;
	s20 =	sadd.s32 $0xE000, s12;
	[dreg:$0x12] =	wrdreg s13  }
0x24: {  	s22 =	sadd.s32 $0x10000, s12;
	s25 =	sadd.s32 $0x85600, s0;
	[smem:$0x7F6] =	sst s16  }
0x25: {  	s24 =	sadd.s32 $0x12000, s12;
	s10 =	simm.s32 $0x5000;
	[smem:$0x7F7] =	sst s18  }
0x26: {  	s11 =	simm.s32 $0x2;
	s14 =	simm.s32 $0xC80;
	[smem:$0x7F8] =	sst s20  }
0x27: {  	s21 =	simm.s32 $0x700;
	s23 =	simm.s32 $0x780;
	[smem:$0x7FA] =	sst s22  }
0x28: {  	s2 =	sadd.s32 s2, s5;
	s5 =	sadd.s32 s8, s5;
	[smem:$0x7FC] =	sst s24  }
0x29: {  	s26 =	sadd.s32 $0x7000, s12;
	s6 =	simm.s32 $0xA80;
	[dreg:$0x17] =	wrdreg s2  }
0x2a: {  	s8 =	simm.s32 $0x380;
	s13 =	simm.s32 $0x500;
	[dreg:$0x18] =	wrdreg s5  }
0x2b: {  	s16 =	simm.s32 $0xD00;
	s18 =	simm.s32 $0xD80;
	[smem:$0x7F1] =	sst s26  }
0x2c: {  	s20 =	simm.s32 $0xE00;
	s22 =	simm.s32 $0xE80;
	[dreg:$0xf] =	wrdreg s6  }
0x2d: {  	s24 =	simm.s32 $0xF00;
	[dreg:$0x10] =	wrdreg s8;
	s26 =	sadd.s32 $0x13000, s12  }
0x2e: {  	s2 =	simm.s32 $0x80;
	s6 =	simm.s32 $0x1000;
	s8 =	simm.s32 $0x1  }
0x2f: {  	v0 =	vimm.f32 $0.0e+00;
	s5 =	simm.s32 $0x0;
	[smem:$0x7FD] =	sst s26;
	s26 =	simm.s32 $0xA000  }
.LBB2_1:
0x30: {  	[smem:$0x7F0] =	sst s5;
	s5 =	simm.s32 $0x0;
	s9 =	simm.s32 $0x200  }
.LBB2_2:
0x31: {  	p0 =	sne.s32 s9, $0x3E00;
	[tilespmem:s5+$0x9070] =	vst v0  }
0x32: {  	[tilespmem:s5+$0x9000] =	vst v0  }
0x33: {  	[tilespmem:s5+$0x9010] =	vst v0  }
.Ltmp0:
0x34: {  	[tilespmem:s5+$0x9020] =	vst v0;
	(pc) =	sbr.rel @p0 .LBB2_2-.Ltmp0, $4  }
0x35: {  	[tilespmem:s5+$0x9030] =	vst v0  }
0x36: {  	[tilespmem:s5+$0x9040] =	vst v0  }
0x37: {  	[tilespmem:s5+$0x9050] =	vst v0  }
0x38: {  	[tilespmem:s5+$0x9060] =	vst v0;
	s5 =	sshra.s32 s9, $0x2;
	s9 =	sadd.s32 $0x200, s9  }
0x39: {  	[tilespmem:s5+$0x9070] =	vst v0  }
0x3a: {  	[tilespmem:s5+$0x9000] =	vst v0  }
0x3b: {  	[tilespmem:s5+$0x9010] =	vst v0  }
0x3c: {  	[tilespmem:s5+$0x9020] =	vst v0  }
0x3d: {  	[tilespmem:s5+$0x9030] =	vst v0  }
0x3e: {  	[tilespmem:s5+$0x9040] =	vst v0  }
0x3f: {  	[tilespmem:s5+$0x9050] =	vst v0  }
0x40: {  	[tilespmem:s5+$0x9060] =	vst v0  }
0x41: {  	[spmem:s12] =	stream.linear.scatter [tilespmem:s30], [sflag:$0x3], $0x1000, $0x38;
	[tilespmem:$0x1F000] =	vst v63  }
0x42: {  	s0 =	rddreg [dreg:$0x1b]  }
0x43: {  	[spmem:s29] =	stream.linear.scatter [tilespmem:s30], [sflag:$0x3], $0x1000, $0x38;
	[tilespmem:$0x1F000] =	vst v63  }
0x44: {  	s7 =	rddreg [dreg:$0x1c]  }
0x45: {  	[spmem:s0] =	stream.linear.scatter [tilespmem:s30], [sflag:$0x3], $0x1000, $0x38;
	[tilespmem:$0x1F000] =	vst v63  }
0x46: {  	s9 =	rddreg [dreg:$0x1d]  }
0x47: {  	[spmem:s7] =	stream.linear.scatter [tilespmem:s30], [sflag:$0x3], $0x1000, $0x38;
	[tilespmem:$0x1F000] =	vst v63  }
0x48: {  	s5 =	rddreg [dreg:$0x1f]  }
0x49: {  	[spmem:s9] =	stream.linear.scatter [tilespmem:s30], [sflag:$0x3], $0x1000, $0x38;
	[tilespmem:$0x1F000] =	vst v63  }
0x4a: {  	s12 =	rddreg [dreg:$0x1e]  }
0x4b: {  	[spmem:s12] =	stream.linear.scatter [tilespmem:s30], [sflag:$0x3], $0x1000, $0x38;
	[tilespmem:$0x1F000] =	vst v63  }
0x4c: {  	s7 =	sld [smem:$0x7F1]  }
0x4d: {  	[spmem:s5] =	stream.linear.scatter [tilespmem:s30], [sflag:$0x3], $0x1000, $0x38;
	[tilespmem:$0x1F000] =	vst v63  }
0x4e: {  	s9 =	sld [smem:$0x7F2]  }
0x4f: {  	[spmem:s7] =	stream.linear.scatter [tilespmem:s30], [sflag:$0x3], $0x1000, $0x38;
	[tilespmem:$0x1F000] =	vst v63  }
0x50: {  	s12 =	sld [smem:$0x7F3]  }
0x51: {  	[spmem:s9] =	stream.linear.scatter [tilespmem:s30], [sflag:$0x3], $0x1000, $0x38;
	[tilespmem:$0x1F000] =	vst v63  }
0x52: {  	s5 =	sld [smem:$0x7F4]  }
0x53: {  	[spmem:s12] =	stream.linear.scatter [tilespmem:s30], [sflag:$0x3], $0x1000, $0x38;
	[tilespmem:$0x1F000] =	vst v63  }
0x54: {  	s7 =	sld [smem:$0x7F5]  }
0x55: {  	[spmem:s5] =	stream.linear.scatter [tilespmem:s30], [sflag:$0x3], $0x1000, $0x38;
	[tilespmem:$0x1F000] =	vst v63  }
0x56: {  	s9 =	sld [smem:$0x7F6]  }
0x57: {  	[spmem:s7] =	stream.linear.scatter [tilespmem:s30], [sflag:$0x3], $0x1000, $0x38;
	[tilespmem:$0x1F000] =	vst v63  }
0x58: {  	s12 =	sld [smem:$0x7F7]  }
0x59: {  	[spmem:s9] =	stream.linear.scatter [tilespmem:s30], [sflag:$0x3], $0x1000, $0x38;
	[tilespmem:$0x1F000] =	vst v63  }
0x5a: {  	s5 =	sld [smem:$0x7F8]  }
0x5b: {  	[spmem:s12] =	stream.linear.scatter [tilespmem:s30], [sflag:$0x3], $0x1000, $0x38;
	[tilespmem:$0x1F000] =	vst v63  }
0x5c: {  	s7 =	sld [smem:$0x7F9]  }
0x5d: {  	[spmem:s5] =	stream.linear.scatter [tilespmem:s30], [sflag:$0x3], $0x1000, $0x38;
	[tilespmem:$0x1F000] =	vst v63  }
0x5e: {  	s9 =	sld [smem:$0x7FA]  }
0x5f: {  	[spmem:s7] =	stream.linear.scatter [tilespmem:s30], [sflag:$0x3], $0x1000, $0x38;
	[tilespmem:$0x1F000] =	vst v63  }
0x60: {  	s12 =	sld [smem:$0x7FB]  }
0x61: {  	[spmem:s9] =	stream.linear.scatter [tilespmem:s30], [sflag:$0x3], $0x1000, $0x38;
	[tilespmem:$0x1F000] =	vst v63  }
0x62: {  	s5 =	sld [smem:$0x7FC]  }
0x63: {  	[spmem:s12] =	stream.linear.scatter [tilespmem:s30], [sflag:$0x3], $0x1000, $0x38;
	[tilespmem:$0x1F000] =	vst v63  }
0x64: {  	s7 =	sld [smem:$0x7FD]  }
0x65: {  	[spmem:s5] =	stream.linear.scatter [tilespmem:s30], [sflag:$0x3], $0x1000, $0x38;
	[tilespmem:$0x1F000] =	vst v63  }
0x66: {  	_ = 	snop  }
0x67: {  	[spmem:s7] =	stream.linear.scatter [tilespmem:s30], [sflag:$0x3], $0x1000, $0x38;
	[tilespmem:$0x1F000] =	vst v63  }
0x68: {  	s9 =	simm.s32 $0x0;
	s12 =	rddreg [dreg:$0x17]  }
0x69: {  	[tilespmem:s9], [sflag:$0x5] =	stream.linear.gather [hbm4b:s12+s9], $0x800, $0x38;
	[tilespmem:$0x1F000] =	vst v63  }
0x6a: {  	_ =	swait.ge [sflag:s31], $0x800  }
0x6b: {  	[sflag:s31] =	ssyncset.done $0x0  }
0x6c: {  	s12 =	simm.s32 $0x800;
	s7 =	rddreg [dreg:$0x18];
	[sflag:s31] =	ssyncadd.s32 $0xFFFFF800  }
0x6d: {  	[tilespmem:s12], [sflag:$0x5] =	stream.linear.gather [hbm4b:s7+s9], $0x800, $0x38;
	[tilespmem:$0x1F000] =	vst v63  }
0x6e: {  	_ =	swait.ge [sflag:s31], $0x800  }
0x6f: {  	[sflag:s31] =	ssyncset.done $0x0  }
0x70: {  	[sflag:s31] =	ssyncadd.s32 $0xFFFFF800  }
0x71: {  	[tilespmem:s6], [sflag:$0x1] =	stream.indirect.gather [hbm4b:s4+s2], $0x80, s9, s2, $0xb8;
	[tilespmem:$0x1F000] =	vst v63  }
0x72: {  	s9 =	simm.s32 $0x3  }
0x73: {  	_ =	swait.ge [sflag:s9], $0x1000  }
0x74: {  	[sflag:s9] =	ssyncset.done $0x0  }
0x75: {  	[sflag:s9] =	ssyncadd.s32 $0xFFFFF000  }
0x76: {  	_ =	swait.ge [sflag:s9], $0x1000  }
0x77: {  	[sflag:s9] =	ssyncset.done $0x0  }
0x78: {  	[sflag:s9] =	ssyncadd.s32 $0xFFFFF000  }
0x79: {  	_ =	swait.ge [sflag:s9], $0x1000  }
0x7a: {  	[sflag:s9] =	ssyncset.done $0x0  }
0x7b: {  	[sflag:s9] =	ssyncadd.s32 $0xFFFFF000  }
0x7c: {  	_ =	swait.ge [sflag:s9], $0x1000  }
0x7d: {  	[sflag:s9] =	ssyncset.done $0x0  }
0x7e: {  	[sflag:s9] =	ssyncadd.s32 $0xFFFFF000  }
0x7f: {  	_ =	swait.ge [sflag:s9], $0x1000  }
0x80: {  	[sflag:s9] =	ssyncset.done $0x0  }
0x81: {  	[sflag:s9] =	ssyncadd.s32 $0xFFFFF000  }
0x82: {  	_ =	swait.ge [sflag:s9], $0x1000  }
0x83: {  	[sflag:s9] =	ssyncset.done $0x0  }
0x84: {  	[sflag:s9] =	ssyncadd.s32 $0xFFFFF000  }
0x85: {  	_ =	swait.ge [sflag:s9], $0x1000  }
0x86: {  	[sflag:s9] =	ssyncset.done $0x0  }
0x87: {  	[sflag:s9] =	ssyncadd.s32 $0xFFFFF000  }
0x88: {  	_ =	swait.ge [sflag:s9], $0x1000  }
0x89: {  	[sflag:s9] =	ssyncset.done $0x0  }
0x8a: {  	[sflag:s9] =	ssyncadd.s32 $0xFFFFF000  }
0x8b: {  	_ =	swait.ge [sflag:s9], $0x1000  }
0x8c: {  	[sflag:s9] =	ssyncset.done $0x0  }
0x8d: {  	[sflag:s9] =	ssyncadd.s32 $0xFFFFF000  }
0x8e: {  	_ =	swait.ge [sflag:s9], $0x1000  }
0x8f: {  	[sflag:s9] =	ssyncset.done $0x0  }
0x90: {  	[sflag:s9] =	ssyncadd.s32 $0xFFFFF000  }
0x91: {  	_ =	swait.ge [sflag:s9], $0x1000  }
0x92: {  	[sflag:s9] =	ssyncset.done $0x0  }
0x93: {  	[sflag:s9] =	ssyncadd.s32 $0xFFFFF000  }
0x94: {  	_ =	swait.ge [sflag:s9], $0x1000  }
0x95: {  	[sflag:s9] =	ssyncset.done $0x0  }
0x96: {  	[sflag:s9] =	ssyncadd.s32 $0xFFFFF000  }
0x97: {  	_ =	swait.ge [sflag:s9], $0x1000  }
0x98: {  	[sflag:s9] =	ssyncset.done $0x0  }
0x99: {  	[sflag:s9] =	ssyncadd.s32 $0xFFFFF000  }
0x9a: {  	_ =	swait.ge [sflag:s9], $0x1000  }
0x9b: {  	[sflag:s9] =	ssyncset.done $0x0  }
0x9c: {  	[sflag:s9] =	ssyncadd.s32 $0xFFFFF000  }
0x9d: {  	_ =	swait.ge [sflag:s9], $0x1000  }
0x9e: {  	[sflag:s9] =	ssyncset.done $0x0  }
0x9f: {  	[sflag:s9] =	ssyncadd.s32 $0xFFFFF000  }
0xa0: {  	_ =	swait.ge [sflag:s9], $0x1000  }
0xa1: {  	[sflag:s9] =	ssyncset.done $0x0  }
0xa2: {  	[sflag:s9] =	ssyncadd.s32 $0xFFFFF000  }
0xa3: {  	_ =	swait.ge [sflag:s9], $0x1000  }
0xa4: {  	[sflag:s9] =	ssyncset.done $0x0  }
0xa5: {  	[sflag:s9] =	ssyncadd.s32 $0xFFFFF000  }
0xa6: {  	_ =	swait.ge [sflag:s9], $0x1000  }
0xa7: {  	[sflag:s9] =	ssyncset.done $0x0  }
0xa8: {  	[sflag:s9] =	ssyncadd.s32 $0xFFFFF000  }
0xa9: {  	_ =	swait.ge [sflag:s9], $0x1000  }
0xaa: {  	[sflag:s9] =	ssyncset.done $0x0  }
0xab: {  	[sflag:s9] =	ssyncadd.s32 $0xFFFFF000  }
0xac: {  	_ =	swait.ge [sflag:s9], $0x1000  }
0xad: {  	[sflag:s9] =	ssyncset.done $0x0  }
0xae: {  	[sflag:s9] =	ssyncadd.s32 $0xFFFFF000  }
0xaf: {  	[bflag:$0x0] =	sbarrier.arrive $0xFFFF  }
0xb0: {  	p0 =	por $0x1, $0x1;
	s5 =	rddreg [dreg:$0x5]  }
0xb1: {  	s29 =	simm.s32 @!p0 $0x5;
	s9 =	simm.s32 @!p0 $0x0;
	s5 =	sadd.s32 @!p0 $0x0, s5  }
0xb2: {  	[tilespmem:s9], [sflag:$0x5] =	stream.linear.gather @!p0 [hbm4b:s5+s9], $0x800, $0x38;
	[tilespmem:$0x1F000] =	vst v63  }
0xb3: {  	_ =	swait.ge @!p0 [sflag:s29], $0x800  }
0xb4: {  	s5 =	rddreg [dreg:$0x4];
	[sflag:s29] =	ssyncset.done @!p0 $0x0  }
0xb5: {  	s7 =	simm.s32 @!p0 $0x800;
	[sflag:s29] =	ssyncadd.s32 @!p0 $0xFFFFF800;
	s5 =	sadd.s32 @!p0 $0x0, s5  }
0xb6: {  	[tilespmem:s7], [sflag:$0x5] =	stream.linear.gather @!p0 [hbm4b:s5+s9], $0x800, $0x38;
	[tilespmem:$0x1F000] =	vst v63  }
0xb7: {  	_ =	swait.ge @!p0 [sflag:s29], $0x800  }
0xb8: {  	[sflag:s29] =	ssyncset.done @!p0 $0x0  }
0xb9: {  	s5 =	simm.s32 @!p0 $0x80;
	s7 =	simm.s32 @!p0 $0x1000;
	[sflag:s29] =	ssyncadd.s32 @!p0 $0xFFFFF800  }
0xba: {  	[tilespmem:s7], [sflag:$0x1] =	stream.indirect.gather @!p0 [hbm4b:s4+s5], $0x80, s9, s5, $0xb8;
	[tilespmem:$0x1F000] =	vst v63  }
0xbb: {  	_ =	swait.ge [sflag:s8], $0x4000  }
0xbc: {  	[sflag:s8] =	ssyncset.done $0x0  }
0xbd: {  	[sflag:s8] =	ssyncadd.s32 $0xFFFFC000  }
0xbe: {  	[tilespmem:s10], [sflag:$0x2] =	stream.indirect.gather [hbm4b:s4+s2], $0x80, s2, s2, $0xb8;
	[tilespmem:$0x1F000] =	vst v63  }
0xbf: {  	_ = 	snop  }
0xc0: {  	[spmem:s1] =	stream.indirect.scatter.add.f32 [tilespmem:s6], [sflag:$0x5], $0x80, s12, s2, $0xb8;
	[tilespmem:$0x1F000] =	vst v63  }
0xc1: {  	_ =	swait.ge [sflag:s31], $0x4000  }
0xc2: {  	[sflag:s31] =	ssyncset.done $0x0  }
0xc3: {  	[sflag:s31] =	ssyncadd.s32 $0xFFFFC000  }
0xc4: {  	_ =	swait.ge [sflag:s11], $0x4000  }
0xc5: {  	[sflag:s11] =	ssyncset.done $0x0  }
0xc6: {  	s12 =	rddreg [dreg:$0x6];
	[sflag:s11] =	ssyncadd.s32 $0xFFFFC000  }
0xc7: {  	[tilespmem:s6], [sflag:$0x1] =	stream.indirect.gather [hbm4b:s4+s2], $0x80, s12, s2, $0xb8;
	[tilespmem:$0x1F000] =	vst v63  }
0xc8: {  	s0 =	rddreg [dreg:$0x7]  }
0xc9: {  	[spmem:s1] =	stream.indirect.scatter.add.f32 [tilespmem:s10], [sflag:$0x5], $0x80, s0, s2, $0xb8;
	[tilespmem:$0x1F000] =	vst v63  }
0xca: {  	_ =	swait.ge [sflag:s31], $0x4000  }
0xcb: {  	[sflag:s31] =	ssyncset.done $0x0  }
0xcc: {  	[sflag:s31] =	ssyncadd.s32 $0xFFFFC000  }
0xcd: {  	_ =	swait.ge [sflag:s8], $0x4000  }
0xce: {  	[sflag:s8] =	ssyncset.done $0x0  }
0xcf: {  	s7 =	rddreg [dreg:$0x8];
	[sflag:s8] =	ssyncadd.s32 $0xFFFFC000  }
0xd0: {  	[tilespmem:s10], [sflag:$0x2] =	stream.indirect.gather [hbm4b:s4+s2], $0x80, s7, s2, $0xb8;
	[tilespmem:$0x1F000] =	vst v63  }
0xd1: {  	s9 =	rddreg [dreg:$0x9]  }
0xd2: {  	[spmem:s1] =	stream.indirect.scatter.add.f32 [tilespmem:s6], [sflag:$0x5], $0x80, s9, s2, $0xb8;
	[tilespmem:$0x1F000] =	vst v63  }
0xd3: {  	_ =	swait.ge [sflag:s31], $0x4000  }
0xd4: {  	[sflag:s31] =	ssyncset.done $0x0  }
0xd5: {  	[sflag:s31] =	ssyncadd.s32 $0xFFFFC000  }
0xd6: {  	_ =	swait.ge [sflag:s11], $0x4000  }
0xd7: {  	[sflag:s11] =	ssyncset.done $0x0  }
0xd8: {  	s12 =	rddreg [dreg:$0xa];
	[sflag:s11] =	ssyncadd.s32 $0xFFFFC000  }
0xd9: {  	[tilespmem:s6], [sflag:$0x1] =	stream.indirect.gather [hbm4b:s4+s2], $0x80, s12, s2, $0xb8;
	[tilespmem:$0x1F000] =	vst v63  }
0xda: {  	s0 =	rddreg [dreg:$0xb]  }
0xdb: {  	[spmem:s1] =	stream.indirect.scatter.add.f32 [tilespmem:s10], [sflag:$0x5], $0x80, s0, s2, $0xb8;
	[tilespmem:$0x1F000] =	vst v63  }
0xdc: {  	_ =	swait.ge [sflag:s31], $0x4000  }
0xdd: {  	[sflag:s31] =	ssyncset.done $0x0  }
0xde: {  	[sflag:s31] =	ssyncadd.s32 $0xFFFFC000  }
0xdf: {  	_ =	swait.ge [sflag:s8], $0x4000  }
0xe0: {  	[sflag:s8] =	ssyncset.done $0x0  }
0xe1: {  	s7 =	rddreg [dreg:$0xc];
	[sflag:s8] =	ssyncadd.s32 $0xFFFFC000  }
0xe2: {  	[tilespmem:s10], [sflag:$0x2] =	stream.indirect.gather [hbm4b:s4+s2], $0x80, s7, s2, $0xb8;
	[tilespmem:$0x1F000] =	vst v63  }
0xe3: {  	s9 =	rddreg [dreg:$0xd]  }
0xe4: {  	[spmem:s1] =	stream.indirect.scatter.add.f32 [tilespmem:s6], [sflag:$0x5], $0x80, s9, s2, $0xb8;
	[tilespmem:$0x1F000] =	vst v63  }
0xe5: {  	_ =	swait.ge [sflag:s31], $0x4000  }
0xe6: {  	[sflag:s31] =	ssyncset.done $0x0  }
0xe7: {  	[sflag:s31] =	ssyncadd.s32 $0xFFFFC000  }
0xe8: {  	_ =	swait.ge [sflag:s11], $0x4000  }
0xe9: {  	[sflag:s11] =	ssyncset.done $0x0  }
0xea: {  	s12 =	rddreg [dreg:$0xe];
	[sflag:s11] =	ssyncadd.s32 $0xFFFFC000  }
0xeb: {  	[tilespmem:s6], [sflag:$0x1] =	stream.indirect.gather [hbm4b:s4+s2], $0x80, s12, s2, $0xb8;
	[tilespmem:$0x1F000] =	vst v63  }
0xec: {  	s0 =	rddreg [dreg:$0xf]  }
0xed: {  	[spmem:s1] =	stream.indirect.scatter.add.f32 [tilespmem:s10], [sflag:$0x5], $0x80, s0, s2, $0xb8;
	[tilespmem:$0x1F000] =	vst v63  }
0xee: {  	_ =	swait.ge [sflag:s31], $0x4000  }
0xef: {  	[sflag:s31] =	ssyncset.done $0x0  }
0xf0: {  	[sflag:s31] =	ssyncadd.s32 $0xFFFFC000  }
0xf1: {  	_ =	swait.ge [sflag:s8], $0x4000  }
0xf2: {  	[sflag:s8] =	ssyncset.done $0x0  }
0xf3: {  	s7 =	rddreg [dreg:$0x10];
	[sflag:s8] =	ssyncadd.s32 $0xFFFFC000  }
0xf4: {  	[tilespmem:s10], [sflag:$0x2] =	stream.indirect.gather [hbm4b:s4+s2], $0x80, s7, s2, $0xb8;
	[tilespmem:$0x1F000] =	vst v63  }
0xf5: {  	s9 =	rddreg [dreg:$0x11]  }
0xf6: {  	[spmem:s1] =	stream.indirect.scatter.add.f32 [tilespmem:s6], [sflag:$0x5], $0x80, s9, s2, $0xb8;
	[tilespmem:$0x1F000] =	vst v63  }
0xf7: {  	_ =	swait.ge [sflag:s31], $0x4000  }
0xf8: {  	[sflag:s31] =	ssyncset.done $0x0  }
0xf9: {  	[sflag:s31] =	ssyncadd.s32 $0xFFFFC000  }
0xfa: {  	_ =	swait.ge [sflag:s11], $0x4000  }
0xfb: {  	[sflag:s11] =	ssyncset.done $0x0  }
0xfc: {  	s12 =	rddreg [dreg:$0x12];
	[sflag:s11] =	ssyncadd.s32 $0xFFFFC000  }
0xfd: {  	[tilespmem:s6], [sflag:$0x1] =	stream.indirect.gather [hbm4b:s4+s2], $0x80, s12, s2, $0xb8;
	[tilespmem:$0x1F000] =	vst v63  }
0xfe: {  	s0 =	rddreg [dreg:$0x13]  }
0xff: {  	[spmem:s1] =	stream.indirect.scatter.add.f32 [tilespmem:s10], [sflag:$0x5], $0x80, s0, s2, $0xb8;
	[tilespmem:$0x1F000] =	vst v63  }
0x100: {  	_ =	swait.ge [sflag:s31], $0x4000  }
0x101: {  	[sflag:s31] =	ssyncset.done $0x0  }
0x102: {  	[sflag:s31] =	ssyncadd.s32 $0xFFFFC000  }
0x103: {  	_ =	swait.ge [sflag:s8], $0x4000  }
0x104: {  	[sflag:s8] =	ssyncset.done $0x0  }
0x105: {  	s7 =	rddreg [dreg:$0x14];
	[sflag:s8] =	ssyncadd.s32 $0xFFFFC000  }
0x106: {  	[tilespmem:s10], [sflag:$0x2] =	stream.indirect.gather [hbm4b:s4+s2], $0x80, s7, s2, $0xb8;
	[tilespmem:$0x1F000] =	vst v63  }
0x107: {  	s9 =	rddreg [dreg:$0x15]  }
0x108: {  	[spmem:s1] =	stream.indirect.scatter.add.f32 [tilespmem:s6], [sflag:$0x5], $0x80, s9, s2, $0xb8;
	[tilespmem:$0x1F000] =	vst v63  }
0x109: {  	_ =	swait.ge [sflag:s31], $0x4000  }
0x10a: {  	[sflag:s31] =	ssyncset.done $0x0  }
0x10b: {  	[sflag:s31] =	ssyncadd.s32 $0xFFFFC000  }
0x10c: {  	_ =	swait.ge [sflag:s11], $0x4000  }
0x10d: {  	[sflag:s11] =	ssyncset.done $0x0  }
0x10e: {  	[sflag:s11] =	ssyncadd.s32 $0xFFFFC000  }
0x10f: {  	[tilespmem:s6], [sflag:$0x1] =	stream.indirect.gather [hbm4b:s4+s2], $0x80, s13, s2, $0xb8;
	[tilespmem:$0x1F000] =	vst v63  }
0x110: {  	_ = 	snop  }
0x111: {  	[spmem:s1] =	stream.indirect.scatter.add.f32 [tilespmem:s10], [sflag:$0x5], $0x80, s14, s2, $0xb8;
	[tilespmem:$0x1F000] =	vst v63  }
0x112: {  	_ =	swait.ge [sflag:s31], $0x4000  }
0x113: {  	[sflag:s31] =	ssyncset.done $0x0  }
0x114: {  	[sflag:s31] =	ssyncadd.s32 $0xFFFFC000  }
0x115: {  	_ =	swait.ge [sflag:s8], $0x4000  }
0x116: {  	[sflag:s8] =	ssyncset.done $0x0  }
0x117: {  	[sflag:s8] =	ssyncadd.s32 $0xFFFFC000  }
0x118: {  	[tilespmem:s10], [sflag:$0x2] =	stream.indirect.gather [hbm4b:s4+s2], $0x80, s15, s2, $0xb8;
	[tilespmem:$0x1F000] =	vst v63  }
0x119: {  	_ = 	snop  }
0x11a: {  	[spmem:s1] =	stream.indirect.scatter.add.f32 [tilespmem:s6], [sflag:$0x5], $0x80, s16, s2, $0xb8;
	[tilespmem:$0x1F000] =	vst v63  }
0x11b: {  	_ =	swait.ge [sflag:s31], $0x4000  }
0x11c: {  	[sflag:s31] =	ssyncset.done $0x0  }
0x11d: {  	[sflag:s31] =	ssyncadd.s32 $0xFFFFC000  }
0x11e: {  	_ =	swait.ge [sflag:s11], $0x4000  }
0x11f: {  	[sflag:s11] =	ssyncset.done $0x0  }
0x120: {  	[sflag:s11] =	ssyncadd.s32 $0xFFFFC000  }
0x121: {  	[tilespmem:s6], [sflag:$0x1] =	stream.indirect.gather [hbm4b:s4+s2], $0x80, s17, s2, $0xb8;
	[tilespmem:$0x1F000] =	vst v63  }
0x122: {  	_ = 	snop  }
0x123: {  	[spmem:s1] =	stream.indirect.scatter.add.f32 [tilespmem:s10], [sflag:$0x5], $0x80, s18, s2, $0xb8;
	[tilespmem:$0x1F000] =	vst v63  }
0x124: {  	_ =	swait.ge [sflag:s31], $0x4000  }
0x125: {  	[sflag:s31] =	ssyncset.done $0x0  }
0x126: {  	[sflag:s31] =	ssyncadd.s32 $0xFFFFC000  }
0x127: {  	_ =	swait.ge [sflag:s8], $0x4000  }
0x128: {  	[sflag:s8] =	ssyncset.done $0x0  }
0x129: {  	[sflag:s8] =	ssyncadd.s32 $0xFFFFC000  }
0x12a: {  	[tilespmem:s10], [sflag:$0x2] =	stream.indirect.gather [hbm4b:s4+s2], $0x80, s19, s2, $0xb8;
	[tilespmem:$0x1F000] =	vst v63  }
0x12b: {  	_ = 	snop  }
0x12c: {  	[spmem:s1] =	stream.indirect.scatter.add.f32 [tilespmem:s6], [sflag:$0x5], $0x80, s20, s2, $0xb8;
	[tilespmem:$0x1F000] =	vst v63  }
0x12d: {  	_ =	swait.ge [sflag:s31], $0x4000  }
0x12e: {  	[sflag:s31] =	ssyncset.done $0x0  }
0x12f: {  	[sflag:s31] =	ssyncadd.s32 $0xFFFFC000  }
0x130: {  	_ =	swait.ge [sflag:s11], $0x4000  }
0x131: {  	[sflag:s11] =	ssyncset.done $0x0  }
0x132: {  	[sflag:s11] =	ssyncadd.s32 $0xFFFFC000  }
0x133: {  	[tilespmem:s6], [sflag:$0x1] =	stream.indirect.gather [hbm4b:s4+s2], $0x80, s21, s2, $0xb8;
	[tilespmem:$0x1F000] =	vst v63  }
0x134: {  	_ = 	snop  }
0x135: {  	[spmem:s1] =	stream.indirect.scatter.add.f32 [tilespmem:s10], [sflag:$0x5], $0x80, s22, s2, $0xb8;
	[tilespmem:$0x1F000] =	vst v63  }
0x136: {  	_ =	swait.ge [sflag:s31], $0x4000  }
0x137: {  	[sflag:s31] =	ssyncset.done $0x0  }
0x138: {  	[sflag:s31] =	ssyncadd.s32 $0xFFFFC000  }
0x139: {  	_ =	swait.ge [sflag:s8], $0x4000  }
0x13a: {  	[sflag:s8] =	ssyncset.done $0x0  }
0x13b: {  	[sflag:s8] =	ssyncadd.s32 $0xFFFFC000  }
0x13c: {  	[tilespmem:s10], [sflag:$0x2] =	stream.indirect.gather [hbm4b:s4+s2], $0x80, s23, s2, $0xb8;
	[tilespmem:$0x1F000] =	vst v63  }
0x13d: {  	_ = 	snop  }
0x13e: {  	[spmem:s1] =	stream.indirect.scatter.add.f32 [tilespmem:s6], [sflag:$0x5], $0x80, s24, s2, $0xb8;
	[tilespmem:$0x1F000] =	vst v63  }
0x13f: {  	_ =	swait.ge [sflag:s31], $0x4000  }
0x140: {  	[sflag:s31] =	ssyncset.done $0x0  }
0x141: {  	[sflag:s31] =	ssyncadd.s32 $0xFFFFC000  }
0x142: {  	_ =	swait.ge [sflag:s11], $0x4000  }
0x143: {  	[sflag:s11] =	ssyncset.done $0x0  }
0x144: {  	[sflag:s11] =	ssyncadd.s32 $0xFFFFC000  }
0x145: {  	[tilespmem:s6], [sflag:$0x1] =	stream.indirect.gather [hbm4b:s4+s2], $0x80, s3, s2, $0xb8;
	[tilespmem:$0x1F000] =	vst v63  }
0x146: {  	s12 =	simm.s32 $0xF80  }
0x147: {  	[spmem:s1] =	stream.indirect.scatter.add.f32 [tilespmem:s10], [sflag:$0x5], $0x80, s12, s2, $0xb8;
	[tilespmem:$0x1F000] =	vst v63  }
0x148: {  	_ =	swait.ge [sflag:s31], $0x4000  }
0x149: {  	[sflag:s31] =	ssyncset.done $0x0  }
0x14a: {  	[sflag:s31] =	ssyncadd.s32 $0xFFFFC000  }
0x14b: {  	s5 =	simm.s32 $0x200;
	_ =	swait.ge [sflag:s8], $0x4000  }
0x14c: {  	s9 =	simm.s32 $0x100;
	s29 =	rddreg [dreg:$0x5];
	[sflag:s8] =	ssyncset.done $0x0  }
.LBB2_4:
0x14d: {  	[sflag:s8] =	ssyncadd.s32 $0xFFFFC000;
	p1 =	seq.s32 s9, $0x0  }
0x14e: {  	s29 =	sadd.s32 @!p1 s9, s29;
	s0 =	simm.s32 @!p1 $0x0;
	s12 =	simm.s32 @!p1 $0x5  }
0x14f: {  	[tilespmem:s0], [sflag:$0x5] =	stream.linear.gather @!p1 [hbm4b:s29+s0], $0x800, $0x38;
	[tilespmem:$0x1F000] =	vst v63  }
0x150: {  	_ =	swait.ge @!p1 [sflag:s12], $0x800  }
0x151: {  	s29 =	rddreg [dreg:$0x4];
	[sflag:s12] =	ssyncset.done @!p1 $0x0  }
0x152: {  	[sflag:s12] =	ssyncadd.s32 @!p1 $0xFFFFF800;
	s9 =	sadd.s32 @!p1 s9, s29;
	s29 =	simm.s32 @!p1 $0x800  }
0x153: {  	[tilespmem:s29], [sflag:$0x5] =	stream.linear.gather @!p1 [hbm4b:s9+s0], $0x800, $0x38;
	[tilespmem:$0x1F000] =	vst v63  }
0x154: {  	s7 =	smov.u32 s5;
	_ =	swait.ge @!p1 [sflag:s12], $0x800  }
0x155: {  	s9 =	smov.u32 s7;
	[sflag:s12] =	ssyncset.done @!p1 $0x0  }
0x156: {  	s7 =	simm.s32 @!p1 $0x80;
	[sflag:s12] =	ssyncadd.s32 @!p1 $0xFFFFF800;
	s12 =	simm.s32 @!p1 $0x1000  }
0x157: {  	[tilespmem:s12], [sflag:$0x1] =	stream.indirect.gather @!p1 [hbm4b:s4+s7], $0x80, s0, s7, $0xb8;
	[tilespmem:$0x1F000] =	vst v63  }
0x158: {  	_ =	swait.ge [sflag:s8], $0x4000  }
0x159: {  	[sflag:s8] =	ssyncset.done $0x0  }
0x15a: {  	[sflag:s8] =	ssyncadd.s32 $0xFFFFC000  }
0x15b: {  	[tilespmem:s10], [sflag:$0x2] =	stream.indirect.gather [hbm4b:s4+s2], $0x80, s2, s2, $0xb8;
	[tilespmem:$0x1F000] =	vst v63  }
0x15c: {  	s12 =	simm.s32 $0x800  }
0x15d: {  	[spmem:s1] =	stream.indirect.scatter.add.f32 [tilespmem:s6], [sflag:$0x5], $0x80, s12, s2, $0xb8;
	[tilespmem:$0x1F000] =	vst v63  }
0x15e: {  	_ =	swait.ge [sflag:s31], $0x4000  }
0x15f: {  	[sflag:s31] =	ssyncset.done $0x0  }
0x160: {  	[sflag:s31] =	ssyncadd.s32 $0xFFFFC000  }
0x161: {  	_ =	swait.ge [sflag:s11], $0x4000  }
0x162: {  	[sflag:s11] =	ssyncset.done $0x0  }
0x163: {  	s0 =	rddreg [dreg:$0x6];
	[sflag:s11] =	ssyncadd.s32 $0xFFFFC000  }
0x164: {  	[tilespmem:s6], [sflag:$0x1] =	stream.indirect.gather [hbm4b:s4+s2], $0x80, s0, s2, $0xb8;
	[tilespmem:$0x1F000] =	vst v63  }
0x165: {  	s7 =	rddreg [dreg:$0x7]  }
0x166: {  	[spmem:s1] =	stream.indirect.scatter.add.f32 [tilespmem:s10], [sflag:$0x5], $0x80, s7, s2, $0xb8;
	[tilespmem:$0x1F000] =	vst v63  }
0x167: {  	_ =	swait.ge [sflag:s31], $0x4000  }
0x168: {  	[sflag:s31] =	ssyncset.done $0x0  }
0x169: {  	[sflag:s31] =	ssyncadd.s32 $0xFFFFC000  }
0x16a: {  	_ =	swait.ge [sflag:s8], $0x4000  }
0x16b: {  	[sflag:s8] =	ssyncset.done $0x0  }
0x16c: {  	s0 =	rddreg [dreg:$0x8];
	[sflag:s8] =	ssyncadd.s32 $0xFFFFC000  }
0x16d: {  	[tilespmem:s10], [sflag:$0x2] =	stream.indirect.gather [hbm4b:s4+s2], $0x80, s0, s2, $0xb8;
	[tilespmem:$0x1F000] =	vst v63  }
0x16e: {  	s7 =	rddreg [dreg:$0x9]  }
0x16f: {  	[spmem:s1] =	stream.indirect.scatter.add.f32 [tilespmem:s6], [sflag:$0x5], $0x80, s7, s2, $0xb8;
	[tilespmem:$0x1F000] =	vst v63  }
0x170: {  	_ =	swait.ge [sflag:s31], $0x4000  }
0x171: {  	[sflag:s31] =	ssyncset.done $0x0  }
0x172: {  	[sflag:s31] =	ssyncadd.s32 $0xFFFFC000  }
0x173: {  	_ =	swait.ge [sflag:s11], $0x4000  }
0x174: {  	[sflag:s11] =	ssyncset.done $0x0  }
0x175: {  	s0 =	rddreg [dreg:$0xa];
	[sflag:s11] =	ssyncadd.s32 $0xFFFFC000  }
0x176: {  	[tilespmem:s6], [sflag:$0x1] =	stream.indirect.gather [hbm4b:s4+s2], $0x80, s0, s2, $0xb8;
	[tilespmem:$0x1F000] =	vst v63  }
0x177: {  	s7 =	rddreg [dreg:$0xb]  }
0x178: {  	[spmem:s1] =	stream.indirect.scatter.add.f32 [tilespmem:s10], [sflag:$0x5], $0x80, s7, s2, $0xb8;
	[tilespmem:$0x1F000] =	vst v63  }
0x179: {  	_ =	swait.ge [sflag:s31], $0x4000  }
0x17a: {  	[sflag:s31] =	ssyncset.done $0x0  }
0x17b: {  	[sflag:s31] =	ssyncadd.s32 $0xFFFFC000  }
0x17c: {  	_ =	swait.ge [sflag:s8], $0x4000  }
0x17d: {  	[sflag:s8] =	ssyncset.done $0x0  }
0x17e: {  	s0 =	rddreg [dreg:$0xc];
	[sflag:s8] =	ssyncadd.s32 $0xFFFFC000  }
0x17f: {  	[tilespmem:s10], [sflag:$0x2] =	stream.indirect.gather [hbm4b:s4+s2], $0x80, s0, s2, $0xb8;
	[tilespmem:$0x1F000] =	vst v63  }
0x180: {  	s7 =	rddreg [dreg:$0xd]  }
0x181: {  	[spmem:s1] =	stream.indirect.scatter.add.f32 [tilespmem:s6], [sflag:$0x5], $0x80, s7, s2, $0xb8;
	[tilespmem:$0x1F000] =	vst v63  }
0x182: {  	_ =	swait.ge [sflag:s31], $0x4000  }
0x183: {  	[sflag:s31] =	ssyncset.done $0x0  }
0x184: {  	[sflag:s31] =	ssyncadd.s32 $0xFFFFC000  }
0x185: {  	_ =	swait.ge [sflag:s11], $0x4000  }
0x186: {  	[sflag:s11] =	ssyncset.done $0x0  }
0x187: {  	s0 =	rddreg [dreg:$0xe];
	[sflag:s11] =	ssyncadd.s32 $0xFFFFC000  }
0x188: {  	[tilespmem:s6], [sflag:$0x1] =	stream.indirect.gather [hbm4b:s4+s2], $0x80, s0, s2, $0xb8;
	[tilespmem:$0x1F000] =	vst v63  }
0x189: {  	s7 =	rddreg [dreg:$0xf]  }
0x18a: {  	[spmem:s1] =	stream.indirect.scatter.add.f32 [tilespmem:s10], [sflag:$0x5], $0x80, s7, s2, $0xb8;
	[tilespmem:$0x1F000] =	vst v63  }
0x18b: {  	_ =	swait.ge [sflag:s31], $0x4000  }
0x18c: {  	[sflag:s31] =	ssyncset.done $0x0  }
0x18d: {  	[sflag:s31] =	ssyncadd.s32 $0xFFFFC000  }
0x18e: {  	_ =	swait.ge [sflag:s8], $0x4000  }
0x18f: {  	[sflag:s8] =	ssyncset.done $0x0  }
0x190: {  	s0 =	rddreg [dreg:$0x10];
	[sflag:s8] =	ssyncadd.s32 $0xFFFFC000  }
0x191: {  	[tilespmem:s10], [sflag:$0x2] =	stream.indirect.gather [hbm4b:s4+s2], $0x80, s0, s2, $0xb8;
	[tilespmem:$0x1F000] =	vst v63  }
0x192: {  	s7 =	rddreg [dreg:$0x11]  }
0x193: {  	[spmem:s1] =	stream.indirect.scatter.add.f32 [tilespmem:s6], [sflag:$0x5], $0x80, s7, s2, $0xb8;
	[tilespmem:$0x1F000] =	vst v63  }
0x194: {  	_ =	swait.ge [sflag:s31], $0x4000  }
0x195: {  	[sflag:s31] =	ssyncset.done $0x0  }
0x196: {  	[sflag:s31] =	ssyncadd.s32 $0xFFFFC000  }
0x197: {  	_ =	swait.ge [sflag:s11], $0x4000  }
0x198: {  	[sflag:s11] =	ssyncset.done $0x0  }
0x199: {  	s0 =	rddreg [dreg:$0x12];
	[sflag:s11] =	ssyncadd.s32 $0xFFFFC000  }
0x19a: {  	[tilespmem:s6], [sflag:$0x1] =	stream.indirect.gather [hbm4b:s4+s2], $0x80, s0, s2, $0xb8;
	[tilespmem:$0x1F000] =	vst v63  }
0x19b: {  	s7 =	rddreg [dreg:$0x13]  }
0x19c: {  	[spmem:s1] =	stream.indirect.scatter.add.f32 [tilespmem:s10], [sflag:$0x5], $0x80, s7, s2, $0xb8;
	[tilespmem:$0x1F000] =	vst v63  }
0x19d: {  	_ =	swait.ge [sflag:s31], $0x4000  }
0x19e: {  	[sflag:s31] =	ssyncset.done $0x0  }
0x19f: {  	[sflag:s31] =	ssyncadd.s32 $0xFFFFC000  }
0x1a0: {  	_ =	swait.ge [sflag:s8], $0x4000  }
0x1a1: {  	[sflag:s8] =	ssyncset.done $0x0  }
0x1a2: {  	s0 =	rddreg [dreg:$0x14];
	[sflag:s8] =	ssyncadd.s32 $0xFFFFC000  }
0x1a3: {  	[tilespmem:s10], [sflag:$0x2] =	stream.indirect.gather [hbm4b:s4+s2], $0x80, s0, s2, $0xb8;
	[tilespmem:$0x1F000] =	vst v63  }
0x1a4: {  	s7 =	rddreg [dreg:$0x15]  }
0x1a5: {  	[spmem:s1] =	stream.indirect.scatter.add.f32 [tilespmem:s6], [sflag:$0x5], $0x80, s7, s2, $0xb8;
	[tilespmem:$0x1F000] =	vst v63  }
0x1a6: {  	_ =	swait.ge [sflag:s31], $0x4000  }
0x1a7: {  	[sflag:s31] =	ssyncset.done $0x0  }
0x1a8: {  	[sflag:s31] =	ssyncadd.s32 $0xFFFFC000  }
0x1a9: {  	_ =	swait.ge [sflag:s11], $0x4000  }
0x1aa: {  	[sflag:s11] =	ssyncset.done $0x0  }
0x1ab: {  	[sflag:s11] =	ssyncadd.s32 $0xFFFFC000  }
0x1ac: {  	[tilespmem:s6], [sflag:$0x1] =	stream.indirect.gather [hbm4b:s4+s2], $0x80, s13, s2, $0xb8;
	[tilespmem:$0x1F000] =	vst v63  }
0x1ad: {  	_ = 	snop  }
0x1ae: {  	[spmem:s1] =	stream.indirect.scatter.add.f32 [tilespmem:s10], [sflag:$0x5], $0x80, s14, s2, $0xb8;
	[tilespmem:$0x1F000] =	vst v63  }
0x1af: {  	_ =	swait.ge [sflag:s31], $0x4000  }
0x1b0: {  	[sflag:s31] =	ssyncset.done $0x0  }
0x1b1: {  	[sflag:s31] =	ssyncadd.s32 $0xFFFFC000  }
0x1b2: {  	_ =	swait.ge [sflag:s8], $0x4000  }
0x1b3: {  	[sflag:s8] =	ssyncset.done $0x0  }
0x1b4: {  	[sflag:s8] =	ssyncadd.s32 $0xFFFFC000  }
0x1b5: {  	[tilespmem:s10], [sflag:$0x2] =	stream.indirect.gather [hbm4b:s4+s2], $0x80, s15, s2, $0xb8;
	[tilespmem:$0x1F000] =	vst v63  }
0x1b6: {  	_ = 	snop  }
0x1b7: {  	[spmem:s1] =	stream.indirect.scatter.add.f32 [tilespmem:s6], [sflag:$0x5], $0x80, s16, s2, $0xb8;
	[tilespmem:$0x1F000] =	vst v63  }
0x1b8: {  	_ =	swait.ge [sflag:s31], $0x4000  }
0x1b9: {  	[sflag:s31] =	ssyncset.done $0x0  }
0x1ba: {  	[sflag:s31] =	ssyncadd.s32 $0xFFFFC000  }
0x1bb: {  	_ =	swait.ge [sflag:s11], $0x4000  }
0x1bc: {  	[sflag:s11] =	ssyncset.done $0x0  }
0x1bd: {  	[sflag:s11] =	ssyncadd.s32 $0xFFFFC000  }
0x1be: {  	[tilespmem:s6], [sflag:$0x1] =	stream.indirect.gather [hbm4b:s4+s2], $0x80, s17, s2, $0xb8;
	[tilespmem:$0x1F000] =	vst v63  }
0x1bf: {  	_ = 	snop  }
0x1c0: {  	[spmem:s1] =	stream.indirect.scatter.add.f32 [tilespmem:s10], [sflag:$0x5], $0x80, s18, s2, $0xb8;
	[tilespmem:$0x1F000] =	vst v63  }
0x1c1: {  	_ =	swait.ge [sflag:s31], $0x4000  }
0x1c2: {  	[sflag:s31] =	ssyncset.done $0x0  }
0x1c3: {  	[sflag:s31] =	ssyncadd.s32 $0xFFFFC000  }
0x1c4: {  	_ =	swait.ge [sflag:s8], $0x4000  }
0x1c5: {  	[sflag:s8] =	ssyncset.done $0x0  }
0x1c6: {  	[sflag:s8] =	ssyncadd.s32 $0xFFFFC000  }
0x1c7: {  	[tilespmem:s10], [sflag:$0x2] =	stream.indirect.gather [hbm4b:s4+s2], $0x80, s19, s2, $0xb8;
	[tilespmem:$0x1F000] =	vst v63  }
0x1c8: {  	_ = 	snop  }
0x1c9: {  	[spmem:s1] =	stream.indirect.scatter.add.f32 [tilespmem:s6], [sflag:$0x5], $0x80, s20, s2, $0xb8;
	[tilespmem:$0x1F000] =	vst v63  }
0x1ca: {  	_ =	swait.ge [sflag:s31], $0x4000  }
0x1cb: {  	[sflag:s31] =	ssyncset.done $0x0  }
0x1cc: {  	[sflag:s31] =	ssyncadd.s32 $0xFFFFC000  }
0x1cd: {  	_ =	swait.ge [sflag:s11], $0x4000  }
0x1ce: {  	[sflag:s11] =	ssyncset.done $0x0  }
0x1cf: {  	[sflag:s11] =	ssyncadd.s32 $0xFFFFC000  }
0x1d0: {  	[tilespmem:s6], [sflag:$0x1] =	stream.indirect.gather [hbm4b:s4+s2], $0x80, s21, s2, $0xb8;
	[tilespmem:$0x1F000] =	vst v63  }
0x1d1: {  	_ = 	snop  }
0x1d2: {  	[spmem:s1] =	stream.indirect.scatter.add.f32 [tilespmem:s10], [sflag:$0x5], $0x80, s22, s2, $0xb8;
	[tilespmem:$0x1F000] =	vst v63  }
0x1d3: {  	_ =	swait.ge [sflag:s31], $0x4000  }
0x1d4: {  	[sflag:s31] =	ssyncset.done $0x0  }
0x1d5: {  	[sflag:s31] =	ssyncadd.s32 $0xFFFFC000  }
0x1d6: {  	_ =	swait.ge [sflag:s8], $0x4000  }
0x1d7: {  	[sflag:s8] =	ssyncset.done $0x0  }
0x1d8: {  	[sflag:s8] =	ssyncadd.s32 $0xFFFFC000  }
0x1d9: {  	[tilespmem:s10], [sflag:$0x2] =	stream.indirect.gather [hbm4b:s4+s2], $0x80, s23, s2, $0xb8;
	[tilespmem:$0x1F000] =	vst v63  }
0x1da: {  	_ = 	snop  }
0x1db: {  	[spmem:s1] =	stream.indirect.scatter.add.f32 [tilespmem:s6], [sflag:$0x5], $0x80, s24, s2, $0xb8;
	[tilespmem:$0x1F000] =	vst v63  }
0x1dc: {  	_ =	swait.ge [sflag:s31], $0x4000  }
0x1dd: {  	[sflag:s31] =	ssyncset.done $0x0  }
0x1de: {  	[sflag:s31] =	ssyncadd.s32 $0xFFFFC000  }
0x1df: {  	_ =	swait.ge [sflag:s11], $0x4000  }
0x1e0: {  	[sflag:s11] =	ssyncset.done $0x0  }
0x1e1: {  	s5 =	sadd.s32 $0x100, s5;
	[sflag:s11] =	ssyncadd.s32 $0xFFFFC000  }
0x1e2: {  	[tilespmem:s6], [sflag:$0x1] =	stream.indirect.gather [hbm4b:s4+s2], $0x80, s3, s2, $0xb8;
	[tilespmem:$0x1F000] =	vst v63  }
0x1e3: {  	p0 =	sne.s32 s5, $0x500;
	s7 =	simm.s32 $0xF80  }
0x1e4: {  	[spmem:s1] =	stream.indirect.scatter.add.f32 [tilespmem:s10], [sflag:$0x5], $0x80, s7, s2, $0xb8;
	[tilespmem:$0x1F000] =	vst v63  }
.Ltmp1:
0x1e5: {  	_ =	swait.ge [sflag:s31], $0x4000;
	(pc) =	sbr.rel @p0 .LBB2_4-.Ltmp1, $4  }
0x1e6: {  	[sflag:s31] =	ssyncset.done $0x0  }
0x1e7: {  	[sflag:s31] =	ssyncadd.s32 $0xFFFFC000  }
0x1e8: {  	_ =	swait.ge [sflag:s8], $0x4000  }
0x1e9: {  	s29 =	rddreg [dreg:$0x5];
	[sflag:s8] =	ssyncset.done $0x0  }
0x1ea: {  	[sflag:s8] =	ssyncadd.s32 $0xFFFFC000;
	p0 =	seq.s32 s9, $0x0  }
0x1eb: {  	s0 =	sadd.s32 @!p0 s9, s29;
	s5 =	simm.s32 @!p0 $0x0;
	s7 =	simm.s32 @!p0 $0x5  }
0x1ec: {  	[tilespmem:s5], [sflag:$0x5] =	stream.linear.gather @!p0 [hbm4b:s0+s5], $0x800, $0x38;
	[tilespmem:$0x1F000] =	vst v63  }
0x1ed: {  	_ =	swait.ge @!p0 [sflag:s7], $0x800  }
0x1ee: {  	s0 =	rddreg [dreg:$0x4];
	[sflag:s7] =	ssyncset.done @!p0 $0x0  }
0x1ef: {  	[sflag:s7] =	ssyncadd.s32 @!p0 $0xFFFFF800;
	s0 =	sadd.s32 @!p0 s9, s0;
	s9 =	simm.s32 @!p0 $0x800  }
0x1f0: {  	[tilespmem:s9], [sflag:$0x5] =	stream.linear.gather @!p0 [hbm4b:s0+s5], $0x800, $0x38;
	[tilespmem:$0x1F000] =	vst v63  }
0x1f1: {  	_ =	swait.ge @!p0 [sflag:s7], $0x800  }
0x1f2: {  	[sflag:s7] =	ssyncset.done @!p0 $0x0  }
0x1f3: {  	s0 =	simm.s32 @!p0 $0x80;
	[sflag:s7] =	ssyncadd.s32 @!p0 $0xFFFFF800;
	s7 =	simm.s32 @!p0 $0x1000  }
0x1f4: {  	[tilespmem:s7], [sflag:$0x1] =	stream.indirect.gather @!p0 [hbm4b:s4+s0], $0x80, s5, s0, $0xb8;
	[tilespmem:$0x1F000] =	vst v63  }
0x1f5: {  	_ =	swait.ge [sflag:s8], $0x4000  }
0x1f6: {  	[sflag:s8] =	ssyncset.done $0x0  }
0x1f7: {  	[sflag:s8] =	ssyncadd.s32 $0xFFFFC000  }
0x1f8: {  	[tilespmem:s10], [sflag:$0x2] =	stream.indirect.gather [hbm4b:s4+s2], $0x80, s2, s2, $0xb8;
	[tilespmem:$0x1F000] =	vst v63  }
0x1f9: {  	_ = 	snop  }
0x1fa: {  	[spmem:s1] =	stream.indirect.scatter.add.f32 [tilespmem:s6], [sflag:$0x5], $0x80, s12, s2, $0xb8;
	[tilespmem:$0x1F000] =	vst v63  }
0x1fb: {  	_ =	swait.ge [sflag:s31], $0x4000  }
0x1fc: {  	[sflag:s31] =	ssyncset.done $0x0  }
0x1fd: {  	[sflag:s31] =	ssyncadd.s32 $0xFFFFC000  }
0x1fe: {  	_ =	swait.ge [sflag:s11], $0x4000  }
0x1ff: {  	[sflag:s11] =	ssyncset.done $0x0  }
0x200: {  	s5 =	rddreg [dreg:$0x6];
	[sflag:s11] =	ssyncadd.s32 $0xFFFFC000  }
0x201: {  	[tilespmem:s6], [sflag:$0x1] =	stream.indirect.gather [hbm4b:s4+s2], $0x80, s5, s2, $0xb8;
	[tilespmem:$0x1F000] =	vst v63  }
0x202: {  	s7 =	rddreg [dreg:$0x7]  }
0x203: {  	[spmem:s1] =	stream.indirect.scatter.add.f32 [tilespmem:s10], [sflag:$0x5], $0x80, s7, s2, $0xb8;
	[tilespmem:$0x1F000] =	vst v63  }
0x204: {  	_ =	swait.ge [sflag:s31], $0x4000  }
0x205: {  	[sflag:s31] =	ssyncset.done $0x0  }
0x206: {  	[sflag:s31] =	ssyncadd.s32 $0xFFFFC000  }
0x207: {  	_ =	swait.ge [sflag:s8], $0x4000  }
0x208: {  	[sflag:s8] =	ssyncset.done $0x0  }
0x209: {  	s9 =	rddreg [dreg:$0x8];
	[sflag:s8] =	ssyncadd.s32 $0xFFFFC000  }
0x20a: {  	[tilespmem:s10], [sflag:$0x2] =	stream.indirect.gather [hbm4b:s4+s2], $0x80, s9, s2, $0xb8;
	[tilespmem:$0x1F000] =	vst v63  }
0x20b: {  	s12 =	rddreg [dreg:$0x9]  }
0x20c: {  	[spmem:s1] =	stream.indirect.scatter.add.f32 [tilespmem:s6], [sflag:$0x5], $0x80, s12, s2, $0xb8;
	[tilespmem:$0x1F000] =	vst v63  }
0x20d: {  	_ =	swait.ge [sflag:s31], $0x4000  }
0x20e: {  	[sflag:s31] =	ssyncset.done $0x0  }
0x20f: {  	[sflag:s31] =	ssyncadd.s32 $0xFFFFC000  }
0x210: {  	_ =	swait.ge [sflag:s11], $0x4000  }
0x211: {  	[sflag:s11] =	ssyncset.done $0x0  }
0x212: {  	s5 =	rddreg [dreg:$0xa];
	[sflag:s11] =	ssyncadd.s32 $0xFFFFC000  }
0x213: {  	[tilespmem:s6], [sflag:$0x1] =	stream.indirect.gather [hbm4b:s4+s2], $0x80, s5, s2, $0xb8;
	[tilespmem:$0x1F000] =	vst v63  }
0x214: {  	s7 =	rddreg [dreg:$0xb]  }
0x215: {  	[spmem:s1] =	stream.indirect.scatter.add.f32 [tilespmem:s10], [sflag:$0x5], $0x80, s7, s2, $0xb8;
	[tilespmem:$0x1F000] =	vst v63  }
0x216: {  	_ =	swait.ge [sflag:s31], $0x4000  }
0x217: {  	[sflag:s31] =	ssyncset.done $0x0  }
0x218: {  	[sflag:s31] =	ssyncadd.s32 $0xFFFFC000  }
0x219: {  	_ =	swait.ge [sflag:s8], $0x4000  }
0x21a: {  	[sflag:s8] =	ssyncset.done $0x0  }
0x21b: {  	s9 =	rddreg [dreg:$0xc];
	[sflag:s8] =	ssyncadd.s32 $0xFFFFC000  }
0x21c: {  	[tilespmem:s10], [sflag:$0x2] =	stream.indirect.gather [hbm4b:s4+s2], $0x80, s9, s2, $0xb8;
	[tilespmem:$0x1F000] =	vst v63  }
0x21d: {  	s12 =	rddreg [dreg:$0xd]  }
0x21e: {  	[spmem:s1] =	stream.indirect.scatter.add.f32 [tilespmem:s6], [sflag:$0x5], $0x80, s12, s2, $0xb8;
	[tilespmem:$0x1F000] =	vst v63  }
0x21f: {  	_ =	swait.ge [sflag:s31], $0x4000  }
0x220: {  	[sflag:s31] =	ssyncset.done $0x0  }
0x221: {  	[sflag:s31] =	ssyncadd.s32 $0xFFFFC000  }
0x222: {  	_ =	swait.ge [sflag:s11], $0x4000  }
0x223: {  	[sflag:s11] =	ssyncset.done $0x0  }
0x224: {  	s5 =	rddreg [dreg:$0xe];
	[sflag:s11] =	ssyncadd.s32 $0xFFFFC000  }
0x225: {  	[tilespmem:s6], [sflag:$0x1] =	stream.indirect.gather [hbm4b:s4+s2], $0x80, s5, s2, $0xb8;
	[tilespmem:$0x1F000] =	vst v63  }
0x226: {  	s7 =	rddreg [dreg:$0xf]  }
0x227: {  	[spmem:s1] =	stream.indirect.scatter.add.f32 [tilespmem:s10], [sflag:$0x5], $0x80, s7, s2, $0xb8;
	[tilespmem:$0x1F000] =	vst v63  }
0x228: {  	_ =	swait.ge [sflag:s31], $0x4000  }
0x229: {  	[sflag:s31] =	ssyncset.done $0x0  }
0x22a: {  	[sflag:s31] =	ssyncadd.s32 $0xFFFFC000  }
0x22b: {  	_ =	swait.ge [sflag:s8], $0x4000  }
0x22c: {  	[sflag:s8] =	ssyncset.done $0x0  }
0x22d: {  	s9 =	rddreg [dreg:$0x10];
	[sflag:s8] =	ssyncadd.s32 $0xFFFFC000  }
0x22e: {  	[tilespmem:s10], [sflag:$0x2] =	stream.indirect.gather [hbm4b:s4+s2], $0x80, s9, s2, $0xb8;
	[tilespmem:$0x1F000] =	vst v63  }
0x22f: {  	s12 =	rddreg [dreg:$0x11]  }
0x230: {  	[spmem:s1] =	stream.indirect.scatter.add.f32 [tilespmem:s6], [sflag:$0x5], $0x80, s12, s2, $0xb8;
	[tilespmem:$0x1F000] =	vst v63  }
0x231: {  	_ =	swait.ge [sflag:s31], $0x4000  }
0x232: {  	[sflag:s31] =	ssyncset.done $0x0  }
0x233: {  	[sflag:s31] =	ssyncadd.s32 $0xFFFFC000  }
0x234: {  	_ =	swait.ge [sflag:s11], $0x4000  }
0x235: {  	[sflag:s11] =	ssyncset.done $0x0  }
0x236: {  	s5 =	rddreg [dreg:$0x12];
	[sflag:s11] =	ssyncadd.s32 $0xFFFFC000  }
0x237: {  	[tilespmem:s6], [sflag:$0x1] =	stream.indirect.gather [hbm4b:s4+s2], $0x80, s5, s2, $0xb8;
	[tilespmem:$0x1F000] =	vst v63  }
0x238: {  	s7 =	rddreg [dreg:$0x13]  }
0x239: {  	[spmem:s1] =	stream.indirect.scatter.add.f32 [tilespmem:s10], [sflag:$0x5], $0x80, s7, s2, $0xb8;
	[tilespmem:$0x1F000] =	vst v63  }
0x23a: {  	_ =	swait.ge [sflag:s31], $0x4000  }
0x23b: {  	[sflag:s31] =	ssyncset.done $0x0  }
0x23c: {  	[sflag:s31] =	ssyncadd.s32 $0xFFFFC000  }
0x23d: {  	_ =	swait.ge [sflag:s8], $0x4000  }
0x23e: {  	[sflag:s8] =	ssyncset.done $0x0  }
0x23f: {  	s9 =	rddreg [dreg:$0x14];
	[sflag:s8] =	ssyncadd.s32 $0xFFFFC000  }
0x240: {  	[tilespmem:s10], [sflag:$0x2] =	stream.indirect.gather [hbm4b:s4+s2], $0x80, s9, s2, $0xb8;
	[tilespmem:$0x1F000] =	vst v63  }
0x241: {  	s12 =	rddreg [dreg:$0x15]  }
0x242: {  	[spmem:s1] =	stream.indirect.scatter.add.f32 [tilespmem:s6], [sflag:$0x5], $0x80, s12, s2, $0xb8;
	[tilespmem:$0x1F000] =	vst v63  }
0x243: {  	_ =	swait.ge [sflag:s31], $0x4000  }
0x244: {  	[sflag:s31] =	ssyncset.done $0x0  }
0x245: {  	[sflag:s31] =	ssyncadd.s32 $0xFFFFC000  }
0x246: {  	_ =	swait.ge [sflag:s11], $0x4000  }
0x247: {  	[sflag:s11] =	ssyncset.done $0x0  }
0x248: {  	[sflag:s11] =	ssyncadd.s32 $0xFFFFC000  }
0x249: {  	[tilespmem:s6], [sflag:$0x1] =	stream.indirect.gather [hbm4b:s4+s2], $0x80, s13, s2, $0xb8;
	[tilespmem:$0x1F000] =	vst v63  }
0x24a: {  	_ = 	snop  }
0x24b: {  	[spmem:s1] =	stream.indirect.scatter.add.f32 [tilespmem:s10], [sflag:$0x5], $0x80, s14, s2, $0xb8;
	[tilespmem:$0x1F000] =	vst v63  }
0x24c: {  	_ =	swait.ge [sflag:s31], $0x4000  }
0x24d: {  	[sflag:s31] =	ssyncset.done $0x0  }
0x24e: {  	[sflag:s31] =	ssyncadd.s32 $0xFFFFC000  }
0x24f: {  	_ =	swait.ge [sflag:s8], $0x4000  }
0x250: {  	[sflag:s8] =	ssyncset.done $0x0  }
0x251: {  	[sflag:s8] =	ssyncadd.s32 $0xFFFFC000  }
0x252: {  	[tilespmem:s10], [sflag:$0x2] =	stream.indirect.gather [hbm4b:s4+s2], $0x80, s15, s2, $0xb8;
	[tilespmem:$0x1F000] =	vst v63  }
0x253: {  	_ = 	snop  }
0x254: {  	[spmem:s1] =	stream.indirect.scatter.add.f32 [tilespmem:s6], [sflag:$0x5], $0x80, s16, s2, $0xb8;
	[tilespmem:$0x1F000] =	vst v63  }
0x255: {  	_ =	swait.ge [sflag:s31], $0x4000  }
0x256: {  	[sflag:s31] =	ssyncset.done $0x0  }
0x257: {  	[sflag:s31] =	ssyncadd.s32 $0xFFFFC000  }
0x258: {  	_ =	swait.ge [sflag:s11], $0x4000  }
0x259: {  	[sflag:s11] =	ssyncset.done $0x0  }
0x25a: {  	[sflag:s11] =	ssyncadd.s32 $0xFFFFC000  }
0x25b: {  	[tilespmem:s6], [sflag:$0x1] =	stream.indirect.gather [hbm4b:s4+s2], $0x80, s17, s2, $0xb8;
	[tilespmem:$0x1F000] =	vst v63  }
0x25c: {  	_ = 	snop  }
0x25d: {  	[spmem:s1] =	stream.indirect.scatter.add.f32 [tilespmem:s10], [sflag:$0x5], $0x80, s18, s2, $0xb8;
	[tilespmem:$0x1F000] =	vst v63  }
0x25e: {  	_ =	swait.ge [sflag:s31], $0x4000  }
0x25f: {  	[sflag:s31] =	ssyncset.done $0x0  }
0x260: {  	[sflag:s31] =	ssyncadd.s32 $0xFFFFC000  }
0x261: {  	_ =	swait.ge [sflag:s8], $0x4000  }
0x262: {  	[sflag:s8] =	ssyncset.done $0x0  }
0x263: {  	[sflag:s8] =	ssyncadd.s32 $0xFFFFC000  }
0x264: {  	[tilespmem:s10], [sflag:$0x2] =	stream.indirect.gather [hbm4b:s4+s2], $0x80, s19, s2, $0xb8;
	[tilespmem:$0x1F000] =	vst v63  }
0x265: {  	_ = 	snop  }
0x266: {  	[spmem:s1] =	stream.indirect.scatter.add.f32 [tilespmem:s6], [sflag:$0x5], $0x80, s20, s2, $0xb8;
	[tilespmem:$0x1F000] =	vst v63  }
0x267: {  	_ =	swait.ge [sflag:s31], $0x4000  }
0x268: {  	[sflag:s31] =	ssyncset.done $0x0  }
0x269: {  	[sflag:s31] =	ssyncadd.s32 $0xFFFFC000  }
0x26a: {  	_ =	swait.ge [sflag:s11], $0x4000  }
0x26b: {  	[sflag:s11] =	ssyncset.done $0x0  }
0x26c: {  	[sflag:s11] =	ssyncadd.s32 $0xFFFFC000  }
0x26d: {  	[tilespmem:s6], [sflag:$0x1] =	stream.indirect.gather [hbm4b:s4+s2], $0x80, s21, s2, $0xb8;
	[tilespmem:$0x1F000] =	vst v63  }
0x26e: {  	_ = 	snop  }
0x26f: {  	[spmem:s1] =	stream.indirect.scatter.add.f32 [tilespmem:s10], [sflag:$0x5], $0x80, s22, s2, $0xb8;
	[tilespmem:$0x1F000] =	vst v63  }
0x270: {  	_ =	swait.ge [sflag:s31], $0x4000  }
0x271: {  	[sflag:s31] =	ssyncset.done $0x0  }
0x272: {  	[sflag:s31] =	ssyncadd.s32 $0xFFFFC000  }
0x273: {  	_ =	swait.ge [sflag:s8], $0x4000  }
0x274: {  	[sflag:s8] =	ssyncset.done $0x0  }
0x275: {  	[sflag:s8] =	ssyncadd.s32 $0xFFFFC000  }
0x276: {  	[tilespmem:s10], [sflag:$0x2] =	stream.indirect.gather [hbm4b:s4+s2], $0x80, s23, s2, $0xb8;
	[tilespmem:$0x1F000] =	vst v63  }
0x277: {  	_ = 	snop  }
0x278: {  	[spmem:s1] =	stream.indirect.scatter.add.f32 [tilespmem:s6], [sflag:$0x5], $0x80, s24, s2, $0xb8;
	[tilespmem:$0x1F000] =	vst v63  }
0x279: {  	_ =	swait.ge [sflag:s31], $0x4000  }
0x27a: {  	[sflag:s31] =	ssyncset.done $0x0  }
0x27b: {  	[sflag:s31] =	ssyncadd.s32 $0xFFFFC000  }
0x27c: {  	_ =	swait.ge [sflag:s11], $0x4000  }
0x27d: {  	[sflag:s11] =	ssyncset.done $0x0  }
0x27e: {  	[sflag:s11] =	ssyncadd.s32 $0xFFFFC000  }
0x27f: {  	[tilespmem:s6], [sflag:$0x1] =	stream.indirect.gather [hbm4b:s4+s2], $0x80, s3, s2, $0xb8;
	[tilespmem:$0x1F000] =	vst v63  }
0x280: {  	s7 =	simm.s32 $0xF80  }
0x281: {  	[spmem:s1] =	stream.indirect.scatter.add.f32 [tilespmem:s10], [sflag:$0x5], $0x80, s7, s2, $0xb8;
	[tilespmem:$0x1F000] =	vst v63  }
0x282: {  	_ =	swait.ge [sflag:s31], $0x4000  }
0x283: {  	[sflag:s31] =	ssyncset.done $0x0  }
0x284: {  	[sflag:s31] =	ssyncadd.s32 $0xFFFFC000  }
0x285: {  	_ =	swait.ge [sflag:s8], $0x4000  }
0x286: {  	[sflag:s8] =	ssyncset.done $0x0  }
0x287: {  	[sflag:s8] =	ssyncadd.s32 $0xFFFFC000  }
0x288: {  	[bflag:$0x0] =	sbarrier.arrive $0xFFFF  }
0x289: {  	s12 =	rddreg [dreg:$0x16]  }
0x28a: {  	[tilespmem:s30], [sflag:$0x5] =	stream.linear.gather [spmem:s12], $0x1000, $0x38;
	[tilespmem:$0x1F000] =	vst v63  }
0x28b: {  	_ =	swait.ge [sflag:s31], $0x1000  }
0x28c: {  	[sflag:s31] =	ssyncset.done $0x0  }
0x28d: {  	s9 =	sadd.s32 $0x0, s25;
	[sflag:s31] =	ssyncadd.s32 $0xFFFFF000  }
0x28e: {  	[hbm4b:s9+s3] =	stream.linear.scatter [tilespmem:s30], [sflag:$0x4], $0x1000, $0x38;
	[tilespmem:$0x1F000] =	vst v63  }
0x28f: {  	s29 =	rddreg [dreg:$0x1a]  }
0x290: {  	[tilespmem:s26], [sflag:$0x5] =	stream.linear.gather [spmem:s29], $0x1000, $0x38;
	[tilespmem:$0x1F000] =	vst v63  }
0x291: {  	_ =	swait.ge [sflag:s31], $0x1000  }
0x292: {  	[sflag:s31] =	ssyncset.done $0x0  }
0x293: {  	s0 =	sadd.s32 $0x200, s9;
	[sflag:s31] =	ssyncadd.s32 $0xFFFFF000  }
0x294: {  	[hbm4b:s0+s3] =	stream.linear.scatter [tilespmem:s26], [sflag:$0x4], $0x1000, $0x38;
	[tilespmem:$0x1F000] =	vst v63  }
0x295: {  	_ =	swait.ge [sflag:s28], $0x1000  }
0x296: {  	[sflag:s28] =	ssyncset.done $0x0  }
0x297: {  	[sflag:s28] =	ssyncadd.s32 $0xFFFFF000  }
0x298: {  	_ =	swait.ge [sflag:s28], $0x1000  }
0x299: {  	s5 =	simm.s32 $0x400;
	s9 =	smov.u32 s12;
	[sflag:s28] =	ssyncset.done $0x0  }
.LBB2_6:
0x29a: {  	p0 =	sne.s32 s5, $0x2400;
	[sflag:s28] =	ssyncadd.s32 $0xFFFFF000;
	s9 =	sadd.s32 $0x2000, s9  }
0x29b: {  	[tilespmem:s30], [sflag:$0x5] =	stream.linear.gather [spmem:s9], $0x1000, $0x38;
	[tilespmem:$0x1F000] =	vst v63  }
0x29c: {  	s0 =	smov.u32 s5;
	s5 =	sadd.s32 $0x400, s5;
	_ =	swait.ge [sflag:s31], $0x1000  }
0x29d: {  	[sflag:s31] =	ssyncset.done $0x0  }
0x29e: {  	s0 =	sadd.s32 s0, s25;
	[sflag:s31] =	ssyncadd.s32 $0xFFFFF000  }
0x29f: {  	[hbm4b:s0+s3] =	stream.linear.scatter [tilespmem:s30], [sflag:$0x4], $0x1000, $0x38;
	[tilespmem:$0x1F000] =	vst v63  }
0x2a0: {  	s7 =	sadd.s32 $0x1000, s9  }
0x2a1: {  	[tilespmem:s26], [sflag:$0x5] =	stream.linear.gather [spmem:s7], $0x1000, $0x38;
	[tilespmem:$0x1F000] =	vst v63  }
0x2a2: {  	_ =	swait.ge [sflag:s31], $0x1000  }
0x2a3: {  	[sflag:s31] =	ssyncset.done $0x0  }
0x2a4: {  	s0 =	sadd.s32 $0x200, s0;
	[sflag:s31] =	ssyncadd.s32 $0xFFFFF000  }
0x2a5: {  	[hbm4b:s0+s3] =	stream.linear.scatter [tilespmem:s26], [sflag:$0x4], $0x1000, $0x38;
	[tilespmem:$0x1F000] =	vst v63  }
.Ltmp2:
0x2a6: {  	_ =	swait.ge [sflag:s28], $0x1000;
	(pc) =	sbr.rel @p0 .LBB2_6-.Ltmp2, $4  }
0x2a7: {  	[sflag:s28] =	ssyncset.done $0x0  }
0x2a8: {  	[sflag:s28] =	ssyncadd.s32 $0xFFFFF000  }
0x2a9: {  	_ =	swait.ge [sflag:s28], $0x1000  }
0x2aa: {  	[sflag:s28] =	ssyncset.done $0x0  }
0x2ab: {  	s5 =	sld [smem:$0x7F0];
	_ =	sdelay $0x2  }
0x2ac: {  	s0 =	rddreg [dreg:$0x19];
	s5 =	sadd.s32 $0x1, s5  }
0x2ad: {  	p0 =	sne.s32 s5, s0  }
.Ltmp3:
0x2ae: {  	_ = 	snop;
	(pc) =	sbr.rel @p0 .LBB2_1-.Ltmp3, $2  }
0x2af: {  	_ =	sdelay $0x2  }
0x2b0: {  	[sflag:s28] =	ssyncadd.s32 $0xFFFFF000  }
0x2b1: {  	_ =	sfence.sel $0x180000  }
0x2b2: {  	[bflag:$0x0] =	sbarrier.arrive $0xFFFF  }
0x2b3: {  	_ =	strace $0x9000004A  }
0x2b4: {  	s0 =	stileid.u32;
	[bflag:$0x2] =	sbarrier.arrive $0xFFFF  }
0x2b5: {  	p0 =	sne.s32 s0, $0x0;
	s0 =	rddreg [dreg:$0x3]  }
0x2b6: {  	s0 =	sadd.s32 @!p0 $0x100000, s0  }
0x2b7: {  	[sflag:s0] =	ssyncadd.tile.s32 @!p0 $0x1;
	_ =	shalt  }
.Lfunc_end2:
_tile_overlayer_lowered:
.L_overlay_start_2:
0x2b8: {  	(tag) =	ssettag $0x2  }
0x2b9: {  	s0 =	rddreg [dreg:$0x0];
	s2 =	stileid.u32  }
0x2ba: {  	s1 =	rddreg [dreg:$0x1];
	p0 =	sne.s32 s2, $0x0  }
0x2bb: {  	s3 =	rddreg [dreg:$0x2];
	[bflag:$0x3] =	sbarrier.arrive $0xFFFF;
	s2 =	simm.s32 @!p0 $0x1C05  }
0x2bc: {  	[timem:s3], [sflag:s2] =	dma.local @!p0 [hbm:s0], s1  }
0x2bd: {  	s0 =	simm.s32 @!p0 $0x5  }
0x2be: {  	_ =	swait.ge @!p0 [sflag:s0], s1  }
0x2bf: {  	s1 =	ssub.s32 @!p0 $0x0, s1;
	[sflag:s0] =	ssyncset.done @!p0 $0x0  }
0x2c0: {  	[sflag:s0] =	ssyncadd.s32 @!p0 s1  }
0x2c1: {  	[bflag:$0x3] =	sbarrier.arrive $0xFFFF  }
0x2c2: {  	_ =	shalt  }

// kernel: kernel.14.cloned.1.call-start
scs
__scs_entry_jumppad:
0x0: {  	(pc) =	sbr.rel $0x88, $3  }
0x1: {  	(tag) =	ssettag $0x0;
	lr =	simm.s32 $0x1  }
0x2: {  	[smem:$0x3F98] =	sst lr;
	_ =	strace $0xD0000000  }
0x3: {  	_ = 	snop  }
0x4: {  	_ = 	snop  }
0x5: {  	_ = 	snop  }
0x6: {  	_ = 	snop  }
0x7: {  	_ = 	snop  }
__scs_overlays_trampoline_lowered:
0x8: {  	[smem:$0x3FA7] =	sst s0  }
0x9: {  	[smem:$0x3FA8] =	sst s1  }
0xa: {  	[smem:$0x3FA9] =	sst s2  }
0xb: {  	[smem:$0x3FAA] =	sst s3  }
0xc: {  	[smem:$0x3FAB] =	sst s4  }
0xd: {  	[smem:$0x3FAC] =	sst s5  }
0xe: {  	[smem:$0x3FAD] =	sst s6  }
0xf: {  	[smem:$0x3FAE] =	sst s7  }
0x10: {  	[smem:$0x3FAF] =	sst s8  }
0x11: {  	[smem:$0x3FB0] =	sst s9;
	s0 =	simm.s32 @!p0 $0x0  }
0x12: {  	s1 =	sld [smem:$0x3F96];
	s0 =	simm.s32 @p0 $0x1  }
0x13: {  	[smem:$0x3FB1] =	sst s0;
	s0 =	simm.s32 @!p1 $0x0  }
0x14: {  	s2 =	sld [smem:$0x3F95];
	s0 =	simm.s32 @p1 $0x1  }
0x15: {  	[smem:$0x3FB2] =	sst s0;
	s0 =	simm.s32 @!p2 $0x0  }
0x16: {  	s3 =	sld [smem:$0x3FDB];
	s0 =	simm.s32 @p2 $0x1  }
0x17: {  	s4 =	simm.s32 $0x1BF5;
	[smem:$0x3FB4] =	sst s0  }
0x18: {  	s0 =	sld [smem:$0x3F97];
	_ =	swait.ge [sflag:s4], $0x0  }
0x19: {  	s7 =	sld [smem:$0x3F98]  }
0x1a: {  	s8 =	sadd.s32 $0xFFFFE003, lr  }
0x1b: {  	s9 =	sadd.s32 $0xFFFFFEF7, lr;
	s5 =	simm.s32 $0xFFFFFFFF;
	p2 =	slt.u32 s8, $0xFFFFF086  }
0x1c: {  	p1 =	slt.u32 s9, $0xF7A;
	s5 =	simm.s32 @!p2 $0x0  }
0x1d: {  	s5 =	simm.s32 @p1 $0x1;
	p0 =	seq.s32 s7, s2  }
0x1e: {  	s7 =	smul.u32 @!p0 $0xF7A, s2;
	p2 =	seq.s32 @!p0 s5, $0x0  }
0x1f: {  	s9 =	smul.u32 $0xF7A, s1;
	s8 =	simm.s32 @!p0 $0x1BF5;
	p2 =	por !p2, p0  }
0x20: {  	[sflag:s8] =	ssyncset.s32 @!p0 $0xFFFFF086;
	s6 =	sadd.s32 @!p0 s3, s7;
	s7 =	simm.s32 @!p0 $0x108  }
0x21: {  	s3 =	sadd.s32 s3, s9;
	s6 =	sadd.s32 @!p0 $0x88, s6;
	s7 =	simm.s32 @p2 $0x1082  }
0x22: {  	[simem:s7], [sflag:s8] =	dma.local @!p0 [hbm:s6], $0xF7A  }
0x23: {  	s9 =	sor.u32 $0xD0000000, s2;
	s6 =	simm.s32 $0x108;
	_ =	swait.ge @!p0 [sflag:s8], $0x0  }
0x24: {  	s3 =	sadd.s32 $0x88, s3;
	s6 =	simm.s32 @!p1 $0x1082;
	[sflag:s4] =	ssyncset.s32 $0xFFFFF086  }
0x25: {  	[simem:s6], [sflag:s4] =	dma.local [hbm:s3], $0xF7A  }
0x26: {  	[smem:$0x3F98] =	sst s1;
	(tag) =	ssettag s2;
	_ =	strace s9  }
0x27: {  	s1 =	sld [smem:$0x3FA8]  }
0x28: {  	s2 =	sld [smem:$0x3FA9]  }
0x29: {  	s4 =	sld [smem:$0x3FAB]  }
0x2a: {  	p0 =	seq.s32 s5, $0x0;
	s5 =	sld [smem:$0x3FAC]  }
0x2b: {  	s6 =	sld [smem:$0x3FAD]  }
0x2c: {  	s7 =	sld [smem:$0x3FAE]  }
0x2d: {  	s3 =	simm.s32 $0x108;
	s8 =	sld [smem:$0x3FAF]  }
0x2e: {  	s3 =	simm.s32 @!p0 $0x1082;
	s9 =	sld [smem:$0x3FB0]  }
0x2f: {  	lr =	sadd.s32 s0, s3;
	s0 =	sld [smem:$0x3FA7]  }
0x30: {  	s3 =	sld [smem:$0x3FAA]  }
0x31: {  	[smem:$0x3FB3] =	sst s10  }
0x32: {  	s10 =	sld [smem:$0x3FB1];
	_ =	sdelay $0x3  }
0x33: {  	p0 =	seq.s32 s10, $0x1;
	s10 =	sld [smem:$0x3FB3];
	_ =	sdelay $0x3  }
0x34: {  	[smem:$0x3FB3] =	sst s10  }
0x35: {  	s10 =	sld [smem:$0x3FB2];
	_ =	sdelay $0x3  }
0x36: {  	p1 =	seq.s32 s10, $0x1;
	s10 =	sld [smem:$0x3FB3];
	_ =	sdelay $0x3  }
0x37: {  	[smem:$0x3FB3] =	sst s10  }
0x38: {  	s10 =	sld [smem:$0x3FB4]  }
0x39: {  	_ = 	snop;
	(pc) =	sbr.ind lr, $3  }
0x3a: {  	_ = 	snop  }
0x3b: {  	_ = 	snop  }
0x3c: {  	p2 =	seq.s32 s10, $0x1;
	s10 =	sld [smem:$0x3FB3]  }
0x3d: {  	_ =	shalt  }
0x3e: {  	_ =	shalt  }
0x3f: {  	_ =	shalt  }
0x40: {  	_ =	shalt  }
0x41: {  	_ =	shalt  }
0x42: {  	_ =	shalt  }
0x43: {  	_ =	shalt  }
0x44: {  	_ =	shalt  }
0x45: {  	_ =	shalt  }
0x46: {  	_ =	shalt  }
0x47: {  	_ =	shalt  }
0x48: {  	_ =	shalt  }
0x49: {  	_ =	shalt  }
0x4a: {  	_ =	shalt  }
0x4b: {  	_ =	shalt  }
0x4c: {  	_ =	shalt  }
0x4d: {  	_ =	shalt  }
0x4e: {  	_ =	shalt  }
0x4f: {  	_ =	shalt  }
0x50: {  	_ =	shalt  }
0x51: {  	_ =	shalt  }
0x52: {  	_ =	shalt  }
0x53: {  	_ =	shalt  }
0x54: {  	_ =	shalt  }
0x55: {  	_ =	shalt  }
0x56: {  	_ =	shalt  }
0x57: {  	_ =	shalt  }
0x58: {  	_ =	shalt  }
0x59: {  	_ =	shalt  }
0x5a: {  	_ =	shalt  }
0x5b: {  	_ =	shalt  }
0x5c: {  	_ =	shalt  }
0x5d: {  	_ =	shalt  }
0x5e: {  	_ =	shalt  }
0x5f: {  	_ =	shalt  }
0x60: {  	_ =	shalt  }
0x61: {  	_ =	shalt  }
0x62: {  	_ =	shalt  }
0x63: {  	_ =	shalt  }
0x64: {  	_ =	shalt  }
0x65: {  	_ =	shalt  }
0x66: {  	_ =	shalt  }
0x67: {  	_ =	shalt  }
0x68: {  	_ =	shalt  }
0x69: {  	_ =	shalt  }
0x6a: {  	_ =	shalt  }
0x6b: {  	_ =	shalt  }
0x6c: {  	_ =	shalt  }
0x6d: {  	_ =	shalt  }
0x6e: {  	_ =	shalt  }
0x6f: {  	_ =	shalt  }
0x70: {  	_ =	shalt  }
0x71: {  	_ =	shalt  }
0x72: {  	_ =	shalt  }
0x73: {  	_ =	shalt  }
0x74: {  	_ =	shalt  }
0x75: {  	_ =	shalt  }
0x76: {  	_ =	shalt  }
0x77: {  	_ =	shalt  }
0x78: {  	_ =	shalt  }
0x79: {  	_ =	shalt  }
0x7a: {  	_ =	shalt  }
0x7b: {  	_ =	shalt  }
0x7c: {  	_ =	shalt  }
0x7d: {  	_ =	shalt  }
0x7e: {  	_ =	shalt  }
0x7f: {  	_ =	shalt  }
0x80: {  	_ =	shalt  }
0x81: {  	_ =	shalt  }
0x82: {  	_ =	shalt  }
0x83: {  	_ =	shalt  }
0x84: {  	_ =	shalt  }
0x85: {  	_ =	shalt  }
0x86: {  	_ =	shalt  }
0x87: {  	_ =	shalt  }
.Lfunc_end0:
.L_simem_size_0:
called_computation.2_lowered:
.L_overlay_start_0:
0x88: {  	s2 =	sld [smem:$0x3FD9]  }
0x89: {  	s3 =	sld [smem:$0x3FFE];
	_ =	sdelay $0x1  }
0x8a: {  	s1 =	srdreg.scid  }
0x8b: {  	s0 =	sand.u32 $0x1, s1  }
0x8c: {  	s17 =	sshll.u32 s0, $0xA;
	s2 =	sadd.s32 s3, s2  }
0x8d: {  	s2 =	sadd.s32 s2, s17  }
0x8e: {  	[smem:$0x3FBF] =	sst s2  }
0x8f: {  	_ = 	snop  }
0x90: {  	s2 =	sld [smem:$0x3FD0];
	(tm) =	ssettm $0x1  }
0x91: {  	s18 =	sld [smem:$0x3FFB];
	_ =	sdelay $0x3  }
0x92: {  	_ =	strace s18  }
0x93: {  	s3 =	sld [smem:$0x3FFC];
	_ =	sdelay $0x3  }
0x94: {  	_ =	strace s3  }
0x95: {  	s3 =	sld [smem:$0x3FFD];
	_ =	sdelay $0x3  }
0x96: {  	_ =	strace s3  }
0x97: {  	_ =	strace $0x8FFFFFFF  }
0x98: {  	s19 =	sld [smem:$0x3FDB];
	_ =	sdelay $0x1  }
0x99: {  	s4 =	simm.s32 $_scs_section_size  }
0x9a: {  	s5 =	simm.s32 $_size__tile_overlayer_lowered;
	s6 =	simm.s32 $_tile_overlayer_lowered  }
0x9b: {  	s22 =	simm.s32 $0x1BFF;
	s21 =	sshll.u32 s6, $0x1;
	s3 =	sadd.s32 s4, s19  }
0x9c: {  	s7 =	simm.s32 $0x0;
	s20 =	sshll.u32 s5, $0x1;
	s5 =	sadd.s32 s21, s3  }
0x9d: {  	[timem:s7], [sflag:s22] =	dma.local [hbm:s5], s20  }
0x9e: {  	_ =	swait.ge [sflag:s22], s20  }
0x9f: {  	s4 =	ssub.s32 $0x0, s20;
	[sflag:s22] =	ssyncset.done $0x0  }
0xa0: {  	[sflag:s22] =	ssyncadd.s32 s4;
	_ =	sdelay $0x1  }
0xa1: {  	s23 =	simm.s32 $0x1B8B  }
0xa2: {  	_ =	swait.ge [sflag:s23], $0x1  }
0xa3: {  	[sflag:s23] =	ssyncset.done $0x0  }
0xa4: {  	s25 =	simm.s32 $0x1B8E;
	s24 =	sld [smem:$0x3FFE];
	[sflag:s23] =	ssyncadd.s32 $0xFFFFFFFF  }
0xa5: {  	s26 =	simm.s32 $execute0_lowered;
	[smem:$0x3FD2] =	sst s25  }
0xa6: {  	s5 =	sshll.u32 s26, $0x1;
	_ =	strace $0x8000004C;
	[dreg:$0x1] =	wrdreg $0xFFFFFFFF  }
0xa7: {  	s28 =	simm.s32 $_size_execute0_lowered;
	s3 =	sadd.s32 s3, s5;
	[dreg:$0x0] =	wrdreg $0x0  }
0xa8: {  	s5 =	sshll.u32 s28, $0x1;
	[dreg:$0x2] =	wrdreg s3  }
0xa9: {  	[dreg:$0x3] =	wrdreg s5  }
0xaa: {  	[dreg:$0x4] =	wrdreg $0xC0  }
0xab: {  	_ =	task [dreg:s7], $0x5FFFF  }
0xac: {  	[dreg:$0x1] =	wrdreg $0xFFFFFFFF  }
0xad: {  	[dreg:$0x0] =	wrdreg $0x60  }
0xae: {  	[dreg:$0x2] =	wrdreg s24  }
0xaf: {  	[dreg:$0x3] =	wrdreg s2  }
0xb0: {  	[dreg:$0x4] =	wrdreg $0xB0000  }
0xb1: {  	[dreg:$0x5] =	wrdreg $0x9  }
0xb2: {  	_ =	task.clear_ibuf [dreg:s7], $0x6FFFF;
	_ =	strace $0x9000004C  }
0xb3: {  	s29 =	simm.s32 $0x9;
	_ =	strace $0x8000004E  }
0xb4: {  	_ =	swait.ge [sflag:s29], $0x1  }
0xb5: {  	[sflag:s29] =	ssyncadd.s32 $0xFFFFFFFF  }
0xb6: {  	_ =	strace $0x9000004E  }
0xb7: {  	_ =	sfence  }
0xb8: {  	s30 =	sld [smem:$0x0];
	_ =	sdelay $0x2  }
0xb9: {  	s31 =	sshll.u32 s1, $0xD;
	s1 =	sshrl.u32 s1, $0x2  }
0xba: {  	s3 =	sand.u32 $0x4000, s31;
	s1 =	sadd.s32 s1, s30  }
0xbb: {  	s0 =	sor.u32 s3, s0;
	s1 =	sshll.u32 s1, $0x11  }
0xbc: {  	s0 =	sor.u32 s1, s0  }
0xbd: {  	s0 =	sadd.s32 $0x8F2B, s0  }
0xbe: {  	[sflag:s0] =	ssyncadd.remote.s32 $0x1  }
0xbf: {  	_ =	sfence.sel $0xFFFF  }
0xc0: {  	[dreg:$0x0] =	wrdreg $0xFFFFFFFF;
	(pc) =	sbr.abs _section_cstart, $3  }
0xc1: {  	[dreg:$0x1] =	wrdreg $0xFFFFFFFF  }
0xc2: {  	_ =	task.clear_ibuf [dreg:s7], $0x2FFFF;
	_ =	strace $0x9FFFFFFF  }
0xc3: {  	(tm) =	ssettm $0x7FFFFFFF  }
tec
execute0_lowered:
.L_overlay_start_1:
0x0: {  	(tag) =	ssettag $0x1  }
0x1: {  	s0 =	rddreg [dreg:$0x0]  }
0x2: {  	s2 =	rddreg [dreg:$0x1]  }
0x3: {  	s1 =	rddreg [dreg:$0x2];
	s3 =	srdreg.scid  }
0x4: {  	s11 =	stileid.u32;
	s5 =	sand.u32 $0x1, s3;
	s3 =	simm.s32 $0x0  }
0x5: {  	s14 =	simm.s32 $0x180;
	s15 =	simm.s32 $0x900;
	[smem:$0x7FF] =	sst s3  }
0x6: {  	s17 =	simm.s32 $0x200;
	_ =	strace $0x8000004D;
	[dreg:$0x8] =	wrdreg s14  }
0x7: {  	s19 =	simm.s32 $0x980;
	s7 =	smul.u32 $0x2800, s11;
	[dreg:$0x9] =	wrdreg s15  }
0x8: {  	s21 =	simm.s32 $0x280;
	s9 =	smul.u32 $0x50000, s11;
	[dreg:$0xa] =	wrdreg s17  }
0x9: {  	s23 =	simm.s32 $0xA00;
	s6 =	smul.u32 $0x28000, s5;
	[dreg:$0xb] =	wrdreg s19  }
0xa: {  	s25 =	ssub.s32 $0x2, s5;
	s5 =	sshll.u32 s5, $0x4;
	[dreg:$0xc] =	wrdreg s21  }
0xb: {  	s5 =	sor.u32 s11, s5;
	s11 =	simm.s32 $0x880;
	[dreg:$0xd] =	wrdreg s23  }
0xc: {  	s15 =	simm.s32 $0xB80;
	[dreg:$0x7] =	wrdreg s11  }
0xd: {  	s10 =	sshrl.u32 s25, $0x1;
	s17 =	simm.s32 $0x480;
	[dreg:$0x13] =	wrdreg s15  }
0xe: {  	s19 =	simm.s32 $0xC00;
	s6 =	sadd.s32 s7, s6;
	[dreg:$0x14] =	wrdreg s17  }
0xf: {  	s7 =	ssub.s32 s25, s10;
	s10 =	simm.s32 $0x100;
	[dreg:$0x15] =	wrdreg s19  }
0x10: {  	s9 =	sshrl.u32 s9, $0x2;
	s25 =	simm.s32 $0x300;
	[dreg:$0x6] =	wrdreg s10  }
0x11: {  	s12 =	sadd.s32 s9, s1;
	[dreg:$0xe] =	wrdreg s25  }
0x12: {  	s13 =	smax.u32 s7, $0x1;
	[dreg:$0x16] =	wrdreg s12  }
0x13: {  	s16 =	sadd.s32 $0x2000, s12;
	[dreg:$0x19] =	wrdreg s13  }
0x14: {  	s18 =	sadd.s32 $0x3000, s12;
	[dreg:$0x1b] =	wrdreg s16  }
0x15: {  	s20 =	sadd.s32 $0x4000, s12;
	[dreg:$0x1c] =	wrdreg s18  }
0x16: {  	s30 =	simm.s32 $0x9000;
	s22 =	sadd.s32 $0x5000, s12;
	[dreg:$0x1d] =	wrdreg s20  }
0x17: {  	s31 =	simm.s32 $0x5;
	s24 =	sadd.s32 $0x6000, s12;
	[dreg:$0x1e] =	wrdreg s22  }
0x18: {  	s28 =	simm.s32 $0x4;
	s7 =	sadd.s32 $0x8000, s12;
	[dreg:$0x1f] =	wrdreg s24  }
0x19: {  	s4 =	sadd.s32 $0x5D600, s0;
	s9 =	sadd.s32 $0x9000, s12;
	[smem:$0x7F2] =	sst s7  }
0x1a: {  	s8 =	sadd.s32 $0x3600, s0;
	s11 =	sadd.s32 $0xA000, s12;
	[smem:$0x7F3] =	sst s9  }
0x1b: {  	s5 =	smul.u32 $0x2800, s5;
	s10 =	simm.s32 $0xB00;
	[smem:$0x7F4] =	sst s11  }
0x1c: {  	s15 =	simm.s32 $0x580;
	s14 =	sadd.s32 $0xB000, s12;
	[dreg:$0x11] =	wrdreg s10  }
0x1d: {  	s17 =	simm.s32 $0x600;
	s21 =	sadd.s32 $0xF000, s12;
	[smem:$0x7F5] =	sst s14  }
0x1e: {  	s0 =	sadd.s32 s6, s0;
	s23 =	sadd.s32 $0x11000, s12;
	[smem:$0x7F9] =	sst s21  }
0x1f: {  	s6 =	sshrl.u32 s6, $0x3;
	s29 =	sadd.s32 $0x1000, s12;
	[smem:$0x7FB] =	sst s23  }
0x20: {  	s19 =	simm.s32 $0x680;
	s26 =	sadd.s32 s6, s8;
	[dreg:$0x1a] =	wrdreg s29  }
0x21: {  	s5 =	sshrl.u32 s5, $0x3;
	s6 =	sadd.s32 s6, s2;
	[dreg:$0x4] =	wrdreg s26  }
0x22: {  	s13 =	simm.s32 $0x400;
	s16 =	sadd.s32 $0xC000, s12;
	[dreg:$0x5] =	wrdreg s6  }
0x23: {  	s18 =	sadd.s32 $0xD000, s12;
	s20 =	sadd.s32 $0xE000, s12;
	[dreg:$0x12] =	wrdreg s13  }
0x24: {  	s22 =	sadd.s32 $0x10000, s12;
	s25 =	sadd.s32 $0x85600, s0;
	[smem:$0x7F6] =	sst s16  }
0x25: {  	s24 =	sadd.s32 $0x12000, s12;
	s10 =	simm.s32 $0x5000;
	[smem:$0x7F7] =	sst s18  }
0x26: {  	s11 =	simm.s32 $0x2;
	s14 =	simm.s32 $0xC80;
	[smem:$0x7F8] =	sst s20  }
0x27: {  	s21 =	simm.s32 $0x700;
	s23 =	simm.s32 $0x780;
	[smem:$0x7FA] =	sst s22  }
0x28: {  	s2 =	sadd.s32 s2, s5;
	s5 =	sadd.s32 s8, s5;
	[smem:$0x7FC] =	sst s24  }
0x29: {  	s26 =	sadd.s32 $0x7000, s12;
	s6 =	simm.s32 $0xA80;
	[dreg:$0x17] =	wrdreg s2  }
0x2a: {  	s8 =	simm.s32 $0x380;
	s13 =	simm.s32 $0x500;
	[dreg:$0x18] =	wrdreg s5  }
0x2b: {  	s16 =	simm.s32 $0xD00;
	s18 =	simm.s32 $0xD80;
	[smem:$0x7F1] =	sst s26  }
0x2c: {  	s20 =	simm.s32 $0xE00;
	s22 =	simm.s32 $0xE80;
	[dreg:$0xf] =	wrdreg s6  }
0x2d: {  	s24 =	simm.s32 $0xF00;
	[dreg:$0x10] =	wrdreg s8;
	s26 =	sadd.s32 $0x13000, s12  }
0x2e: {  	s2 =	simm.s32 $0x80;
	s6 =	simm.s32 $0x1000;
	s8 =	simm.s32 $0x1  }
0x2f: {  	v0 =	vimm.f32 $0.0e+00;
	s5 =	simm.s32 $0x0;
	[smem:$0x7FD] =	sst s26;
	s26 =	simm.s32 $0xA000  }
.LBB2_1:
0x30: {  	[smem:$0x7F0] =	sst s5;
	s5 =	simm.s32 $0x0;
	s9 =	simm.s32 $0x200  }
.LBB2_2:
0x31: {  	p0 =	sne.s32 s9, $0x3E00;
	[tilespmem:s5+$0x9070] =	vst v0  }
0x32: {  	[tilespmem:s5+$0x9000] =	vst v0  }
0x33: {  	[tilespmem:s5+$0x9010] =	vst v0  }
.Ltmp0:
0x34: {  	[tilespmem:s5+$0x9020] =	vst v0;
	(pc) =	sbr.rel @p0 .LBB2_2-.Ltmp0, $4  }
0x35: {  	[tilespmem:s5+$0x9030] =	vst v0  }
0x36: {  	[tilespmem:s5+$0x9040] =	vst v0  }
0x37: {  	[tilespmem:s5+$0x9050] =	vst v0  }
0x38: {  	[tilespmem:s5+$0x9060] =	vst v0;
	s5 =	sshra.s32 s9, $0x2;
	s9 =	sadd.s32 $0x200, s9  }
0x39: {  	[tilespmem:s5+$0x9070] =	vst v0  }
0x3a: {  	[tilespmem:s5+$0x9000] =	vst v0  }
0x3b: {  	[tilespmem:s5+$0x9010] =	vst v0  }
0x3c: {  	[tilespmem:s5+$0x9020] =	vst v0  }
0x3d: {  	[tilespmem:s5+$0x9030] =	vst v0  }
0x3e: {  	[tilespmem:s5+$0x9040] =	vst v0  }
0x3f: {  	[tilespmem:s5+$0x9050] =	vst v0  }
0x40: {  	[tilespmem:s5+$0x9060] =	vst v0  }
0x41: {  	[spmem:s12] =	stream.linear.scatter [tilespmem:s30], [sflag:$0x3], $0x1000, $0x38;
	[tilespmem:$0x1F000] =	vst v63  }
0x42: {  	s0 =	rddreg [dreg:$0x1b]  }
0x43: {  	[spmem:s29] =	stream.linear.scatter [tilespmem:s30], [sflag:$0x3], $0x1000, $0x38;
	[tilespmem:$0x1F000] =	vst v63  }
0x44: {  	s7 =	rddreg [dreg:$0x1c]  }
0x45: {  	[spmem:s0] =	stream.linear.scatter [tilespmem:s30], [sflag:$0x3], $0x1000, $0x38;
	[tilespmem:$0x1F000] =	vst v63  }
0x46: {  	s9 =	rddreg [dreg:$0x1d]  }
0x47: {  	[spmem:s7] =	stream.linear.scatter [tilespmem:s30], [sflag:$0x3], $0x1000, $0x38;
	[tilespmem:$0x1F000] =	vst v63  }
0x48: {  	s5 =	rddreg [dreg:$0x1f]  }
0x49: {  	[spmem:s9] =	stream.linear.scatter [tilespmem:s30], [sflag:$0x3], $0x1000, $0x38;
	[tilespmem:$0x1F000] =	vst v63  }
0x4a: {  	s12 =	rddreg [dreg:$0x1e]  }
0x4b: {  	[spmem:s12] =	stream.linear.scatter [tilespmem:s30], [sflag:$0x3], $0x1000, $0x38;
	[tilespmem:$0x1F000] =	vst v63  }
0x4c: {  	s7 =	sld [smem:$0x7F1]  }
0x4d: {  	[spmem:s5] =	stream.linear.scatter [tilespmem:s30], [sflag:$0x3], $0x1000, $0x38;
	[tilespmem:$0x1F000] =	vst v63  }
0x4e: {  	s9 =	sld [smem:$0x7F2]  }
0x4f: {  	[spmem:s7] =	stream.linear.scatter [tilespmem:s30], [sflag:$0x3], $0x1000, $0x38;
	[tilespmem:$0x1F000] =	vst v63  }
0x50: {  	s12 =	sld [smem:$0x7F3]  }
0x51: {  	[spmem:s9] =	stream.linear.scatter [tilespmem:s30], [sflag:$0x3], $0x1000, $0x38;
	[tilespmem:$0x1F000] =	vst v63  }
0x52: {  	s5 =	sld [smem:$0x7F4]  }
0x53: {  	[spmem:s12] =	stream.linear.scatter [tilespmem:s30], [sflag:$0x3], $0x1000, $0x38;
	[tilespmem:$0x1F000] =	vst v63  }
0x54: {  	s7 =	sld [smem:$0x7F5]  }
0x55: {  	[spmem:s5] =	stream.linear.scatter [tilespmem:s30], [sflag:$0x3], $0x1000, $0x38;
	[tilespmem:$0x1F000] =	vst v63  }
0x56: {  	s9 =	sld [smem:$0x7F6]  }
0x57: {  	[spmem:s7] =	stream.linear.scatter [tilespmem:s30], [sflag:$0x3], $0x1000, $0x38;
	[tilespmem:$0x1F000] =	vst v63  }
0x58: {  	s12 =	sld [smem:$0x7F7]  }
0x59: {  	[spmem:s9] =	stream.linear.scatter [tilespmem:s30], [sflag:$0x3], $0x1000, $0x38;
	[tilespmem:$0x1F000] =	vst v63  }
0x5a: {  	s5 =	sld [smem:$0x7F8]  }
0x5b: {  	[spmem:s12] =	stream.linear.scatter [tilespmem:s30], [sflag:$0x3], $0x1000, $0x38;
	[tilespmem:$0x1F000] =	vst v63  }
0x5c: {  	s7 =	sld [smem:$0x7F9]  }
0x5d: {  	[spmem:s5] =	stream.linear.scatter [tilespmem:s30], [sflag:$0x3], $0x1000, $0x38;
	[tilespmem:$0x1F000] =	vst v63  }
0x5e: {  	s9 =	sld [smem:$0x7FA]  }
0x5f: {  	[spmem:s7] =	stream.linear.scatter [tilespmem:s30], [sflag:$0x3], $0x1000, $0x38;
	[tilespmem:$0x1F000] =	vst v63  }
0x60: {  	s12 =	sld [smem:$0x7FB]  }
0x61: {  	[spmem:s9] =	stream.linear.scatter [tilespmem:s30], [sflag:$0x3], $0x1000, $0x38;
	[tilespmem:$0x1F000] =	vst v63  }
0x62: {  	s5 =	sld [smem:$0x7FC]  }
0x63: {  	[spmem:s12] =	stream.linear.scatter [tilespmem:s30], [sflag:$0x3], $0x1000, $0x38;
	[tilespmem:$0x1F000] =	vst v63  }
0x64: {  	s7 =	sld [smem:$0x7FD]  }
0x65: {  	[spmem:s5] =	stream.linear.scatter [tilespmem:s30], [sflag:$0x3], $0x1000, $0x38;
	[tilespmem:$0x1F000] =	vst v63  }
0x66: {  	_ = 	snop  }
0x67: {  	[spmem:s7] =	stream.linear.scatter [tilespmem:s30], [sflag:$0x3], $0x1000, $0x38;
	[tilespmem:$0x1F000] =	vst v63  }
0x68: {  	s9 =	simm.s32 $0x0;
	s12 =	rddreg [dreg:$0x17]  }
0x69: {  	[tilespmem:s9], [sflag:$0x5] =	stream.linear.gather [hbm4b:s12+s9], $0x800, $0x38;
	[tilespmem:$0x1F000] =	vst v63  }
0x6a: {  	_ =	swait.ge [sflag:s31], $0x800  }
0x6b: {  	[sflag:s31] =	ssyncset.done $0x0  }
0x6c: {  	s12 =	simm.s32 $0x800;
	s7 =	rddreg [dreg:$0x18];
	[sflag:s31] =	ssyncadd.s32 $0xFFFFF800  }
0x6d: {  	[tilespmem:s12], [sflag:$0x5] =	stream.linear.gather [hbm4b:s7+s9], $0x800, $0x38;
	[tilespmem:$0x1F000] =	vst v63  }
0x6e: {  	_ =	swait.ge [sflag:s31], $0x800  }
0x6f: {  	[sflag:s31] =	ssyncset.done $0x0  }
0x70: {  	[sflag:s31] =	ssyncadd.s32 $0xFFFFF800  }
0x71: {  	[tilespmem:s6], [sflag:$0x1] =	stream.indirect.gather [hbm4b:s4+s2], $0x80, s9, s2, $0xb8;
	[tilespmem:$0x1F000] =	vst v63  }
0x72: {  	s9 =	simm.s32 $0x3  }
0x73: {  	_ =	swait.ge [sflag:s9], $0x1000  }
0x74: {  	[sflag:s9] =	ssyncset.done $0x0  }
0x75: {  	[sflag:s9] =	ssyncadd.s32 $0xFFFFF000  }
0x76: {  	_ =	swait.ge [sflag:s9], $0x1000  }
0x77: {  	[sflag:s9] =	ssyncset.done $0x0  }
0x78: {  	[sflag:s9] =	ssyncadd.s32 $0xFFFFF000  }
0x79: {  	_ =	swait.ge [sflag:s9], $0x1000  }
0x7a: {  	[sflag:s9] =	ssyncset.done $0x0  }
0x7b: {  	[sflag:s9] =	ssyncadd.s32 $0xFFFFF000  }
0x7c: {  	_ =	swait.ge [sflag:s9], $0x1000  }
0x7d: {  	[sflag:s9] =	ssyncset.done $0x0  }
0x7e: {  	[sflag:s9] =	ssyncadd.s32 $0xFFFFF000  }
0x7f: {  	_ =	swait.ge [sflag:s9], $0x1000  }
0x80: {  	[sflag:s9] =	ssyncset.done $0x0  }
0x81: {  	[sflag:s9] =	ssyncadd.s32 $0xFFFFF000  }
0x82: {  	_ =	swait.ge [sflag:s9], $0x1000  }
0x83: {  	[sflag:s9] =	ssyncset.done $0x0  }
0x84: {  	[sflag:s9] =	ssyncadd.s32 $0xFFFFF000  }
0x85: {  	_ =	swait.ge [sflag:s9], $0x1000  }
0x86: {  	[sflag:s9] =	ssyncset.done $0x0  }
0x87: {  	[sflag:s9] =	ssyncadd.s32 $0xFFFFF000  }
0x88: {  	_ =	swait.ge [sflag:s9], $0x1000  }
0x89: {  	[sflag:s9] =	ssyncset.done $0x0  }
0x8a: {  	[sflag:s9] =	ssyncadd.s32 $0xFFFFF000  }
0x8b: {  	_ =	swait.ge [sflag:s9], $0x1000  }
0x8c: {  	[sflag:s9] =	ssyncset.done $0x0  }
0x8d: {  	[sflag:s9] =	ssyncadd.s32 $0xFFFFF000  }
0x8e: {  	_ =	swait.ge [sflag:s9], $0x1000  }
0x8f: {  	[sflag:s9] =	ssyncset.done $0x0  }
0x90: {  	[sflag:s9] =	ssyncadd.s32 $0xFFFFF000  }
0x91: {  	_ =	swait.ge [sflag:s9], $0x1000  }
0x92: {  	[sflag:s9] =	ssyncset.done $0x0  }
0x93: {  	[sflag:s9] =	ssyncadd.s32 $0xFFFFF000  }
0x94: {  	_ =	swait.ge [sflag:s9], $0x1000  }
0x95: {  	[sflag:s9] =	ssyncset.done $0x0  }
0x96: {  	[sflag:s9] =	ssyncadd.s32 $0xFFFFF000  }
0x97: {  	_ =	swait.ge [sflag:s9], $0x1000  }
0x98: {  	[sflag:s9] =	ssyncset.done $0x0  }
0x99: {  	[sflag:s9] =	ssyncadd.s32 $0xFFFFF000  }
0x9a: {  	_ =	swait.ge [sflag:s9], $0x1000  }
0x9b: {  	[sflag:s9] =	ssyncset.done $0x0  }
0x9c: {  	[sflag:s9] =	ssyncadd.s32 $0xFFFFF000  }
0x9d: {  	_ =	swait.ge [sflag:s9], $0x1000  }
0x9e: {  	[sflag:s9] =	ssyncset.done $0x0  }
0x9f: {  	[sflag:s9] =	ssyncadd.s32 $0xFFFFF000  }
0xa0: {  	_ =	swait.ge [sflag:s9], $0x1000  }
0xa1: {  	[sflag:s9] =	ssyncset.done $0x0  }
0xa2: {  	[sflag:s9] =	ssyncadd.s32 $0xFFFFF000  }
0xa3: {  	_ =	swait.ge [sflag:s9], $0x1000  }
0xa4: {  	[sflag:s9] =	ssyncset.done $0x0  }
0xa5: {  	[sflag:s9] =	ssyncadd.s32 $0xFFFFF000  }
0xa6: {  	_ =	swait.ge [sflag:s9], $0x1000  }
0xa7: {  	[sflag:s9] =	ssyncset.done $0x0  }
0xa8: {  	[sflag:s9] =	ssyncadd.s32 $0xFFFFF000  }
0xa9: {  	_ =	swait.ge [sflag:s9], $0x1000  }
0xaa: {  	[sflag:s9] =	ssyncset.done $0x0  }
0xab: {  	[sflag:s9] =	ssyncadd.s32 $0xFFFFF000  }
0xac: {  	_ =	swait.ge [sflag:s9], $0x1000  }
0xad: {  	[sflag:s9] =	ssyncset.done $0x0  }
0xae: {  	[sflag:s9] =	ssyncadd.s32 $0xFFFFF000  }
0xaf: {  	[bflag:$0x0] =	sbarrier.arrive $0xFFFF  }
0xb0: {  	p0 =	por $0x1, $0x1;
	s5 =	rddreg [dreg:$0x5]  }
0xb1: {  	s29 =	simm.s32 @!p0 $0x5;
	s9 =	simm.s32 @!p0 $0x0;
	s5 =	sadd.s32 @!p0 $0x0, s5  }
0xb2: {  	[tilespmem:s9], [sflag:$0x5] =	stream.linear.gather @!p0 [hbm4b:s5+s9], $0x800, $0x38;
	[tilespmem:$0x1F000] =	vst v63  }
0xb3: {  	_ =	swait.ge @!p0 [sflag:s29], $0x800  }
0xb4: {  	s5 =	rddreg [dreg:$0x4];
	[sflag:s29] =	ssyncset.done @!p0 $0x0  }
0xb5: {  	s7 =	simm.s32 @!p0 $0x800;
	[sflag:s29] =	ssyncadd.s32 @!p0 $0xFFFFF800;
	s5 =	sadd.s32 @!p0 $0x0, s5  }
0xb6: {  	[tilespmem:s7], [sflag:$0x5] =	stream.linear.gather @!p0 [hbm4b:s5+s9], $0x800, $0x38;
	[tilespmem:$0x1F000] =	vst v63  }
0xb7: {  	_ =	swait.ge @!p0 [sflag:s29], $0x800  }
0xb8: {  	[sflag:s29] =	ssyncset.done @!p0 $0x0  }
0xb9: {  	s5 =	simm.s32 @!p0 $0x80;
	s7 =	simm.s32 @!p0 $0x1000;
	[sflag:s29] =	ssyncadd.s32 @!p0 $0xFFFFF800  }
0xba: {  	[tilespmem:s7], [sflag:$0x1] =	stream.indirect.gather @!p0 [hbm4b:s4+s5], $0x80, s9, s5, $0xb8;
	[tilespmem:$0x1F000] =	vst v63  }
0xbb: {  	_ =	swait.ge [sflag:s8], $0x4000  }
0xbc: {  	[sflag:s8] =	ssyncset.done $0x0  }
0xbd: {  	[sflag:s8] =	ssyncadd.s32 $0xFFFFC000  }
0xbe: {  	[tilespmem:s10], [sflag:$0x2] =	stream.indirect.gather [hbm4b:s4+s2], $0x80, s2, s2, $0xb8;
	[tilespmem:$0x1F000] =	vst v63  }
0xbf: {  	_ = 	snop  }
0xc0: {  	[spmem:s1] =	stream.indirect.scatter.add.f32 [tilespmem:s6], [sflag:$0x5], $0x80, s12, s2, $0xb8;
	[tilespmem:$0x1F000] =	vst v63  }
0xc1: {  	_ =	swait.ge [sflag:s31], $0x4000  }
0xc2: {  	[sflag:s31] =	ssyncset.done $0x0  }
0xc3: {  	[sflag:s31] =	ssyncadd.s32 $0xFFFFC000  }
0xc4: {  	_ =	swait.ge [sflag:s11], $0x4000  }
0xc5: {  	[sflag:s11] =	ssyncset.done $0x0  }
0xc6: {  	s12 =	rddreg [dreg:$0x6];
	[sflag:s11] =	ssyncadd.s32 $0xFFFFC000  }
0xc7: {  	[tilespmem:s6], [sflag:$0x1] =	stream.indirect.gather [hbm4b:s4+s2], $0x80, s12, s2, $0xb8;
	[tilespmem:$0x1F000] =	vst v63  }
0xc8: {  	s0 =	rddreg [dreg:$0x7]  }
0xc9: {  	[spmem:s1] =	stream.indirect.scatter.add.f32 [tilespmem:s10], [sflag:$0x5], $0x80, s0, s2, $0xb8;
	[tilespmem:$0x1F000] =	vst v63  }
0xca: {  	_ =	swait.ge [sflag:s31], $0x4000  }
0xcb: {  	[sflag:s31] =	ssyncset.done $0x0  }
0xcc: {  	[sflag:s31] =	ssyncadd.s32 $0xFFFFC000  }
0xcd: {  	_ =	swait.ge [sflag:s8], $0x4000  }
0xce: {  	[sflag:s8] =	ssyncset.done $0x0  }
0xcf: {  	s7 =	rddreg [dreg:$0x8];
	[sflag:s8] =	ssyncadd.s32 $0xFFFFC000  }
0xd0: {  	[tilespmem:s10], [sflag:$0x2] =	stream.indirect.gather [hbm4b:s4+s2], $0x80, s7, s2, $0xb8;
	[tilespmem:$0x1F000] =	vst v63  }
0xd1: {  	s9 =	rddreg [dreg:$0x9]  }
0xd2: {  	[spmem:s1] =	stream.indirect.scatter.add.f32 [tilespmem:s6], [sflag:$0x5], $0x80, s9, s2, $0xb8;
	[tilespmem:$0x1F000] =	vst v63  }
0xd3: {  	_ =	swait.ge [sflag:s31], $0x4000  }
0xd4: {  	[sflag:s31] =	ssyncset.done $0x0  }
0xd5: {  	[sflag:s31] =	ssyncadd.s32 $0xFFFFC000  }
0xd6: {  	_ =	swait.ge [sflag:s11], $0x4000  }
0xd7: {  	[sflag:s11] =	ssyncset.done $0x0  }
0xd8: {  	s12 =	rddreg [dreg:$0xa];
	[sflag:s11] =	ssyncadd.s32 $0xFFFFC000  }
0xd9: {  	[tilespmem:s6], [sflag:$0x1] =	stream.indirect.gather [hbm4b:s4+s2], $0x80, s12, s2, $0xb8;
	[tilespmem:$0x1F000] =	vst v63  }
0xda: {  	s0 =	rddreg [dreg:$0xb]  }
0xdb: {  	[spmem:s1] =	stream.indirect.scatter.add.f32 [tilespmem:s10], [sflag:$0x5], $0x80, s0, s2, $0xb8;
	[tilespmem:$0x1F000] =	vst v63  }
0xdc: {  	_ =	swait.ge [sflag:s31], $0x4000  }
0xdd: {  	[sflag:s31] =	ssyncset.done $0x0  }
0xde: {  	[sflag:s31] =	ssyncadd.s32 $0xFFFFC000  }
0xdf: {  	_ =	swait.ge [sflag:s8], $0x4000  }
0xe0: {  	[sflag:s8] =	ssyncset.done $0x0  }
0xe1: {  	s7 =	rddreg [dreg:$0xc];
	[sflag:s8] =	ssyncadd.s32 $0xFFFFC000  }
0xe2: {  	[tilespmem:s10], [sflag:$0x2] =	stream.indirect.gather [hbm4b:s4+s2], $0x80, s7, s2, $0xb8;
	[tilespmem:$0x1F000] =	vst v63  }
0xe3: {  	s9 =	rddreg [dreg:$0xd]  }
0xe4: {  	[spmem:s1] =	stream.indirect.scatter.add.f32 [tilespmem:s6], [sflag:$0x5], $0x80, s9, s2, $0xb8;
	[tilespmem:$0x1F000] =	vst v63  }
0xe5: {  	_ =	swait.ge [sflag:s31], $0x4000  }
0xe6: {  	[sflag:s31] =	ssyncset.done $0x0  }
0xe7: {  	[sflag:s31] =	ssyncadd.s32 $0xFFFFC000  }
0xe8: {  	_ =	swait.ge [sflag:s11], $0x4000  }
0xe9: {  	[sflag:s11] =	ssyncset.done $0x0  }
0xea: {  	s12 =	rddreg [dreg:$0xe];
	[sflag:s11] =	ssyncadd.s32 $0xFFFFC000  }
0xeb: {  	[tilespmem:s6], [sflag:$0x1] =	stream.indirect.gather [hbm4b:s4+s2], $0x80, s12, s2, $0xb8;
	[tilespmem:$0x1F000] =	vst v63  }
0xec: {  	s0 =	rddreg [dreg:$0xf]  }
0xed: {  	[spmem:s1] =	stream.indirect.scatter.add.f32 [tilespmem:s10], [sflag:$0x5], $0x80, s0, s2, $0xb8;
	[tilespmem:$0x1F000] =	vst v63  }
0xee: {  	_ =	swait.ge [sflag:s31], $0x4000  }
0xef: {  	[sflag:s31] =	ssyncset.done $0x0  }
0xf0: {  	[sflag:s31] =	ssyncadd.s32 $0xFFFFC000  }
0xf1: {  	_ =	swait.ge [sflag:s8], $0x4000  }
0xf2: {  	[sflag:s8] =	ssyncset.done $0x0  }
0xf3: {  	s7 =	rddreg [dreg:$0x10];
	[sflag:s8] =	ssyncadd.s32 $0xFFFFC000  }
0xf4: {  	[tilespmem:s10], [sflag:$0x2] =	stream.indirect.gather [hbm4b:s4+s2], $0x80, s7, s2, $0xb8;
	[tilespmem:$0x1F000] =	vst v63  }
0xf5: {  	s9 =	rddreg [dreg:$0x11]  }
0xf6: {  	[spmem:s1] =	stream.indirect.scatter.add.f32 [tilespmem:s6], [sflag:$0x5], $0x80, s9, s2, $0xb8;
	[tilespmem:$0x1F000] =	vst v63  }
0xf7: {  	_ =	swait.ge [sflag:s31], $0x4000  }
0xf8: {  	[sflag:s31] =	ssyncset.done $0x0  }
0xf9: {  	[sflag:s31] =	ssyncadd.s32 $0xFFFFC000  }
0xfa: {  	_ =	swait.ge [sflag:s11], $0x4000  }
0xfb: {  	[sflag:s11] =	ssyncset.done $0x0  }
0xfc: {  	s12 =	rddreg [dreg:$0x12];
	[sflag:s11] =	ssyncadd.s32 $0xFFFFC000  }
0xfd: {  	[tilespmem:s6], [sflag:$0x1] =	stream.indirect.gather [hbm4b:s4+s2], $0x80, s12, s2, $0xb8;
	[tilespmem:$0x1F000] =	vst v63  }
0xfe: {  	s0 =	rddreg [dreg:$0x13]  }
0xff: {  	[spmem:s1] =	stream.indirect.scatter.add.f32 [tilespmem:s10], [sflag:$0x5], $0x80, s0, s2, $0xb8;
	[tilespmem:$0x1F000] =	vst v63  }
0x100: {  	_ =	swait.ge [sflag:s31], $0x4000  }
0x101: {  	[sflag:s31] =	ssyncset.done $0x0  }
0x102: {  	[sflag:s31] =	ssyncadd.s32 $0xFFFFC000  }
0x103: {  	_ =	swait.ge [sflag:s8], $0x4000  }
0x104: {  	[sflag:s8] =	ssyncset.done $0x0  }
0x105: {  	s7 =	rddreg [dreg:$0x14];
	[sflag:s8] =	ssyncadd.s32 $0xFFFFC000  }
0x106: {  	[tilespmem:s10], [sflag:$0x2] =	stream.indirect.gather [hbm4b:s4+s2], $0x80, s7, s2, $0xb8;
	[tilespmem:$0x1F000] =	vst v63  }
0x107: {  	s9 =	rddreg [dreg:$0x15]  }
0x108: {  	[spmem:s1] =	stream.indirect.scatter.add.f32 [tilespmem:s6], [sflag:$0x5], $0x80, s9, s2, $0xb8;
	[tilespmem:$0x1F000] =	vst v63  }
0x109: {  	_ =	swait.ge [sflag:s31], $0x4000  }
0x10a: {  	[sflag:s31] =	ssyncset.done $0x0  }
0x10b: {  	[sflag:s31] =	ssyncadd.s32 $0xFFFFC000  }
0x10c: {  	_ =	swait.ge [sflag:s11], $0x4000  }
0x10d: {  	[sflag:s11] =	ssyncset.done $0x0  }
0x10e: {  	[sflag:s11] =	ssyncadd.s32 $0xFFFFC000  }
0x10f: {  	[tilespmem:s6], [sflag:$0x1] =	stream.indirect.gather [hbm4b:s4+s2], $0x80, s13, s2, $0xb8;
	[tilespmem:$0x1F000] =	vst v63  }
0x110: {  	_ = 	snop  }
0x111: {  	[spmem:s1] =	stream.indirect.scatter.add.f32 [tilespmem:s10], [sflag:$0x5], $0x80, s14, s2, $0xb8;
	[tilespmem:$0x1F000] =	vst v63  }
0x112: {  	_ =	swait.ge [sflag:s31], $0x4000  }
0x113: {  	[sflag:s31] =	ssyncset.done $0x0  }
0x114: {  	[sflag:s31] =	ssyncadd.s32 $0xFFFFC000  }
0x115: {  	_ =	swait.ge [sflag:s8], $0x4000  }
0x116: {  	[sflag:s8] =	ssyncset.done $0x0  }
0x117: {  	[sflag:s8] =	ssyncadd.s32 $0xFFFFC000  }
0x118: {  	[tilespmem:s10], [sflag:$0x2] =	stream.indirect.gather [hbm4b:s4+s2], $0x80, s15, s2, $0xb8;
	[tilespmem:$0x1F000] =	vst v63  }
0x119: {  	_ = 	snop  }
0x11a: {  	[spmem:s1] =	stream.indirect.scatter.add.f32 [tilespmem:s6], [sflag:$0x5], $0x80, s16, s2, $0xb8;
	[tilespmem:$0x1F000] =	vst v63  }
0x11b: {  	_ =	swait.ge [sflag:s31], $0x4000  }
0x11c: {  	[sflag:s31] =	ssyncset.done $0x0  }
0x11d: {  	[sflag:s31] =	ssyncadd.s32 $0xFFFFC000  }
0x11e: {  	_ =	swait.ge [sflag:s11], $0x4000  }
0x11f: {  	[sflag:s11] =	ssyncset.done $0x0  }
0x120: {  	[sflag:s11] =	ssyncadd.s32 $0xFFFFC000  }
0x121: {  	[tilespmem:s6], [sflag:$0x1] =	stream.indirect.gather [hbm4b:s4+s2], $0x80, s17, s2, $0xb8;
	[tilespmem:$0x1F000] =	vst v63  }
0x122: {  	_ = 	snop  }
0x123: {  	[spmem:s1] =	stream.indirect.scatter.add.f32 [tilespmem:s10], [sflag:$0x5], $0x80, s18, s2, $0xb8;
	[tilespmem:$0x1F000] =	vst v63  }
0x124: {  	_ =	swait.ge [sflag:s31], $0x4000  }
0x125: {  	[sflag:s31] =	ssyncset.done $0x0  }
0x126: {  	[sflag:s31] =	ssyncadd.s32 $0xFFFFC000  }
0x127: {  	_ =	swait.ge [sflag:s8], $0x4000  }
0x128: {  	[sflag:s8] =	ssyncset.done $0x0  }
0x129: {  	[sflag:s8] =	ssyncadd.s32 $0xFFFFC000  }
0x12a: {  	[tilespmem:s10], [sflag:$0x2] =	stream.indirect.gather [hbm4b:s4+s2], $0x80, s19, s2, $0xb8;
	[tilespmem:$0x1F000] =	vst v63  }
0x12b: {  	_ = 	snop  }
0x12c: {  	[spmem:s1] =	stream.indirect.scatter.add.f32 [tilespmem:s6], [sflag:$0x5], $0x80, s20, s2, $0xb8;
	[tilespmem:$0x1F000] =	vst v63  }
0x12d: {  	_ =	swait.ge [sflag:s31], $0x4000  }
0x12e: {  	[sflag:s31] =	ssyncset.done $0x0  }
0x12f: {  	[sflag:s31] =	ssyncadd.s32 $0xFFFFC000  }
0x130: {  	_ =	swait.ge [sflag:s11], $0x4000  }
0x131: {  	[sflag:s11] =	ssyncset.done $0x0  }
0x132: {  	[sflag:s11] =	ssyncadd.s32 $0xFFFFC000  }
0x133: {  	[tilespmem:s6], [sflag:$0x1] =	stream.indirect.gather [hbm4b:s4+s2], $0x80, s21, s2, $0xb8;
	[tilespmem:$0x1F000] =	vst v63  }
0x134: {  	_ = 	snop  }
0x135: {  	[spmem:s1] =	stream.indirect.scatter.add.f32 [tilespmem:s10], [sflag:$0x5], $0x80, s22, s2, $0xb8;
	[tilespmem:$0x1F000] =	vst v63  }
0x136: {  	_ =	swait.ge [sflag:s31], $0x4000  }
0x137: {  	[sflag:s31] =	ssyncset.done $0x0  }
0x138: {  	[sflag:s31] =	ssyncadd.s32 $0xFFFFC000  }
0x139: {  	_ =	swait.ge [sflag:s8], $0x4000  }
0x13a: {  	[sflag:s8] =	ssyncset.done $0x0  }
0x13b: {  	[sflag:s8] =	ssyncadd.s32 $0xFFFFC000  }
0x13c: {  	[tilespmem:s10], [sflag:$0x2] =	stream.indirect.gather [hbm4b:s4+s2], $0x80, s23, s2, $0xb8;
	[tilespmem:$0x1F000] =	vst v63  }
0x13d: {  	_ = 	snop  }
0x13e: {  	[spmem:s1] =	stream.indirect.scatter.add.f32 [tilespmem:s6], [sflag:$0x5], $0x80, s24, s2, $0xb8;
	[tilespmem:$0x1F000] =	vst v63  }
0x13f: {  	_ =	swait.ge [sflag:s31], $0x4000  }
0x140: {  	[sflag:s31] =	ssyncset.done $0x0  }
0x141: {  	[sflag:s31] =	ssyncadd.s32 $0xFFFFC000  }
0x142: {  	_ =	swait.ge [sflag:s11], $0x4000  }
0x143: {  	[sflag:s11] =	ssyncset.done $0x0  }
0x144: {  	[sflag:s11] =	ssyncadd.s32 $0xFFFFC000  }
0x145: {  	[tilespmem:s6], [sflag:$0x1] =	stream.indirect.gather [hbm4b:s4+s2], $0x80, s3, s2, $0xb8;
	[tilespmem:$0x1F000] =	vst v63  }
0x146: {  	s12 =	simm.s32 $0xF80  }
0x147: {  	[spmem:s1] =	stream.indirect.scatter.add.f32 [tilespmem:s10], [sflag:$0x5], $0x80, s12, s2, $0xb8;
	[tilespmem:$0x1F000] =	vst v63  }
0x148: {  	_ =	swait.ge [sflag:s31], $0x4000  }
0x149: {  	[sflag:s31] =	ssyncset.done $0x0  }
0x14a: {  	[sflag:s31] =	ssyncadd.s32 $0xFFFFC000  }
0x14b: {  	s5 =	simm.s32 $0x200;
	_ =	swait.ge [sflag:s8], $0x4000  }
0x14c: {  	s9 =	simm.s32 $0x100;
	s29 =	rddreg [dreg:$0x5];
	[sflag:s8] =	ssyncset.done $0x0  }
.LBB2_4:
0x14d: {  	[sflag:s8] =	ssyncadd.s32 $0xFFFFC000;
	p1 =	seq.s32 s9, $0x0  }
0x14e: {  	s29 =	sadd.s32 @!p1 s9, s29;
	s0 =	simm.s32 @!p1 $0x0;
	s12 =	simm.s32 @!p1 $0x5  }
0x14f: {  	[tilespmem:s0], [sflag:$0x5] =	stream.linear.gather @!p1 [hbm4b:s29+s0], $0x800, $0x38;
	[tilespmem:$0x1F000] =	vst v63  }
0x150: {  	_ =	swait.ge @!p1 [sflag:s12], $0x800  }
0x151: {  	s29 =	rddreg [dreg:$0x4];
	[sflag:s12] =	ssyncset.done @!p1 $0x0  }
0x152: {  	[sflag:s12] =	ssyncadd.s32 @!p1 $0xFFFFF800;
	s9 =	sadd.s32 @!p1 s9, s29;
	s29 =	simm.s32 @!p1 $0x800  }
0x153: {  	[tilespmem:s29], [sflag:$0x5] =	stream.linear.gather @!p1 [hbm4b:s9+s0], $0x800, $0x38;
	[tilespmem:$0x1F000] =	vst v63  }
0x154: {  	s7 =	smov.u32 s5;
	_ =	swait.ge @!p1 [sflag:s12], $0x800  }
0x155: {  	s9 =	smov.u32 s7;
	[sflag:s12] =	ssyncset.done @!p1 $0x0  }
0x156: {  	s7 =	simm.s32 @!p1 $0x80;
	[sflag:s12] =	ssyncadd.s32 @!p1 $0xFFFFF800;
	s12 =	simm.s32 @!p1 $0x1000  }
0x157: {  	[tilespmem:s12], [sflag:$0x1] =	stream.indirect.gather @!p1 [hbm4b:s4+s7], $0x80, s0, s7, $0xb8;
	[tilespmem:$0x1F000] =	vst v63  }
0x158: {  	_ =	swait.ge [sflag:s8], $0x4000  }
0x159: {  	[sflag:s8] =	ssyncset.done $0x0  }
0x15a: {  	[sflag:s8] =	ssyncadd.s32 $0xFFFFC000  }
0x15b: {  	[tilespmem:s10], [sflag:$0x2] =	stream.indirect.gather [hbm4b:s4+s2], $0x80, s2, s2, $0xb8;
	[tilespmem:$0x1F000] =	vst v63  }
0x15c: {  	s12 =	simm.s32 $0x800  }
0x15d: {  	[spmem:s1] =	stream.indirect.scatter.add.f32 [tilespmem:s6], [sflag:$0x5], $0x80, s12, s2, $0xb8;
	[tilespmem:$0x1F000] =	vst v63  }
0x15e: {  	_ =	swait.ge [sflag:s31], $0x4000  }
0x15f: {  	[sflag:s31] =	ssyncset.done $0x0  }
0x160: {  	[sflag:s31] =	ssyncadd.s32 $0xFFFFC000  }
0x161: {  	_ =	swait.ge [sflag:s11], $0x4000  }
0x162: {  	[sflag:s11] =	ssyncset.done $0x0  }
0x163: {  	s0 =	rddreg [dreg:$0x6];
	[sflag:s11] =	ssyncadd.s32 $0xFFFFC000  }
0x164: {  	[tilespmem:s6], [sflag:$0x1] =	stream.indirect.gather [hbm4b:s4+s2], $0x80, s0, s2, $0xb8;
	[tilespmem:$0x1F000] =	vst v63  }
0x165: {  	s7 =	rddreg [dreg:$0x7]  }
0x166: {  	[spmem:s1] =	stream.indirect.scatter.add.f32 [tilespmem:s10], [sflag:$0x5], $0x80, s7, s2, $0xb8;
	[tilespmem:$0x1F000] =	vst v63  }
0x167: {  	_ =	swait.ge [sflag:s31], $0x4000  }
0x168: {  	[sflag:s31] =	ssyncset.done $0x0  }
0x169: {  	[sflag:s31] =	ssyncadd.s32 $0xFFFFC000  }
0x16a: {  	_ =	swait.ge [sflag:s8], $0x4000  }
0x16b: {  	[sflag:s8] =	ssyncset.done $0x0  }
0x16c: {  	s0 =	rddreg [dreg:$0x8];
	[sflag:s8] =	ssyncadd.s32 $0xFFFFC000  }
0x16d: {  	[tilespmem:s10], [sflag:$0x2] =	stream.indirect.gather [hbm4b:s4+s2], $0x80, s0, s2, $0xb8;
	[tilespmem:$0x1F000] =	vst v63  }
0x16e: {  	s7 =	rddreg [dreg:$0x9]  }
0x16f: {  	[spmem:s1] =	stream.indirect.scatter.add.f32 [tilespmem:s6], [sflag:$0x5], $0x80, s7, s2, $0xb8;
	[tilespmem:$0x1F000] =	vst v63  }
0x170: {  	_ =	swait.ge [sflag:s31], $0x4000  }
0x171: {  	[sflag:s31] =	ssyncset.done $0x0  }
0x172: {  	[sflag:s31] =	ssyncadd.s32 $0xFFFFC000  }
0x173: {  	_ =	swait.ge [sflag:s11], $0x4000  }
0x174: {  	[sflag:s11] =	ssyncset.done $0x0  }
0x175: {  	s0 =	rddreg [dreg:$0xa];
	[sflag:s11] =	ssyncadd.s32 $0xFFFFC000  }
0x176: {  	[tilespmem:s6], [sflag:$0x1] =	stream.indirect.gather [hbm4b:s4+s2], $0x80, s0, s2, $0xb8;
	[tilespmem:$0x1F000] =	vst v63  }
0x177: {  	s7 =	rddreg [dreg:$0xb]  }
0x178: {  	[spmem:s1] =	stream.indirect.scatter.add.f32 [tilespmem:s10], [sflag:$0x5], $0x80, s7, s2, $0xb8;
	[tilespmem:$0x1F000] =	vst v63  }
0x179: {  	_ =	swait.ge [sflag:s31], $0x4000  }
0x17a: {  	[sflag:s31] =	ssyncset.done $0x0  }
0x17b: {  	[sflag:s31] =	ssyncadd.s32 $0xFFFFC000  }
0x17c: {  	_ =	swait.ge [sflag:s8], $0x4000  }
0x17d: {  	[sflag:s8] =	ssyncset.done $0x0  }
0x17e: {  	s0 =	rddreg [dreg:$0xc];
	[sflag:s8] =	ssyncadd.s32 $0xFFFFC000  }
0x17f: {  	[tilespmem:s10], [sflag:$0x2] =	stream.indirect.gather [hbm4b:s4+s2], $0x80, s0, s2, $0xb8;
	[tilespmem:$0x1F000] =	vst v63  }
0x180: {  	s7 =	rddreg [dreg:$0xd]  }
0x181: {  	[spmem:s1] =	stream.indirect.scatter.add.f32 [tilespmem:s6], [sflag:$0x5], $0x80, s7, s2, $0xb8;
	[tilespmem:$0x1F000] =	vst v63  }
0x182: {  	_ =	swait.ge [sflag:s31], $0x4000  }
0x183: {  	[sflag:s31] =	ssyncset.done $0x0  }
0x184: {  	[sflag:s31] =	ssyncadd.s32 $0xFFFFC000  }
0x185: {  	_ =	swait.ge [sflag:s11], $0x4000  }
0x186: {  	[sflag:s11] =	ssyncset.done $0x0  }
0x187: {  	s0 =	rddreg [dreg:$0xe];
	[sflag:s11] =	ssyncadd.s32 $0xFFFFC000  }
0x188: {  	[tilespmem:s6], [sflag:$0x1] =	stream.indirect.gather [hbm4b:s4+s2], $0x80, s0, s2, $0xb8;
	[tilespmem:$0x1F000] =	vst v63  }
0x189: {  	s7 =	rddreg [dreg:$0xf]  }
0x18a: {  	[spmem:s1] =	stream.indirect.scatter.add.f32 [tilespmem:s10], [sflag:$0x5], $0x80, s7, s2, $0xb8;
	[tilespmem:$0x1F000] =	vst v63  }
0x18b: {  	_ =	swait.ge [sflag:s31], $0x4000  }
0x18c: {  	[sflag:s31] =	ssyncset.done $0x0  }
0x18d: {  	[sflag:s31] =	ssyncadd.s32 $0xFFFFC000  }
0x18e: {  	_ =	swait.ge [sflag:s8], $0x4000  }
0x18f: {  	[sflag:s8] =	ssyncset.done $0x0  }
0x190: {  	s0 =	rddreg [dreg:$0x10];
	[sflag:s8] =	ssyncadd.s32 $0xFFFFC000  }
0x191: {  	[tilespmem:s10], [sflag:$0x2] =	stream.indirect.gather [hbm4b:s4+s2], $0x80, s0, s2, $0xb8;
	[tilespmem:$0x1F000] =	vst v63  }
0x192: {  	s7 =	rddreg [dreg:$0x11]  }
0x193: {  	[spmem:s1] =	stream.indirect.scatter.add.f32 [tilespmem:s6], [sflag:$0x5], $0x80, s7, s2, $0xb8;
	[tilespmem:$0x1F000] =	vst v63  }
0x194: {  	_ =	swait.ge [sflag:s31], $0x4000  }
0x195: {  	[sflag:s31] =	ssyncset.done $0x0  }
0x196: {  	[sflag:s31] =	ssyncadd.s32 $0xFFFFC000  }
0x197: {  	_ =	swait.ge [sflag:s11], $0x4000  }
0x198: {  	[sflag:s11] =	ssyncset.done $0x0  }
0x199: {  	s0 =	rddreg [dreg:$0x12];
	[sflag:s11] =	ssyncadd.s32 $0xFFFFC000  }
0x19a: {  	[tilespmem:s6], [sflag:$0x1] =	stream.indirect.gather [hbm4b:s4+s2], $0x80, s0, s2, $0xb8;
	[tilespmem:$0x1F000] =	vst v63  }
0x19b: {  	s7 =	rddreg [dreg:$0x13]  }
0x19c: {  	[spmem:s1] =	stream.indirect.scatter.add.f32 [tilespmem:s10], [sflag:$0x5], $0x80, s7, s2, $0xb8;
	[tilespmem:$0x1F000] =	vst v63  }
0x19d: {  	_ =	swait.ge [sflag:s31], $0x4000  }
0x19e: {  	[sflag:s31] =	ssyncset.done $0x0  }
0x19f: {  	[sflag:s31] =	ssyncadd.s32 $0xFFFFC000  }
0x1a0: {  	_ =	swait.ge [sflag:s8], $0x4000  }
0x1a1: {  	[sflag:s8] =	ssyncset.done $0x0  }
0x1a2: {  	s0 =	rddreg [dreg:$0x14];
	[sflag:s8] =	ssyncadd.s32 $0xFFFFC000  }
0x1a3: {  	[tilespmem:s10], [sflag:$0x2] =	stream.indirect.gather [hbm4b:s4+s2], $0x80, s0, s2, $0xb8;
	[tilespmem:$0x1F000] =	vst v63  }
0x1a4: {  	s7 =	rddreg [dreg:$0x15]  }
0x1a5: {  	[spmem:s1] =	stream.indirect.scatter.add.f32 [tilespmem:s6], [sflag:$0x5], $0x80, s7, s2, $0xb8;
	[tilespmem:$0x1F000] =	vst v63  }
0x1a6: {  	_ =	swait.ge [sflag:s31], $0x4000  }
0x1a7: {  	[sflag:s31] =	ssyncset.done $0x0  }
0x1a8: {  	[sflag:s31] =	ssyncadd.s32 $0xFFFFC000  }
0x1a9: {  	_ =	swait.ge [sflag:s11], $0x4000  }
0x1aa: {  	[sflag:s11] =	ssyncset.done $0x0  }
0x1ab: {  	[sflag:s11] =	ssyncadd.s32 $0xFFFFC000  }
0x1ac: {  	[tilespmem:s6], [sflag:$0x1] =	stream.indirect.gather [hbm4b:s4+s2], $0x80, s13, s2, $0xb8;
	[tilespmem:$0x1F000] =	vst v63  }
0x1ad: {  	_ = 	snop  }
0x1ae: {  	[spmem:s1] =	stream.indirect.scatter.add.f32 [tilespmem:s10], [sflag:$0x5], $0x80, s14, s2, $0xb8;
	[tilespmem:$0x1F000] =	vst v63  }
0x1af: {  	_ =	swait.ge [sflag:s31], $0x4000  }
0x1b0: {  	[sflag:s31] =	ssyncset.done $0x0  }
0x1b1: {  	[sflag:s31] =	ssyncadd.s32 $0xFFFFC000  }
0x1b2: {  	_ =	swait.ge [sflag:s8], $0x4000  }
0x1b3: {  	[sflag:s8] =	ssyncset.done $0x0  }
0x1b4: {  	[sflag:s8] =	ssyncadd.s32 $0xFFFFC000  }
0x1b5: {  	[tilespmem:s10], [sflag:$0x2] =	stream.indirect.gather [hbm4b:s4+s2], $0x80, s15, s2, $0xb8;
	[tilespmem:$0x1F000] =	vst v63  }
0x1b6: {  	_ = 	snop  }
0x1b7: {  	[spmem:s1] =	stream.indirect.scatter.add.f32 [tilespmem:s6], [sflag:$0x5], $0x80, s16, s2, $0xb8;
	[tilespmem:$0x1F000] =	vst v63  }
0x1b8: {  	_ =	swait.ge [sflag:s31], $0x4000  }
0x1b9: {  	[sflag:s31] =	ssyncset.done $0x0  }
0x1ba: {  	[sflag:s31] =	ssyncadd.s32 $0xFFFFC000  }
0x1bb: {  	_ =	swait.ge [sflag:s11], $0x4000  }
0x1bc: {  	[sflag:s11] =	ssyncset.done $0x0  }
0x1bd: {  	[sflag:s11] =	ssyncadd.s32 $0xFFFFC000  }
0x1be: {  	[tilespmem:s6], [sflag:$0x1] =	stream.indirect.gather [hbm4b:s4+s2], $0x80, s17, s2, $0xb8;
	[tilespmem:$0x1F000] =	vst v63  }
0x1bf: {  	_ = 	snop  }
0x1c0: {  	[spmem:s1] =	stream.indirect.scatter.add.f32 [tilespmem:s10], [sflag:$0x5], $0x80, s18, s2, $0xb8;
	[tilespmem:$0x1F000] =	vst v63  }
0x1c1: {  	_ =	swait.ge [sflag:s31], $0x4000  }
0x1c2: {  	[sflag:s31] =	ssyncset.done $0x0  }
0x1c3: {  	[sflag:s31] =	ssyncadd.s32 $0xFFFFC000  }
0x1c4: {  	_ =	swait.ge [sflag:s8], $0x4000  }
0x1c5: {  	[sflag:s8] =	ssyncset.done $0x0  }
0x1c6: {  	[sflag:s8] =	ssyncadd.s32 $0xFFFFC000  }
0x1c7: {  	[tilespmem:s10], [sflag:$0x2] =	stream.indirect.gather [hbm4b:s4+s2], $0x80, s19, s2, $0xb8;
	[tilespmem:$0x1F000] =	vst v63  }
0x1c8: {  	_ = 	snop  }
0x1c9: {  	[spmem:s1] =	stream.indirect.scatter.add.f32 [tilespmem:s6], [sflag:$0x5], $0x80, s20, s2, $0xb8;
	[tilespmem:$0x1F000] =	vst v63  }
0x1ca: {  	_ =	swait.ge [sflag:s31], $0x4000  }
0x1cb: {  	[sflag:s31] =	ssyncset.done $0x0  }
0x1cc: {  	[sflag:s31] =	ssyncadd.s32 $0xFFFFC000  }
0x1cd: {  	_ =	swait.ge [sflag:s11], $0x4000  }
0x1ce: {  	[sflag:s11] =	ssyncset.done $0x0  }
0x1cf: {  	[sflag:s11] =	ssyncadd.s32 $0xFFFFC000  }
0x1d0: {  	[tilespmem:s6], [sflag:$0x1] =	stream.indirect.gather [hbm4b:s4+s2], $0x80, s21, s2, $0xb8;
	[tilespmem:$0x1F000] =	vst v63  }
0x1d1: {  	_ = 	snop  }
0x1d2: {  	[spmem:s1] =	stream.indirect.scatter.add.f32 [tilespmem:s10], [sflag:$0x5], $0x80, s22, s2, $0xb8;
	[tilespmem:$0x1F000] =	vst v63  }
0x1d3: {  	_ =	swait.ge [sflag:s31], $0x4000  }
0x1d4: {  	[sflag:s31] =	ssyncset.done $0x0  }
0x1d5: {  	[sflag:s31] =	ssyncadd.s32 $0xFFFFC000  }
0x1d6: {  	_ =	swait.ge [sflag:s8], $0x4000  }
0x1d7: {  	[sflag:s8] =	ssyncset.done $0x0  }
0x1d8: {  	[sflag:s8] =	ssyncadd.s32 $0xFFFFC000  }
0x1d9: {  	[tilespmem:s10], [sflag:$0x2] =	stream.indirect.gather [hbm4b:s4+s2], $0x80, s23, s2, $0xb8;
	[tilespmem:$0x1F000] =	vst v63  }
0x1da: {  	_ = 	snop  }
0x1db: {  	[spmem:s1] =	stream.indirect.scatter.add.f32 [tilespmem:s6], [sflag:$0x5], $0x80, s24, s2, $0xb8;
	[tilespmem:$0x1F000] =	vst v63  }
0x1dc: {  	_ =	swait.ge [sflag:s31], $0x4000  }
0x1dd: {  	[sflag:s31] =	ssyncset.done $0x0  }
0x1de: {  	[sflag:s31] =	ssyncadd.s32 $0xFFFFC000  }
0x1df: {  	_ =	swait.ge [sflag:s11], $0x4000  }
0x1e0: {  	[sflag:s11] =	ssyncset.done $0x0  }
0x1e1: {  	s5 =	sadd.s32 $0x100, s5;
	[sflag:s11] =	ssyncadd.s32 $0xFFFFC000  }
0x1e2: {  	[tilespmem:s6], [sflag:$0x1] =	stream.indirect.gather [hbm4b:s4+s2], $0x80, s3, s2, $0xb8;
	[tilespmem:$0x1F000] =	vst v63  }
0x1e3: {  	p0 =	sne.s32 s5, $0x500;
	s7 =	simm.s32 $0xF80  }
0x1e4: {  	[spmem:s1] =	stream.indirect.scatter.add.f32 [tilespmem:s10], [sflag:$0x5], $0x80, s7, s2, $0xb8;
	[tilespmem:$0x1F000] =	vst v63  }
.Ltmp1:
0x1e5: {  	_ =	swait.ge [sflag:s31], $0x4000;
	(pc) =	sbr.rel @p0 .LBB2_4-.Ltmp1, $4  }
0x1e6: {  	[sflag:s31] =	ssyncset.done $0x0  }
0x1e7: {  	[sflag:s31] =	ssyncadd.s32 $0xFFFFC000  }
0x1e8: {  	_ =	swait.ge [sflag:s8], $0x4000  }
0x1e9: {  	s29 =	rddreg [dreg:$0x5];
	[sflag:s8] =	ssyncset.done $0x0  }
0x1ea: {  	[sflag:s8] =	ssyncadd.s32 $0xFFFFC000;
	p0 =	seq.s32 s9, $0x0  }
0x1eb: {  	s0 =	sadd.s32 @!p0 s9, s29;
	s5 =	simm.s32 @!p0 $0x0;
	s7 =	simm.s32 @!p0 $0x5  }
0x1ec: {  	[tilespmem:s5], [sflag:$0x5] =	stream.linear.gather @!p0 [hbm4b:s0+s5], $0x800, $0x38;
	[tilespmem:$0x1F000] =	vst v63  }
0x1ed: {  	_ =	swait.ge @!p0 [sflag:s7], $0x800  }
0x1ee: {  	s0 =	rddreg [dreg:$0x4];
	[sflag:s7] =	ssyncset.done @!p0 $0x0  }
0x1ef: {  	[sflag:s7] =	ssyncadd.s32 @!p0 $0xFFFFF800;
	s0 =	sadd.s32 @!p0 s9, s0;
	s9 =	simm.s32 @!p0 $0x800  }
0x1f0: {  	[tilespmem:s9], [sflag:$0x5] =	stream.linear.gather @!p0 [hbm4b:s0+s5], $0x800, $0x38;
	[tilespmem:$0x1F000] =	vst v63  }
0x1f1: {  	_ =	swait.ge @!p0 [sflag:s7], $0x800  }
0x1f2: {  	[sflag:s7] =	ssyncset.done @!p0 $0x0  }
0x1f3: {  	s0 =	simm.s32 @!p0 $0x80;
	[sflag:s7] =	ssyncadd.s32 @!p0 $0xFFFFF800;
	s7 =	simm.s32 @!p0 $0x1000  }
0x1f4: {  	[tilespmem:s7], [sflag:$0x1] =	stream.indirect.gather @!p0 [hbm4b:s4+s0], $0x80, s5, s0, $0xb8;
	[tilespmem:$0x1F000] =	vst v63  }
0x1f5: {  	_ =	swait.ge [sflag:s8], $0x4000  }
0x1f6: {  	[sflag:s8] =	ssyncset.done $0x0  }
0x1f7: {  	[sflag:s8] =	ssyncadd.s32 $0xFFFFC000  }
0x1f8: {  	[tilespmem:s10], [sflag:$0x2] =	stream.indirect.gather [hbm4b:s4+s2], $0x80, s2, s2, $0xb8;
	[tilespmem:$0x1F000] =	vst v63  }
0x1f9: {  	_ = 	snop  }
0x1fa: {  	[spmem:s1] =	stream.indirect.scatter.add.f32 [tilespmem:s6], [sflag:$0x5], $0x80, s12, s2, $0xb8;
	[tilespmem:$0x1F000] =	vst v63  }
0x1fb: {  	_ =	swait.ge [sflag:s31], $0x4000  }
0x1fc: {  	[sflag:s31] =	ssyncset.done $0x0  }
0x1fd: {  	[sflag:s31] =	ssyncadd.s32 $0xFFFFC000  }
0x1fe: {  	_ =	swait.ge [sflag:s11], $0x4000  }
0x1ff: {  	[sflag:s11] =	ssyncset.done $0x0  }
0x200: {  	s5 =	rddreg [dreg:$0x6];
	[sflag:s11] =	ssyncadd.s32 $0xFFFFC000  }
0x201: {  	[tilespmem:s6], [sflag:$0x1] =	stream.indirect.gather [hbm4b:s4+s2], $0x80, s5, s2, $0xb8;
	[tilespmem:$0x1F000] =	vst v63  }
0x202: {  	s7 =	rddreg [dreg:$0x7]  }
0x203: {  	[spmem:s1] =	stream.indirect.scatter.add.f32 [tilespmem:s10], [sflag:$0x5], $0x80, s7, s2, $0xb8;
	[tilespmem:$0x1F000] =	vst v63  }
0x204: {  	_ =	swait.ge [sflag:s31], $0x4000  }
0x205: {  	[sflag:s31] =	ssyncset.done $0x0  }
0x206: {  	[sflag:s31] =	ssyncadd.s32 $0xFFFFC000  }
0x207: {  	_ =	swait.ge [sflag:s8], $0x4000  }
0x208: {  	[sflag:s8] =	ssyncset.done $0x0  }
0x209: {  	s9 =	rddreg [dreg:$0x8];
	[sflag:s8] =	ssyncadd.s32 $0xFFFFC000  }
0x20a: {  	[tilespmem:s10], [sflag:$0x2] =	stream.indirect.gather [hbm4b:s4+s2], $0x80, s9, s2, $0xb8;
	[tilespmem:$0x1F000] =	vst v63  }
0x20b: {  	s12 =	rddreg [dreg:$0x9]  }
0x20c: {  	[spmem:s1] =	stream.indirect.scatter.add.f32 [tilespmem:s6], [sflag:$0x5], $0x80, s12, s2, $0xb8;
	[tilespmem:$0x1F000] =	vst v63  }
0x20d: {  	_ =	swait.ge [sflag:s31], $0x4000  }
0x20e: {  	[sflag:s31] =	ssyncset.done $0x0  }
0x20f: {  	[sflag:s31] =	ssyncadd.s32 $0xFFFFC000  }
0x210: {  	_ =	swait.ge [sflag:s11], $0x4000  }
0x211: {  	[sflag:s11] =	ssyncset.done $0x0  }
0x212: {  	s5 =	rddreg [dreg:$0xa];
	[sflag:s11] =	ssyncadd.s32 $0xFFFFC000  }
0x213: {  	[tilespmem:s6], [sflag:$0x1] =	stream.indirect.gather [hbm4b:s4+s2], $0x80, s5, s2, $0xb8;
	[tilespmem:$0x1F000] =	vst v63  }
0x214: {  	s7 =	rddreg [dreg:$0xb]  }
0x215: {  	[spmem:s1] =	stream.indirect.scatter.add.f32 [tilespmem:s10], [sflag:$0x5], $0x80, s7, s2, $0xb8;
	[tilespmem:$0x1F000] =	vst v63  }
0x216: {  	_ =	swait.ge [sflag:s31], $0x4000  }
0x217: {  	[sflag:s31] =	ssyncset.done $0x0  }
0x218: {  	[sflag:s31] =	ssyncadd.s32 $0xFFFFC000  }
0x219: {  	_ =	swait.ge [sflag:s8], $0x4000  }
0x21a: {  	[sflag:s8] =	ssyncset.done $0x0  }
0x21b: {  	s9 =	rddreg [dreg:$0xc];
	[sflag:s8] =	ssyncadd.s32 $0xFFFFC000  }
0x21c: {  	[tilespmem:s10], [sflag:$0x2] =	stream.indirect.gather [hbm4b:s4+s2], $0x80, s9, s2, $0xb8;
	[tilespmem:$0x1F000] =	vst v63  }
0x21d: {  	s12 =	rddreg [dreg:$0xd]  }
0x21e: {  	[spmem:s1] =	stream.indirect.scatter.add.f32 [tilespmem:s6], [sflag:$0x5], $0x80, s12, s2, $0xb8;
	[tilespmem:$0x1F000] =	vst v63  }
0x21f: {  	_ =	swait.ge [sflag:s31], $0x4000  }
0x220: {  	[sflag:s31] =	ssyncset.done $0x0  }
0x221: {  	[sflag:s31] =	ssyncadd.s32 $0xFFFFC000  }
0x222: {  	_ =	swait.ge [sflag:s11], $0x4000  }
0x223: {  	[sflag:s11] =	ssyncset.done $0x0  }
0x224: {  	s5 =	rddreg [dreg:$0xe];
	[sflag:s11] =	ssyncadd.s32 $0xFFFFC000  }
0x225: {  	[tilespmem:s6], [sflag:$0x1] =	stream.indirect.gather [hbm4b:s4+s2], $0x80, s5, s2, $0xb8;
	[tilespmem:$0x1F000] =	vst v63  }
0x226: {  	s7 =	rddreg [dreg:$0xf]  }
0x227: {  	[spmem:s1] =	stream.indirect.scatter.add.f32 [tilespmem:s10], [sflag:$0x5], $0x80, s7, s2, $0xb8;
	[tilespmem:$0x1F000] =	vst v63  }
0x228: {  	_ =	swait.ge [sflag:s31], $0x4000  }
0x229: {  	[sflag:s31] =	ssyncset.done $0x0  }
0x22a: {  	[sflag:s31] =	ssyncadd.s32 $0xFFFFC000  }
0x22b: {  	_ =	swait.ge [sflag:s8], $0x4000  }
0x22c: {  	[sflag:s8] =	ssyncset.done $0x0  }
0x22d: {  	s9 =	rddreg [dreg:$0x10];
	[sflag:s8] =	ssyncadd.s32 $0xFFFFC000  }
0x22e: {  	[tilespmem:s10], [sflag:$0x2] =	stream.indirect.gather [hbm4b:s4+s2], $0x80, s9, s2, $0xb8;
	[tilespmem:$0x1F000] =	vst v63  }
0x22f: {  	s12 =	rddreg [dreg:$0x11]  }
0x230: {  	[spmem:s1] =	stream.indirect.scatter.add.f32 [tilespmem:s6], [sflag:$0x5], $0x80, s12, s2, $0xb8;
	[tilespmem:$0x1F000] =	vst v63  }
0x231: {  	_ =	swait.ge [sflag:s31], $0x4000  }
0x232: {  	[sflag:s31] =	ssyncset.done $0x0  }
0x233: {  	[sflag:s31] =	ssyncadd.s32 $0xFFFFC000  }
0x234: {  	_ =	swait.ge [sflag:s11], $0x4000  }
0x235: {  	[sflag:s11] =	ssyncset.done $0x0  }
0x236: {  	s5 =	rddreg [dreg:$0x12];
	[sflag:s11] =	ssyncadd.s32 $0xFFFFC000  }
0x237: {  	[tilespmem:s6], [sflag:$0x1] =	stream.indirect.gather [hbm4b:s4+s2], $0x80, s5, s2, $0xb8;
	[tilespmem:$0x1F000] =	vst v63  }
0x238: {  	s7 =	rddreg [dreg:$0x13]  }
0x239: {  	[spmem:s1] =	stream.indirect.scatter.add.f32 [tilespmem:s10], [sflag:$0x5], $0x80, s7, s2, $0xb8;
	[tilespmem:$0x1F000] =	vst v63  }
0x23a: {  	_ =	swait.ge [sflag:s31], $0x4000  }
0x23b: {  	[sflag:s31] =	ssyncset.done $0x0  }
0x23c: {  	[sflag:s31] =	ssyncadd.s32 $0xFFFFC000  }
0x23d: {  	_ =	swait.ge [sflag:s8], $0x4000  }
0x23e: {  	[sflag:s8] =	ssyncset.done $0x0  }
0x23f: {  	s9 =	rddreg [dreg:$0x14];
	[sflag:s8] =	ssyncadd.s32 $0xFFFFC000  }
0x240: {  	[tilespmem:s10], [sflag:$0x2] =	stream.indirect.gather [hbm4b:s4+s2], $0x80, s9, s2, $0xb8;
	[tilespmem:$0x1F000] =	vst v63  }
0x241: {  	s12 =	rddreg [dreg:$0x15]  }
0x242: {  	[spmem:s1] =	stream.indirect.scatter.add.f32 [tilespmem:s6], [sflag:$0x5], $0x80, s12, s2, $0xb8;
	[tilespmem:$0x1F000] =	vst v63  }
0x243: {  	_ =	swait.ge [sflag:s31], $0x4000  }
0x244: {  	[sflag:s31] =	ssyncset.done $0x0  }
0x245: {  	[sflag:s31] =	ssyncadd.s32 $0xFFFFC000  }
0x246: {  	_ =	swait.ge [sflag:s11], $0x4000  }
0x247: {  	[sflag:s11] =	ssyncset.done $0x0  }
0x248: {  	[sflag:s11] =	ssyncadd.s32 $0xFFFFC000  }
0x249: {  	[tilespmem:s6], [sflag:$0x1] =	stream.indirect.gather [hbm4b:s4+s2], $0x80, s13, s2, $0xb8;
	[tilespmem:$0x1F000] =	vst v63  }
0x24a: {  	_ = 	snop  }
0x24b: {  	[spmem:s1] =	stream.indirect.scatter.add.f32 [tilespmem:s10], [sflag:$0x5], $0x80, s14, s2, $0xb8;
	[tilespmem:$0x1F000] =	vst v63  }
0x24c: {  	_ =	swait.ge [sflag:s31], $0x4000  }
0x24d: {  	[sflag:s31] =	ssyncset.done $0x0  }
0x24e: {  	[sflag:s31] =	ssyncadd.s32 $0xFFFFC000  }
0x24f: {  	_ =	swait.ge [sflag:s8], $0x4000  }
0x250: {  	[sflag:s8] =	ssyncset.done $0x0  }
0x251: {  	[sflag:s8] =	ssyncadd.s32 $0xFFFFC000  }
0x252: {  	[tilespmem:s10], [sflag:$0x2] =	stream.indirect.gather [hbm4b:s4+s2], $0x80, s15, s2, $0xb8;
	[tilespmem:$0x1F000] =	vst v63  }
0x253: {  	_ = 	snop  }
0x254: {  	[spmem:s1] =	stream.indirect.scatter.add.f32 [tilespmem:s6], [sflag:$0x5], $0x80, s16, s2, $0xb8;
	[tilespmem:$0x1F000] =	vst v63  }
0x255: {  	_ =	swait.ge [sflag:s31], $0x4000  }
0x256: {  	[sflag:s31] =	ssyncset.done $0x0  }
0x257: {  	[sflag:s31] =	ssyncadd.s32 $0xFFFFC000  }
0x258: {  	_ =	swait.ge [sflag:s11], $0x4000  }
0x259: {  	[sflag:s11] =	ssyncset.done $0x0  }
0x25a: {  	[sflag:s11] =	ssyncadd.s32 $0xFFFFC000  }
0x25b: {  	[tilespmem:s6], [sflag:$0x1] =	stream.indirect.gather [hbm4b:s4+s2], $0x80, s17, s2, $0xb8;
	[tilespmem:$0x1F000] =	vst v63  }
0x25c: {  	_ = 	snop  }
0x25d: {  	[spmem:s1] =	stream.indirect.scatter.add.f32 [tilespmem:s10], [sflag:$0x5], $0x80, s18, s2, $0xb8;
	[tilespmem:$0x1F000] =	vst v63  }
0x25e: {  	_ =	swait.ge [sflag:s31], $0x4000  }
0x25f: {  	[sflag:s31] =	ssyncset.done $0x0  }
0x260: {  	[sflag:s31] =	ssyncadd.s32 $0xFFFFC000  }
0x261: {  	_ =	swait.ge [sflag:s8], $0x4000  }
0x262: {  	[sflag:s8] =	ssyncset.done $0x0  }
0x263: {  	[sflag:s8] =	ssyncadd.s32 $0xFFFFC000  }
0x264: {  	[tilespmem:s10], [sflag:$0x2] =	stream.indirect.gather [hbm4b:s4+s2], $0x80, s19, s2, $0xb8;
	[tilespmem:$0x1F000] =	vst v63  }
0x265: {  	_ = 	snop  }
0x266: {  	[spmem:s1] =	stream.indirect.scatter.add.f32 [tilespmem:s6], [sflag:$0x5], $0x80, s20, s2, $0xb8;
	[tilespmem:$0x1F000] =	vst v63  }
0x267: {  	_ =	swait.ge [sflag:s31], $0x4000  }
0x268: {  	[sflag:s31] =	ssyncset.done $0x0  }
0x269: {  	[sflag:s31] =	ssyncadd.s32 $0xFFFFC000  }
0x26a: {  	_ =	swait.ge [sflag:s11], $0x4000  }
0x26b: {  	[sflag:s11] =	ssyncset.done $0x0  }
0x26c: {  	[sflag:s11] =	ssyncadd.s32 $0xFFFFC000  }
0x26d: {  	[tilespmem:s6], [sflag:$0x1] =	stream.indirect.gather [hbm4b:s4+s2], $0x80, s21, s2, $0xb8;
	[tilespmem:$0x1F000] =	vst v63  }
0x26e: {  	_ = 	snop  }
0x26f: {  	[spmem:s1] =	stream.indirect.scatter.add.f32 [tilespmem:s10], [sflag:$0x5], $0x80, s22, s2, $0xb8;
	[tilespmem:$0x1F000] =	vst v63  }
0x270: {  	_ =	swait.ge [sflag:s31], $0x4000  }
0x271: {  	[sflag:s31] =	ssyncset.done $0x0  }
0x272: {  	[sflag:s31] =	ssyncadd.s32 $0xFFFFC000  }
0x273: {  	_ =	swait.ge [sflag:s8], $0x4000  }
0x274: {  	[sflag:s8] =	ssyncset.done $0x0  }
0x275: {  	[sflag:s8] =	ssyncadd.s32 $0xFFFFC000  }
0x276: {  	[tilespmem:s10], [sflag:$0x2] =	stream.indirect.gather [hbm4b:s4+s2], $0x80, s23, s2, $0xb8;
	[tilespmem:$0x1F000] =	vst v63  }
0x277: {  	_ = 	snop  }
0x278: {  	[spmem:s1] =	stream.indirect.scatter.add.f32 [tilespmem:s6], [sflag:$0x5], $0x80, s24, s2, $0xb8;
	[tilespmem:$0x1F000] =	vst v63  }
0x279: {  	_ =	swait.ge [sflag:s31], $0x4000  }
0x27a: {  	[sflag:s31] =	ssyncset.done $0x0  }
0x27b: {  	[sflag:s31] =	ssyncadd.s32 $0xFFFFC000  }
0x27c: {  	_ =	swait.ge [sflag:s11], $0x4000  }
0x27d: {  	[sflag:s11] =	ssyncset.done $0x0  }
0x27e: {  	[sflag:s11] =	ssyncadd.s32 $0xFFFFC000  }
0x27f: {  	[tilespmem:s6], [sflag:$0x1] =	stream.indirect.gather [hbm4b:s4+s2], $0x80, s3, s2, $0xb8;
	[tilespmem:$0x1F000] =	vst v63  }
0x280: {  	s7 =	simm.s32 $0xF80  }
0x281: {  	[spmem:s1] =	stream.indirect.scatter.add.f32 [tilespmem:s10], [sflag:$0x5], $0x80, s7, s2, $0xb8;
	[tilespmem:$0x1F000] =	vst v63  }
0x282: {  	_ =	swait.ge [sflag:s31], $0x4000  }
0x283: {  	[sflag:s31] =	ssyncset.done $0x0  }
0x284: {  	[sflag:s31] =	ssyncadd.s32 $0xFFFFC000  }
0x285: {  	_ =	swait.ge [sflag:s8], $0x4000  }
0x286: {  	[sflag:s8] =	ssyncset.done $0x0  }
0x287: {  	[sflag:s8] =	ssyncadd.s32 $0xFFFFC000  }
0x288: {  	[bflag:$0x0] =	sbarrier.arrive $0xFFFF  }
0x289: {  	s12 =	rddreg [dreg:$0x16]  }
0x28a: {  	[tilespmem:s30], [sflag:$0x5] =	stream.linear.gather [spmem:s12], $0x1000, $0x38;
	[tilespmem:$0x1F000] =	vst v63  }
0x28b: {  	_ =	swait.ge [sflag:s31], $0x1000  }
0x28c: {  	[sflag:s31] =	ssyncset.done $0x0  }
0x28d: {  	s9 =	sadd.s32 $0x0, s25;
	[sflag:s31] =	ssyncadd.s32 $0xFFFFF000  }
0x28e: {  	[hbm4b:s9+s3] =	stream.linear.scatter [tilespmem:s30], [sflag:$0x4], $0x1000, $0x38;
	[tilespmem:$0x1F000] =	vst v63  }
0x28f: {  	s29 =	rddreg [dreg:$0x1a]  }
0x290: {  	[tilespmem:s26], [sflag:$0x5] =	stream.linear.gather [spmem:s29], $0x1000, $0x38;
	[tilespmem:$0x1F000] =	vst v63  }
0x291: {  	_ =	swait.ge [sflag:s31], $0x1000  }
0x292: {  	[sflag:s31] =	ssyncset.done $0x0  }
0x293: {  	s0 =	sadd.s32 $0x200, s9;
	[sflag:s31] =	ssyncadd.s32 $0xFFFFF000  }
0x294: {  	[hbm4b:s0+s3] =	stream.linear.scatter [tilespmem:s26], [sflag:$0x4], $0x1000, $0x38;
	[tilespmem:$0x1F000] =	vst v63  }
0x295: {  	_ =	swait.ge [sflag:s28], $0x1000  }
0x296: {  	[sflag:s28] =	ssyncset.done $0x0  }
0x297: {  	[sflag:s28] =	ssyncadd.s32 $0xFFFFF000  }
0x298: {  	_ =	swait.ge [sflag:s28], $0x1000  }
0x299: {  	s5 =	simm.s32 $0x400;
	s9 =	smov.u32 s12;
	[sflag:s28] =	ssyncset.done $0x0  }
.LBB2_6:
0x29a: {  	p0 =	sne.s32 s5, $0x2400;
	[sflag:s28] =	ssyncadd.s32 $0xFFFFF000;
	s9 =	sadd.s32 $0x2000, s9  }
0x29b: {  	[tilespmem:s30], [sflag:$0x5] =	stream.linear.gather [spmem:s9], $0x1000, $0x38;
	[tilespmem:$0x1F000] =	vst v63  }
0x29c: {  	s0 =	smov.u32 s5;
	s5 =	sadd.s32 $0x400, s5;
	_ =	swait.ge [sflag:s31], $0x1000  }
0x29d: {  	[sflag:s31] =	ssyncset.done $0x0  }
0x29e: {  	s0 =	sadd.s32 s0, s25;
	[sflag:s31] =	ssyncadd.s32 $0xFFFFF000  }
0x29f: {  	[hbm4b:s0+s3] =	stream.linear.scatter [tilespmem:s30], [sflag:$0x4], $0x1000, $0x38;
	[tilespmem:$0x1F000] =	vst v63  }
0x2a0: {  	s7 =	sadd.s32 $0x1000, s9  }
0x2a1: {  	[tilespmem:s26], [sflag:$0x5] =	stream.linear.gather [spmem:s7], $0x1000, $0x38;
	[tilespmem:$0x1F000] =	vst v63  }
0x2a2: {  	_ =	swait.ge [sflag:s31], $0x1000  }
0x2a3: {  	[sflag:s31] =	ssyncset.done $0x0  }
0x2a4: {  	s0 =	sadd.s32 $0x200, s0;
	[sflag:s31] =	ssyncadd.s32 $0xFFFFF000  }
0x2a5: {  	[hbm4b:s0+s3] =	stream.linear.scatter [tilespmem:s26], [sflag:$0x4], $0x1000, $0x38;
	[tilespmem:$0x1F000] =	vst v63  }
.Ltmp2:
0x2a6: {  	_ =	swait.ge [sflag:s28], $0x1000;
	(pc) =	sbr.rel @p0 .LBB2_6-.Ltmp2, $4  }
0x2a7: {  	[sflag:s28] =	ssyncset.done $0x0  }
0x2a8: {  	[sflag:s28] =	ssyncadd.s32 $0xFFFFF000  }
0x2a9: {  	_ =	swait.ge [sflag:s28], $0x1000  }
0x2aa: {  	[sflag:s28] =	ssyncset.done $0x0  }
0x2ab: {  	s5 =	sld [smem:$0x7F0];
	_ =	sdelay $0x2  }
0x2ac: {  	s0 =	rddreg [dreg:$0x19];
	s5 =	sadd.s32 $0x1, s5  }
0x2ad: {  	p0 =	sne.s32 s5, s0  }
.Ltmp3:
0x2ae: {  	_ = 	snop;
	(pc) =	sbr.rel @p0 .LBB2_1-.Ltmp3, $2  }
0x2af: {  	_ =	sdelay $0x2  }
0x2b0: {  	[sflag:s28] =	ssyncadd.s32 $0xFFFFF000  }
0x2b1: {  	_ =	sfence.sel $0x180000  }
0x2b2: {  	[bflag:$0x0] =	sbarrier.arrive $0xFFFF  }
0x2b3: {  	_ =	strace $0x9000004D  }
0x2b4: {  	s0 =	stileid.u32;
	[bflag:$0x2] =	sbarrier.arrive $0xFFFF  }
0x2b5: {  	p0 =	sne.s32 s0, $0x0;
	s0 =	rddreg [dreg:$0x3]  }
0x2b6: {  	s0 =	sadd.s32 @!p0 $0x100000, s0  }
0x2b7: {  	[sflag:s0] =	ssyncadd.tile.s32 @!p0 $0x1;
	_ =	shalt  }
.Lfunc_end2:
_tile_overlayer_lowered:
.L_overlay_start_2:
0x2b8: {  	(tag) =	ssettag $0x2  }
0x2b9: {  	s0 =	rddreg [dreg:$0x0];
	s2 =	stileid.u32  }
0x2ba: {  	s1 =	rddreg [dreg:$0x1];
	p0 =	sne.s32 s2, $0x0  }
0x2bb: {  	s3 =	rddreg [dreg:$0x2];
	[bflag:$0x3] =	sbarrier.arrive $0xFFFF;
	s2 =	simm.s32 @!p0 $0x1C05  }
0x2bc: {  	[timem:s3], [sflag:s2] =	dma.local @!p0 [hbm:s0], s1  }
0x2bd: {  	s0 =	simm.s32 @!p0 $0x5  }
0x2be: {  	_ =	swait.ge @!p0 [sflag:s0], s1  }
0x2bf: {  	s1 =	ssub.s32 @!p0 $0x0, s1;
	[sflag:s0] =	ssyncset.done @!p0 $0x0  }
0x2c0: {  	[sflag:s0] =	ssyncadd.s32 @!p0 s1  }
0x2c1: {  	[bflag:$0x3] =	sbarrier.arrive $0xFFFF  }
0x2c2: {  	_ =	shalt  }

// kernel: kernel.8.cloned.1.call-start
scs
__scs_entry_jumppad:
0x0: {  	(pc) =	sbr.rel $0x88, $3  }
0x1: {  	(tag) =	ssettag $0x0;
	lr =	simm.s32 $0x1  }
0x2: {  	[smem:$0x3F98] =	sst lr;
	_ =	strace $0xD0000000  }
0x3: {  	_ = 	snop  }
0x4: {  	_ = 	snop  }
0x5: {  	_ = 	snop  }
0x6: {  	_ = 	snop  }
0x7: {  	_ = 	snop  }
__scs_overlays_trampoline_lowered:
0x8: {  	[smem:$0x3FA7] =	sst s0  }
0x9: {  	[smem:$0x3FA8] =	sst s1  }
0xa: {  	[smem:$0x3FA9] =	sst s2  }
0xb: {  	[smem:$0x3FAA] =	sst s3  }
0xc: {  	[smem:$0x3FAB] =	sst s4  }
0xd: {  	[smem:$0x3FAC] =	sst s5  }
0xe: {  	[smem:$0x3FAD] =	sst s6  }
0xf: {  	[smem:$0x3FAE] =	sst s7  }
0x10: {  	[smem:$0x3FAF] =	sst s8  }
0x11: {  	[smem:$0x3FB0] =	sst s9;
	s0 =	simm.s32 @!p0 $0x0  }
0x12: {  	s1 =	sld [smem:$0x3F96];
	s0 =	simm.s32 @p0 $0x1  }
0x13: {  	[smem:$0x3FB1] =	sst s0;
	s0 =	simm.s32 @!p1 $0x0  }
0x14: {  	s2 =	sld [smem:$0x3F95];
	s0 =	simm.s32 @p1 $0x1  }
0x15: {  	[smem:$0x3FB2] =	sst s0;
	s0 =	simm.s32 @!p2 $0x0  }
0x16: {  	s3 =	sld [smem:$0x3FDB];
	s0 =	simm.s32 @p2 $0x1  }
0x17: {  	s4 =	simm.s32 $0x1BF5;
	[smem:$0x3FB4] =	sst s0  }
0x18: {  	s0 =	sld [smem:$0x3F97];
	_ =	swait.ge [sflag:s4], $0x0  }
0x19: {  	s7 =	sld [smem:$0x3F98]  }
0x1a: {  	s8 =	sadd.s32 $0xFFFFE003, lr  }
0x1b: {  	s9 =	sadd.s32 $0xFFFFFEF7, lr;
	s5 =	simm.s32 $0xFFFFFFFF;
	p2 =	slt.u32 s8, $0xFFFFF086  }
0x1c: {  	p1 =	slt.u32 s9, $0xF7A;
	s5 =	simm.s32 @!p2 $0x0  }
0x1d: {  	s5 =	simm.s32 @p1 $0x1;
	p0 =	seq.s32 s7, s2  }
0x1e: {  	s7 =	smul.u32 @!p0 $0xF7A, s2;
	p2 =	seq.s32 @!p0 s5, $0x0  }
0x1f: {  	s9 =	smul.u32 $0xF7A, s1;
	s8 =	simm.s32 @!p0 $0x1BF5;
	p2 =	por !p2, p0  }
0x20: {  	[sflag:s8] =	ssyncset.s32 @!p0 $0xFFFFF086;
	s6 =	sadd.s32 @!p0 s3, s7;
	s7 =	simm.s32 @!p0 $0x108  }
0x21: {  	s3 =	sadd.s32 s3, s9;
	s6 =	sadd.s32 @!p0 $0x88, s6;
	s7 =	simm.s32 @p2 $0x1082  }
0x22: {  	[simem:s7], [sflag:s8] =	dma.local @!p0 [hbm:s6], $0xF7A  }
0x23: {  	s9 =	sor.u32 $0xD0000000, s2;
	s6 =	simm.s32 $0x108;
	_ =	swait.ge @!p0 [sflag:s8], $0x0  }
0x24: {  	s3 =	sadd.s32 $0x88, s3;
	s6 =	simm.s32 @!p1 $0x1082;
	[sflag:s4] =	ssyncset.s32 $0xFFFFF086  }
0x25: {  	[simem:s6], [sflag:s4] =	dma.local [hbm:s3], $0xF7A  }
0x26: {  	[smem:$0x3F98] =	sst s1;
	(tag) =	ssettag s2;
	_ =	strace s9  }
0x27: {  	s1 =	sld [smem:$0x3FA8]  }
0x28: {  	s2 =	sld [smem:$0x3FA9]  }
0x29: {  	s4 =	sld [smem:$0x3FAB]  }
0x2a: {  	p0 =	seq.s32 s5, $0x0;
	s5 =	sld [smem:$0x3FAC]  }
0x2b: {  	s6 =	sld [smem:$0x3FAD]  }
0x2c: {  	s7 =	sld [smem:$0x3FAE]  }
0x2d: {  	s3 =	simm.s32 $0x108;
	s8 =	sld [smem:$0x3FAF]  }
0x2e: {  	s3 =	simm.s32 @!p0 $0x1082;
	s9 =	sld [smem:$0x3FB0]  }
0x2f: {  	lr =	sadd.s32 s0, s3;
	s0 =	sld [smem:$0x3FA7]  }
0x30: {  	s3 =	sld [smem:$0x3FAA]  }
0x31: {  	[smem:$0x3FB3] =	sst s10  }
0x32: {  	s10 =	sld [smem:$0x3FB1];
	_ =	sdelay $0x3  }
0x33: {  	p0 =	seq.s32 s10, $0x1;
	s10 =	sld [smem:$0x3FB3];
	_ =	sdelay $0x3  }
0x34: {  	[smem:$0x3FB3] =	sst s10  }
0x35: {  	s10 =	sld [smem:$0x3FB2];
	_ =	sdelay $0x3  }
0x36: {  	p1 =	seq.s32 s10, $0x1;
	s10 =	sld [smem:$0x3FB3];
	_ =	sdelay $0x3  }
0x37: {  	[smem:$0x3FB3] =	sst s10  }
0x38: {  	s10 =	sld [smem:$0x3FB4]  }
0x39: {  	_ = 	snop;
	(pc) =	sbr.ind lr, $3  }
0x3a: {  	_ = 	snop  }
0x3b: {  	_ = 	snop  }
0x3c: {  	p2 =	seq.s32 s10, $0x1;
	s10 =	sld [smem:$0x3FB3]  }
0x3d: {  	_ =	shalt  }
0x3e: {  	_ =	shalt  }
0x3f: {  	_ =	shalt  }
0x40: {  	_ =	shalt  }
0x41: {  	_ =	shalt  }
0x42: {  	_ =	shalt  }
0x43: {  	_ =	shalt  }
0x44: {  	_ =	shalt  }
0x45: {  	_ =	shalt  }
0x46: {  	_ =	shalt  }
0x47: {  	_ =	shalt  }
0x48: {  	_ =	shalt  }
0x49: {  	_ =	shalt  }
0x4a: {  	_ =	shalt  }
0x4b: {  	_ =	shalt  }
0x4c: {  	_ =	shalt  }
0x4d: {  	_ =	shalt  }
0x4e: {  	_ =	shalt  }
0x4f: {  	_ =	shalt  }
0x50: {  	_ =	shalt  }
0x51: {  	_ =	shalt  }
0x52: {  	_ =	shalt  }
0x53: {  	_ =	shalt  }
0x54: {  	_ =	shalt  }
0x55: {  	_ =	shalt  }
0x56: {  	_ =	shalt  }
0x57: {  	_ =	shalt  }
0x58: {  	_ =	shalt  }
0x59: {  	_ =	shalt  }
0x5a: {  	_ =	shalt  }
0x5b: {  	_ =	shalt  }
0x5c: {  	_ =	shalt  }
0x5d: {  	_ =	shalt  }
0x5e: {  	_ =	shalt  }
0x5f: {  	_ =	shalt  }
0x60: {  	_ =	shalt  }
0x61: {  	_ =	shalt  }
0x62: {  	_ =	shalt  }
0x63: {  	_ =	shalt  }
0x64: {  	_ =	shalt  }
0x65: {  	_ =	shalt  }
0x66: {  	_ =	shalt  }
0x67: {  	_ =	shalt  }
0x68: {  	_ =	shalt  }
0x69: {  	_ =	shalt  }
0x6a: {  	_ =	shalt  }
0x6b: {  	_ =	shalt  }
0x6c: {  	_ =	shalt  }
0x6d: {  	_ =	shalt  }
0x6e: {  	_ =	shalt  }
0x6f: {  	_ =	shalt  }
0x70: {  	_ =	shalt  }
0x71: {  	_ =	shalt  }
0x72: {  	_ =	shalt  }
0x73: {  	_ =	shalt  }
0x74: {  	_ =	shalt  }
0x75: {  	_ =	shalt  }
0x76: {  	_ =	shalt  }
0x77: {  	_ =	shalt  }
0x78: {  	_ =	shalt  }
0x79: {  	_ =	shalt  }
0x7a: {  	_ =	shalt  }
0x7b: {  	_ =	shalt  }
0x7c: {  	_ =	shalt  }
0x7d: {  	_ =	shalt  }
0x7e: {  	_ =	shalt  }
0x7f: {  	_ =	shalt  }
0x80: {  	_ =	shalt  }
0x81: {  	_ =	shalt  }
0x82: {  	_ =	shalt  }
0x83: {  	_ =	shalt  }
0x84: {  	_ =	shalt  }
0x85: {  	_ =	shalt  }
0x86: {  	_ =	shalt  }
0x87: {  	_ =	shalt  }
.Lfunc_end0:
.L_simem_size_0:
called_computation_lowered:
.L_overlay_start_0:
0x88: {  	s2 =	sld [smem:$0x3FD9]  }
0x89: {  	s3 =	sld [smem:$0x3FFE];
	_ =	sdelay $0x1  }
0x8a: {  	s1 =	srdreg.scid  }
0x8b: {  	s0 =	sand.u32 $0x1, s1  }
0x8c: {  	s16 =	sshll.u32 s0, $0xA;
	s2 =	sadd.s32 s3, s2  }
0x8d: {  	s2 =	sadd.s32 s2, s16  }
0x8e: {  	[smem:$0x3FBF] =	sst s2  }
0x8f: {  	_ = 	snop  }
0x90: {  	(tm) =	ssettm $0x1  }
0x91: {  	s17 =	sld [smem:$0x3FFB];
	_ =	sdelay $0x3  }
0x92: {  	_ =	strace s17  }
0x93: {  	s2 =	sld [smem:$0x3FFC];
	_ =	sdelay $0x3  }
0x94: {  	_ =	strace s2  }
0x95: {  	s2 =	sld [smem:$0x3FFD];
	_ =	sdelay $0x3  }
0x96: {  	_ =	strace s2  }
0x97: {  	_ =	strace $0x8FFFFFFF  }
0x98: {  	s18 =	sld [smem:$0x3FDB];
	_ =	sdelay $0x1  }
0x99: {  	s19 =	simm.s32 $_scs_section_size  }
0x9a: {  	s4 =	simm.s32 $_size__tile_overlayer_lowered;
	s5 =	simm.s32 $_tile_overlayer_lowered  }
0x9b: {  	s22 =	simm.s32 $0x1BFF;
	s21 =	sshll.u32 s5, $0x1;
	s2 =	sadd.s32 s19, s18  }
0x9c: {  	s6 =	simm.s32 $0x0;
	s20 =	sshll.u32 s4, $0x1;
	s4 =	sadd.s32 s21, s2  }
0x9d: {  	[timem:s6], [sflag:s22] =	dma.local [hbm:s4], s20  }
0x9e: {  	_ =	swait.ge [sflag:s22], s20  }
0x9f: {  	s3 =	ssub.s32 $0x0, s20;
	[sflag:s22] =	ssyncset.done $0x0  }
0xa0: {  	[sflag:s22] =	ssyncadd.s32 s3;
	_ =	sdelay $0x1  }
0xa1: {  	s23 =	simm.s32 $0x1B8B  }
0xa2: {  	_ =	swait.ge [sflag:s23], $0x1  }
0xa3: {  	[sflag:s23] =	ssyncset.done $0x0  }
0xa4: {  	s25 =	simm.s32 $0x1B8E;
	s24 =	sld [smem:$0x3FFE];
	[sflag:s23] =	ssyncadd.s32 $0xFFFFFFFF  }
0xa5: {  	s26 =	simm.s32 $execute0_lowered;
	[smem:$0x3FD2] =	sst s25  }
0xa6: {  	s4 =	sshll.u32 s26, $0x1;
	_ =	strace $0x80000046;
	[dreg:$0x1] =	wrdreg $0xFFFFFFFF  }
0xa7: {  	s28 =	simm.s32 $_size_execute0_lowered;
	s2 =	sadd.s32 s2, s4;
	[dreg:$0x0] =	wrdreg $0x0  }
0xa8: {  	s4 =	sshll.u32 s28, $0x1;
	[dreg:$0x2] =	wrdreg s2  }
0xa9: {  	[dreg:$0x3] =	wrdreg s4  }
0xaa: {  	[dreg:$0x4] =	wrdreg $0xC0  }
0xab: {  	_ =	task [dreg:s6], $0x5FFFF  }
0xac: {  	[dreg:$0x1] =	wrdreg $0xFFFFFFFF  }
0xad: {  	[dreg:$0x0] =	wrdreg $0x60  }
0xae: {  	[dreg:$0x2] =	wrdreg s24  }
0xaf: {  	[dreg:$0x3] =	wrdreg $0x53000  }
0xb0: {  	[dreg:$0x4] =	wrdreg $0x9  }
0xb1: {  	_ =	task.clear_ibuf [dreg:s6], $0x5FFFF;
	_ =	strace $0x90000046  }
0xb2: {  	s29 =	simm.s32 $0x9;
	_ =	strace $0x80000048  }
0xb3: {  	_ =	swait.ge [sflag:s29], $0x1  }
0xb4: {  	[sflag:s29] =	ssyncadd.s32 $0xFFFFFFFF  }
0xb5: {  	_ =	strace $0x90000048  }
0xb6: {  	_ =	sfence  }
0xb7: {  	s30 =	sld [smem:$0x0];
	_ =	sdelay $0x2  }
0xb8: {  	s31 =	sshll.u32 s1, $0xD;
	s1 =	sshrl.u32 s1, $0x2  }
0xb9: {  	s3 =	sand.u32 $0x4000, s31;
	s1 =	sadd.s32 s1, s30  }
0xba: {  	s0 =	sor.u32 s3, s0;
	s1 =	sshll.u32 s1, $0x11  }
0xbb: {  	s0 =	sor.u32 s1, s0  }
0xbc: {  	s0 =	sadd.s32 $0x8F2B, s0  }
0xbd: {  	[sflag:s0] =	ssyncadd.remote.s32 $0x1  }
0xbe: {  	_ =	sfence.sel $0xFFFF  }
0xbf: {  	[dreg:$0x0] =	wrdreg $0xFFFFFFFF;
	(pc) =	sbr.abs _section_cstart, $3  }
0xc0: {  	[dreg:$0x1] =	wrdreg $0xFFFFFFFF  }
0xc1: {  	_ =	task.clear_ibuf [dreg:s6], $0x2FFFF;
	_ =	strace $0x9FFFFFFF  }
0xc2: {  	(tm) =	ssettm $0x7FFFFFFF  }
0xc3: {  	_ =	shalt  }
tec
execute0_lowered:
.L_overlay_start_1:
0x0: {  	(tag) =	ssettag $0x1  }
0x1: {  	s0 =	srdreg.scid;
	s4 =	rddreg [dreg:$0x0]  }
0x2: {  	s11 =	stileid.u32;
	s1 =	rddreg [dreg:$0x1];
	s2 =	simm.s32 $0x0  }
0x3: {  	s9 =	simm.s32 $0x80;
	s3 =	sand.u32 $0x1, s0;
	s0 =	rddreg [dreg:$0x2]  }
0x4: {  	s10 =	simm.s32 $0x2800;
	[smem:$0x7FF] =	sst s2;
	s7 =	smul.u32 $0xA00, s11  }
0x5: {  	p0 =	sne.s32 s11, $0x0;
	s5 =	sshll.u32 s3, $0x4;
	s3 =	ssub.s32 $0x2, s3  }
0x6: {  	_ =	strace $0x80000047;
	s6 =	sor.u32 s11, s5;
	s8 =	sshrl.u32 s3, $0x1  }
0x7: {  	s7 =	sshrl.u32 s7, $0x2;
	s5 =	sadd.s32 s5, s4;
	s6 =	smul.u32 $0x500, s6  }
0x8: {  	s11 =	simm.s32 $0x0;
	s8 =	ssub.s32 s3, s8;
	s3 =	sadd.s32 s7, s1  }
0x9: {  	s5 =	sadd.s32 $0xD600, s5;
	s7 =	simm.s32 $0x2880;
	s6 =	sadd.s32 s6, s4  }
0xa: {  	v0 =	vimm.f32 $0.0e+00;
	v1 =	vimm.f32 $1.000000000e+00;
	s4 =	sadd.s32 $0x3600, s6;
	s6 =	smax.u32 s8, $0x1;
	s8 =	simm.s32 $0x1  }
.LBB2_1:
0xb: {  	[tilespmem:$0x2880] =	vst v0  }
0xc: {  	[tilespmem:$0x2890] =	vst v0  }
0xd: {  	[tilespmem:$0x28A0] =	vst v0  }
0xe: {  	[tilespmem:$0x28B0] =	vst v0  }
0xf: {  	[tilespmem:$0x28C0] =	vst v0  }
0x10: {  	[tilespmem:$0x28D0] =	vst v0  }
0x11: {  	[tilespmem:$0x28E0] =	vst v0  }
0x12: {  	[tilespmem:$0x28F0] =	vst v0  }
0x13: {  	[tilespmem:$0x2900] =	vst v0  }
0x14: {  	[tilespmem:$0x2910] =	vst v0  }
0x15: {  	[tilespmem:$0x2920] =	vst v0  }
0x16: {  	[tilespmem:$0x2930] =	vst v0  }
0x17: {  	[tilespmem:$0x2940] =	vst v0  }
0x18: {  	[tilespmem:$0x2950] =	vst v0  }
0x19: {  	[tilespmem:$0x2960] =	vst v0  }
0x1a: {  	[tilespmem:$0x2970] =	vst v0  }
0x1b: {  	[tilespmem:$0x2980] =	vst v0  }
0x1c: {  	[tilespmem:$0x2990] =	vst v0  }
0x1d: {  	[tilespmem:$0x29A0] =	vst v0  }
0x1e: {  	[tilespmem:$0x29B0] =	vst v0  }
0x1f: {  	[tilespmem:$0x29C0] =	vst v0  }
0x20: {  	[tilespmem:$0x29D0] =	vst v0  }
0x21: {  	[tilespmem:$0x29E0] =	vst v0  }
0x22: {  	[tilespmem:$0x29F0] =	vst v0  }
0x23: {  	[tilespmem:$0x2A00] =	vst v0  }
0x24: {  	[tilespmem:$0x2A10] =	vst v0  }
0x25: {  	[tilespmem:$0x2A20] =	vst v0  }
0x26: {  	[tilespmem:$0x2A30] =	vst v0  }
0x27: {  	[tilespmem:$0x2A40] =	vst v0  }
0x28: {  	[tilespmem:$0x2A50] =	vst v0  }
0x29: {  	[tilespmem:$0x2A60] =	vst v0  }
0x2a: {  	[tilespmem:$0x2A70] =	vst v0  }
0x2b: {  	[tilespmem:$0x2A80] =	vst v0  }
0x2c: {  	[tilespmem:$0x2A90] =	vst v0  }
0x2d: {  	[tilespmem:$0x2AA0] =	vst v0  }
0x2e: {  	[tilespmem:$0x2AB0] =	vst v0  }
0x2f: {  	[tilespmem:$0x2AC0] =	vst v0  }
0x30: {  	[tilespmem:$0x2AD0] =	vst v0  }
0x31: {  	[tilespmem:$0x2AE0] =	vst v0  }
0x32: {  	[tilespmem:$0x2AF0] =	vst v0  }
0x33: {  	[tilespmem:$0x2800] =	vst v1  }
0x34: {  	[tilespmem:$0x2810] =	vst v1  }
0x35: {  	[tilespmem:$0x2820] =	vst v1  }
0x36: {  	[tilespmem:$0x2830] =	vst v1  }
0x37: {  	[tilespmem:$0x2840] =	vst v1  }
0x38: {  	[tilespmem:$0x2850] =	vst v1  }
0x39: {  	[tilespmem:$0x2860] =	vst v1  }
0x3a: {  	[tilespmem:$0x2870] =	vst v1  }
0x3b: {  	[spmem:s3] =	stream.linear.scatter [tilespmem:s7], [sflag:$0x1], $0x280, $0x38;
	[tilespmem:$0x5580] =	vst v63  }
0x3c: {  	_ =	swait.ge [sflag:s8], $0x280  }
0x3d: {  	[sflag:s8] =	ssyncset.done $0x0  }
0x3e: {  	[sflag:s8] =	ssyncadd.s32 $0xFFFFFD80  }
0x3f: {  	[tilespmem:s2], [sflag:$0x1] =	stream.linear.gather [hbm4b:s4+s2], $0x2800, $0x38;
	[tilespmem:$0x5580] =	vst v63  }
0x40: {  	_ =	swait.ge [sflag:s8], $0x2800  }
0x41: {  	[sflag:s8] =	ssyncset.done $0x0  }
0x42: {  	[sflag:s8] =	ssyncadd.s32 $0xFFFFD800  }
0x43: {  	s12 =	simm.s32 $0x0;
	[bflag:$0x0] =	sbarrier.arrive $0xFFFF  }
0x44: {  	[spmem:s1] =	stream.indirect.scatter.add.f32 [tilespmem:s10], [sflag:$0x1], $0x1, s12, s9, $0xb8;
	[tilespmem:$0x5580] =	vst v63  }
0x45: {  	_ =	swait.ge [sflag:s8], $0x80  }
0x46: {  	s12 =	simm.s32 $0x200;
	[sflag:s8] =	ssyncset.done $0x0  }
.LBB2_2:
0x47: {  	s13 =	sshra.s32 s12, $0x2;
	[sflag:s8] =	ssyncadd.s32 $0xFFFFFF80;
	p1 =	sne.s32 s12, $0x9E00  }
0x48: {  	[spmem:s1] =	stream.indirect.scatter.add.f32 [tilespmem:s10], [sflag:$0x1], $0x1, s13, s9, $0xb8;
	[tilespmem:$0x5580] =	vst v63  }
.Ltmp0:
0x49: {  	_ = 	snop;
	(pc) =	sbr.rel @p1 .LBB2_2-.Ltmp0, $4  }
0x4a: {  	_ = 	snop  }
0x4b: {  	s12 =	sadd.s32 $0x200, s12  }
0x4c: {  	_ =	swait.ge [sflag:s8], $0x80  }
0x4d: {  	[sflag:s8] =	ssyncset.done $0x0  }
0x4e: {  	[sflag:s8] =	ssyncadd.s32 $0xFFFFFF80  }
0x4f: {  	s12 =	simm.s32 @!p0 $0x2B00;
	s13 =	simm.s32 @!p0 $0x1;
	[bflag:$0x0] =	sbarrier.arrive $0xFFFF  }
0x50: {  	[tilespmem:s12], [sflag:$0x1] =	stream.linear.gather @!p0 [spmem:s1], $0x2800, $0x38;
	[tilespmem:$0x5580] =	vst v63  }
0x51: {  	s11 =	sadd.s32 $0x1, s11;
	_ =	swait.ge @!p0 [sflag:s13], $0x2800  }
0x52: {  	s14 =	simm.s32 @!p0 $0x80;
	p1 =	sne.s32 s11, s6;
	[sflag:s13] =	ssyncset.done @!p0 $0x0  }
.Ltmp1:
0x53: {  	s15 =	simm.s32 @!p0 $0x100;
	[sflag:s13] =	ssyncadd.s32 @!p0 $0xFFFFD800;
	(pc) =	sbr.rel @p1 .LBB2_1-.Ltmp1, $4  }
0x54: {  	[hbm4b:s5+s14] =	stream.strided.scatter @!p0 [tilespmem:s12], [sflag:$0x1], $0x2800, s15, s14, $0x38;
	[tilespmem:$0x5580] =	vst v63  }
0x55: {  	_ =	swait.ge @!p0 [sflag:s13], $0x2800  }
0x56: {  	[sflag:s13] =	ssyncset.done @!p0 $0x0  }
0x57: {  	[sflag:s13] =	ssyncadd.s32 @!p0 $0xFFFFD800  }
0x58: {  	_ =	sfence.sel $0x180000  }
0x59: {  	[bflag:$0x0] =	sbarrier.arrive $0xFFFF  }
0x5a: {  	_ =	strace $0x90000047  }
0x5b: {  	s0 =	sadd.s32 @!p0 $0x100000, s0;
	[bflag:$0x2] =	sbarrier.arrive $0xFFFF  }
0x5c: {  	[sflag:s0] =	ssyncadd.tile.s32 @!p0 $0x1;
	_ =	shalt  }
.Lfunc_end2:
_tile_overlayer_lowered:
.L_overlay_start_2:
0x5d: {  	(tag) =	ssettag $0x2  }
0x5e: {  	s0 =	rddreg [dreg:$0x0];
	s2 =	stileid.u32  }
0x5f: {  	s1 =	rddreg [dreg:$0x1];
	p0 =	sne.s32 s2, $0x0  }
0x60: {  	s3 =	rddreg [dreg:$0x2];
	[bflag:$0x3] =	sbarrier.arrive $0xFFFF;
	s2 =	simm.s32 @!p0 $0x1C01  }
0x61: {  	[timem:s3], [sflag:s2] =	dma.local @!p0 [hbm:s0], s1  }
0x62: {  	s0 =	simm.s32 @!p0 $0x1  }
0x63: {  	_ =	swait.ge @!p0 [sflag:s0], s1  }
0x64: {  	s1 =	ssub.s32 @!p0 $0x0, s1;
	[sflag:s0] =	ssyncset.done @!p0 $0x0  }
0x65: {  	[sflag:s0] =	ssyncadd.s32 @!p0 s1  }
0x66: {  	[bflag:$0x3] =	sbarrier.arrive $0xFFFF  }
0x67: {  	_ =	shalt  }

</sc_bundles>
